<compile_context>
chip_gen: v7x
topology: tpu7x:2x2x1
jax: 0.10.2.dev20260603
libtpu: 0.0.44.dev20260713+nightly
codegen_flags: <defaults>
</compile_context>

<pallas_src>
import functools

import jax
import jax.numpy as jnp
from jax import lax
from jax.experimental import pallas as pl
from jax.experimental.pallas import tpu as pltpu
from jax.experimental.pallas import tpu_sc as plsc

_NC = 2
_NS = 16
_NW = _NC * _NS
_LANES = 16
_BLK = 48
_NSLOT = 6


@functools.partial(jax.jit, static_argnames=("n", "d", "b_total"))
def _sc_gather(features, idx_flat, n, d, b_total):
    rows_per_w = b_total // _NW
    n_full = rows_per_w // _BLK
    rem = rows_per_w - n_full * _BLK
    assert rows_per_w % _LANES == 0
    idx_pad = rows_per_w
    rows_pad = n + 1
    stripe = (n // _NS) // 8 * 8

    mesh = plsc.VectorSubcoreMesh(
        core_axis_name="c", subcore_axis_name="s",
        num_cores=_NC, num_subcores=_NS)

    @functools.partial(
        pl.kernel,
        out_type=jax.ShapeDtypeStruct((b_total, d), jnp.float32),
        mesh=mesh,
        scratch_types=[
            pltpu.VMEM((idx_pad,), jnp.int32),
            pltpu.VMEM((_NSLOT, _BLK, d), jnp.float32),
            pltpu.VMEM_SHARED((rows_pad, d), jnp.float32),
            [pltpu.SemaphoreType.DMA] * _NSLOT,
            [pltpu.SemaphoreType.DMA] * _NSLOT,
            pltpu.SemaphoreType.DMA,
        ],
    )
    def body(feat_hbm, idx_hbm, out_hbm, idx_v, rows_v, shared, gsems,
             ssems, isem):
        sid = lax.axis_index("s")
        wid = sid * _NC + lax.axis_index("c")

        idx_cp = pltpu.async_copy(
            idx_hbm.at[pl.ds(wid * rows_per_w, rows_per_w)],
            idx_v.at[pl.ds(0, rows_per_w)], isem)

        stage_base = sid * stripe
        chunks = []
        off = 0
        while off < stripe:
            size = min(_BLK, stripe - off)
            chunks.append((off, size))
            off += size
        hin = {}
        for c in range(min(2, len(chunks))):
            coff, csize = chunks[c]
            hin[c] = pltpu.async_copy(
                feat_hbm.at[pl.ds(stage_base + coff, csize)],
                rows_v.at[c].at[pl.ds(0, csize)], gsems[c])

        idx_cp.wait()
        zi16 = jnp.zeros((_LANES,), jnp.int32)
        for i in range(rows_per_w // _LANES, idx_pad // _LANES):
            idx_v[pl.ds(i * _LANES, _LANES)] = zi16

        @pl.loop(0, idx_pad // _LANES, unroll=8)
        def _remap(i):
            sl = pl.ds(i * _LANES, _LANES)
            v = idx_v[sl]
            idx_v[sl] = jnp.where(v < 0, n, v)

        for c, (coff, csize) in enumerate(chunks):
            slot = c % 2
            hin[c].wait()
            hout = pltpu.async_copy(
                rows_v.at[slot].at[pl.ds(0, csize)],
                shared.at[pl.ds(stage_base + coff, csize)], ssems[slot])
            hout.wait()
            if c + 2 < len(chunks):
                noff, nsize = chunks[c + 2]
                hin[c + 2] = pltpu.async_copy(
                    feat_hbm.at[pl.ds(stage_base + noff, nsize)],
                    rows_v.at[slot].at[pl.ds(0, nsize)], gsems[slot])

        leftover = n - _NS * stripe
        assert leftover >= 0 and leftover % 8 == 0 and leftover <= _BLK
        zeros16 = jnp.zeros((_LANES,), jnp.float32)

        @pl.when(sid == 0)
        def _stage_tail():
            if leftover:
                pltpu.sync_copy(
                    feat_hbm.at[pl.ds(_NS * stripe, leftover)],
                    rows_v.at[0].at[pl.ds(0, leftover)])
                pltpu.sync_copy(
                    rows_v.at[0].at[pl.ds(0, leftover)],
                    shared.at[pl.ds(_NS * stripe, leftover)])
            for i in range(d // _LANES):
                rows_v[0, 0, pl.ds(i * _LANES, _LANES)] = zeros16
            pltpu.sync_copy(rows_v.at[0].at[pl.ds(0, 1)],
                            shared.at[pl.ds(n, 1)])

        plsc.subcore_barrier()

        out_base = wid * rows_per_w

        def fire_gather(b, j):
            return pltpu.async_copy(
                shared.at[idx_v.at[pl.ds(b * _BLK, _BLK)]], rows_v.at[j],
                gsems[j])

        def fire_scatter(b, j):
            return pltpu.async_copy(
                rows_v.at[j], out_hbm.at[pl.ds(out_base + b * _BLK, _BLK)],
                ssems[j])

        def wait_gather(j):
            pltpu.make_async_copy(feat_hbm.at[pl.ds(0, _BLK)],
                                  rows_v.at[j], gsems[j]).wait()

        def wait_scatter(j):
            pltpu.make_async_copy(rows_v.at[j],
                                  out_hbm.at[pl.ds(0, _BLK)],
                                  ssems[j]).wait()

        assert n_full >= _NSLOT
        nb_tot = n_full + (1 if rem else 0)
        steady = (n_full // _NSLOT) * _NSLOT

        for j in range(_NSLOT):
            fire_gather(j, j)

        @pl.loop(0, n_full // _NSLOT)
        def _group(p):
            b0 = p * _NSLOT
            for j in range(_NSLOT):
                wait_gather(j)
                fire_scatter(b0 + j, j)
            for j in range(_NSLOT):
                wait_scatter(j)
                nxt = b0 + _NSLOT + j

                @pl.when(nxt < n_full)
                def _fire_next():
                    fire_gather(nxt, j)

        for b in range(steady, n_full):
            wait_gather(b % _NSLOT)
            fire_scatter(b, b % _NSLOT)
        if rem:
            j = n_full % _NSLOT
            hrem = pltpu.async_copy(
                shared.at[idx_v.at[pl.ds(n_full * _BLK, rem)]],
                rows_v.at[j].at[pl.ds(0, rem)], gsems[j])
            hrem.wait()
            pltpu.sync_copy(
                rows_v.at[j].at[pl.ds(0, rem)],
                out_hbm.at[pl.ds(out_base + n_full * _BLK, rem)])
        for b in range(steady, n_full):
            wait_scatter(b % _NSLOT)

    return body(features, idx_flat)


def kernel(features, nidx):
    n, d = features.shape
    nn, k = nidx.shape
    b_total = nn * k
    assert b_total % _NW == 0 and (b_total // _NW) % 8 == 0
    out_flat = _sc_gather(features, nidx.reshape(-1), n, d, b_total)
    return out_flat.reshape(nn, k, d)

# --- scband reference (transcript-rebuilt; emitter-appended) ---
"""Pipeline reference for scband-graph-cluster-reshape-66460323938759 (READ-ONLY COPY).

The authoritative reference and input builder live on the scoring server;
editing this copy changes nothing except your own understanding.
"""

import jax, jax.numpy as jnp
import numpy as np


def setup_inputs(seed: int = 0) -> dict:
    key = jax.random.key(seed)
    k1, k2 = jax.random.split(key)
    n_nodes = 10000
    d_feat = 128
    k_neigh = 32
    features = jax.random.normal(k1, (n_nodes, d_feat), dtype=jnp.float32)
    nidx = jax.random.randint(k2, (n_nodes, k_neigh), 0, n_nodes, dtype=jnp.int32)
    return {"features": features, "nidx": nidx}


def reference(features, nidx):
    # replace -1 (padding) neighbours with index 0
    safe_idx = jnp.where(nidx < 0, 0, nidx)          # [N, K]
    # gather_nd(features, safe_idx[..., None]) == features[safe_idx]
    gfeat = jnp.take(features, safe_idx, axis=0)      # [N, K, d]
    # zero out features gathered for padded (-1) neighbours
    out = jnp.where((nidx < 0)[..., None], jnp.zeros((), dtype=gfeat.dtype), gfeat)
    return out

if __name__ == "__main__":
    import jax
    _d = setup_inputs()
    print(jax.jit(kernel)(*tuple(_d.values())))

</pallas_src>

<mosaic_0001>
#map = affine_map<(d0, d1) -> (0, 0)>
#map1 = affine_map<(d0, d1) -> (0)>
module attributes {stable_mosaic.version = 14 : i64} {
  func.func @body(%arg0: i32, %arg1: i32, %arg2: memref<10000x128xf32, #tpu.memory_space<hbm>>, %arg3: memref<320000xi32, #tpu.memory_space<hbm>>, %arg4: memref<320000x128xf32, #tpu.memory_space<hbm>>, %arg5: memref<10000xi32, #tpu.memory_space<vmem>>, %arg6: memref<6x48x128xf32, #tpu.memory_space<vmem>>, %arg7: memref<10001x128xf32, #tpu.memory_space<vmem_shared>>, %arg8: memref<!tpu.dma_semaphore, #tpu.memory_space<semaphore_mem>>, %arg9: memref<!tpu.dma_semaphore, #tpu.memory_space<semaphore_mem>>, %arg10: memref<!tpu.dma_semaphore, #tpu.memory_space<semaphore_mem>>, %arg11: memref<!tpu.dma_semaphore, #tpu.memory_space<semaphore_mem>>, %arg12: memref<!tpu.dma_semaphore, #tpu.memory_space<semaphore_mem>>, %arg13: memref<!tpu.dma_semaphore, #tpu.memory_space<semaphore_mem>>, %arg14: memref<!tpu.dma_semaphore, #tpu.memory_space<semaphore_mem>>, %arg15: memref<!tpu.dma_semaphore, #tpu.memory_space<semaphore_mem>>, %arg16: memref<!tpu.dma_semaphore, #tpu.memory_space<semaphore_mem>>, %arg17: memref<!tpu.dma_semaphore, #tpu.memory_space<semaphore_mem>>, %arg18: memref<!tpu.dma_semaphore, #tpu.memory_space<semaphore_mem>>, %arg19: memref<!tpu.dma_semaphore, #tpu.memory_space<semaphore_mem>>, %arg20: memref<!tpu.dma_semaphore, #tpu.memory_space<semaphore_mem>>) attributes {dimension_semantics = [#tpu.dimension_semantics<core_parallel>, #tpu.dimension_semantics<subcore_parallel>], iteration_bounds = array<i64: 2, 16>, scalar_prefetch = 0 : i64, scratch_operands = 16 : i64, tpu.core_type = #tpu.core_type<sc_vector_subcore>, window_params = [{transform_indices = #map}, {transform_indices = #map1}, {transform_indices = #map}]} {
    %mul3A = arith.constant 2 : i32
    %mul3A_0 = arith.muli %arg1, %mul3A : i32
    %add3A = arith.addi %mul3A_0, %arg0 : i32
    %mul3A_1 = arith.constant 10000 : i32
    %mul3A_2 = arith.muli %add3A, %mul3A_1 : i32
    %dma_start3A = arith.constant 0 : i32
    %dma_start3A_3 = tpu.memref_slice %arg5[%dma_start3A] : memref<10000xi32, #tpu.memory_space<vmem>> -> memref<10000xi32, #tpu.memory_space<vmem>>
    %dma_start3A_4 = tpu.memref_slice %arg3[%mul3A_2] : memref<320000xi32, #tpu.memory_space<hbm>> -> memref<10000xi32, #tpu.memory_space<hbm>>
    %dma_start3A_5 = arith.constant 0 : i32
    %dma_start3A_6 = tpu.memref_slice %arg5[%dma_start3A_5] : memref<10000xi32, #tpu.memory_space<vmem>> -> memref<10000xi32, #tpu.memory_space<vmem>>
    %dma_start3A_7 = tpu.memref_slice %arg3[%mul3A_2] : memref<320000xi32, #tpu.memory_space<hbm>> -> memref<10000xi32, #tpu.memory_space<hbm>>
    tpu.enqueue_dma source(%dma_start3A_7 : memref<10000xi32, #tpu.memory_space<hbm>>) target(%dma_start3A_6 : memref<10000xi32, #tpu.memory_space<vmem>>) target_semaphore(%arg20 : memref<!tpu.dma_semaphore, #tpu.memory_space<semaphore_mem>>)
    %mul3A_8 = arith.constant 624 : i32
    %mul3A_9 = arith.muli %arg1, %mul3A_8 : i32
    %add3A_10 = arith.constant 0 : i32
    %add3A_11 = arith.addi %mul3A_9, %add3A_10 : i32
    %dma_start3A_12 = arith.constant 0 : i32
    %dma_start3A_13 = arith.constant 0 : i32
    %dma_start3A_14 = arith.constant 0 : i32
    %dma_start3A_15 = tpu.memref_slice %arg6[%dma_start3A_12, %dma_start3A_13, %dma_start3A_14] : memref<6x48x128xf32, #tpu.memory_space<vmem>> -> memref<1x48x128xf32, #tpu.memory_space<vmem>>
    %dma_start3A_16 = tpu.memref_squeeze %dma_start3A_15 : memref<1x48x128xf32, #tpu.memory_space<vmem>> -> memref<48x128xf32, #tpu.memory_space<vmem>>
    %dma_start3A_17 = arith.constant 0 : i32
    %dma_start3A_18 = arith.constant 0 : i32
    %dma_start3A_19 = tpu.memref_slice %dma_start3A_16[%dma_start3A_17, %dma_start3A_18] : memref<48x128xf32, #tpu.memory_space<vmem>> -> memref<48x128xf32, #tpu.memory_space<vmem>>
    %dma_start3A_20 = arith.constant 0 : i32
    %dma_start3A_21 = tpu.memref_slice %arg2[%add3A_11, %dma_start3A_20] : memref<10000x128xf32, #tpu.memory_space<hbm>> -> memref<48x128xf32, #tpu.memory_space<hbm>>
    %dma_start3A_22 = arith.constant 0 : i32
    %dma_start3A_23 = arith.constant 0 : i32
    %dma_start3A_24 = tpu.memref_slice %arg6[%dma_start3A_12, %dma_start3A_22, %dma_start3A_23] : memref<6x48x128xf32, #tpu.memory_space<vmem>> -> memref<1x48x128xf32, #tpu.memory_space<vmem>>
    %dma_start3A_25 = tpu.memref_squeeze %dma_start3A_24 : memref<1x48x128xf32, #tpu.memory_space<vmem>> -> memref<48x128xf32, #tpu.memory_space<vmem>>
    %dma_start3A_26 = arith.constant 0 : i32
    %dma_start3A_27 = arith.constant 0 : i32
    %dma_start3A_28 = tpu.memref_slice %dma_start3A_25[%dma_start3A_26, %dma_start3A_27] : memref<48x128xf32, #tpu.memory_space<vmem>> -> memref<48x128xf32, #tpu.memory_space<vmem>>
    %dma_start3A_29 = arith.constant 0 : i32
    %dma_start3A_30 = tpu.memref_slice %arg2[%add3A_11, %dma_start3A_29] : memref<10000x128xf32, #tpu.memory_space<hbm>> -> memref<48x128xf32, #tpu.memory_space<hbm>>
    tpu.enqueue_dma source(%dma_start3A_30 : memref<48x128xf32, #tpu.memory_space<hbm>>) target(%dma_start3A_28 : memref<48x128xf32, #tpu.memory_space<vmem>>) target_semaphore(%arg8 : memref<!tpu.dma_semaphore, #tpu.memory_space<semaphore_mem>>)
    %add3A_31 = arith.constant 48 : i32
    %add3A_32 = arith.addi %mul3A_9, %add3A_31 : i32
    %dma_start3A_33 = arith.constant 1 : i32
    %dma_start3A_34 = arith.constant 0 : i32
    %dma_start3A_35 = arith.constant 0 : i32
    %dma_start3A_36 = tpu.memref_slice %arg6[%dma_start3A_33, %dma_start3A_34, %dma_start3A_35] : memref<6x48x128xf32, #tpu.memory_space<vmem>> -> memref<1x48x128xf32, #tpu.memory_space<vmem>>
    %dma_start3A_37 = tpu.memref_squeeze %dma_start3A_36 : memref<1x48x128xf32, #tpu.memory_space<vmem>> -> memref<48x128xf32, #tpu.memory_space<vmem>>
    %dma_start3A_38 = arith.constant 0 : i32
    %dma_start3A_39 = arith.constant 0 : i32
    %dma_start3A_40 = tpu.memref_slice %dma_start3A_37[%dma_start3A_38, %dma_start3A_39] : memref<48x128xf32, #tpu.memory_space<vmem>> -> memref<48x128xf32, #tpu.memory_space<vmem>>
    %dma_start3A_41 = arith.constant 0 : i32
    %dma_start3A_42 = tpu.memref_slice %arg2[%add3A_32, %dma_start3A_41] : memref<10000x128xf32, #tpu.memory_space<hbm>> -> memref<48x128xf32, #tpu.memory_space<hbm>>
    %dma_start3A_43 = arith.constant 0 : i32
    %dma_start3A_44 = arith.constant 0 : i32
    %dma_start3A_45 = tpu.memref_slice %arg6[%dma_start3A_33, %dma_start3A_43, %dma_start3A_44] : memref<6x48x128xf32, #tpu.memory_space<vmem>> -> memref<1x48x128xf32, #tpu.memory_space<vmem>>
    %dma_start3A_46 = tpu.memref_squeeze %dma_start3A_45 : memref<1x48x128xf32, #tpu.memory_space<vmem>> -> memref<48x128xf32, #tpu.memory_space<vmem>>
    %dma_start3A_47 = arith.constant 0 : i32
    %dma_start3A_48 = arith.constant 0 : i32
    %dma_start3A_49 = tpu.memref_slice %dma_start3A_46[%dma_start3A_47, %dma_start3A_48] : memref<48x128xf32, #tpu.memory_space<vmem>> -> memref<48x128xf32, #tpu.memory_space<vmem>>
    %dma_start3A_50 = arith.constant 0 : i32
    %dma_start3A_51 = tpu.memref_slice %arg2[%add3A_32, %dma_start3A_50] : memref<10000x128xf32, #tpu.memory_space<hbm>> -> memref<48x128xf32, #tpu.memory_space<hbm>>
    tpu.enqueue_dma source(%dma_start3A_51 : memref<48x128xf32, #tpu.memory_space<hbm>>) target(%dma_start3A_49 : memref<48x128xf32, #tpu.memory_space<vmem>>) target_semaphore(%arg9 : memref<!tpu.dma_semaphore, #tpu.memory_space<semaphore_mem>>)
    %dma_wait3A = arith.constant 0 : i32
    %dma_wait3A_52 = tpu.memref_slice %arg5[%dma_wait3A] : memref<10000xi32, #tpu.memory_space<vmem>> -> memref<10000xi32, #tpu.memory_space<vmem>>
    %dma_wait3A_53 = tpu.memref_slice %arg3[%mul3A_2] : memref<320000xi32, #tpu.memory_space<hbm>> -> memref<10000xi32, #tpu.memory_space<hbm>>
    %dma_wait3A_54 = arith.constant 0 : i32
    %dma_wait3A_55 = tpu.memref_slice %arg5[%dma_wait3A_54] : memref<10000xi32, #tpu.memory_space<vmem>> -> memref<10000xi32, #tpu.memory_space<vmem>>
    %dma_wait3A_56 = tpu.memref_slice %arg3[%mul3A_2] : memref<320000xi32, #tpu.memory_space<hbm>> -> memref<10000xi32, #tpu.memory_space<hbm>>
    tpu.wait_dma2 semaphore(%arg20 : memref<!tpu.dma_semaphore, #tpu.memory_space<semaphore_mem>>) src(%dma_wait3A_56 : memref<10000xi32, #tpu.memory_space<hbm>>) dst(%dma_wait3A_55 : memref<10000xi32, #tpu.memory_space<vmem>>)
    %broadcast_in_dim3A = arith.constant 0 : i32
    %broadcast_in_dim3A_57 = vector.broadcast %broadcast_in_dim3A : i32 to vector<16xi32>
    %scan3A = arith.constant 0 : i32
    %scan3A_58 = arith.constant 624 : i32
    %scan3A_59 = arith.addi %scan3A, %scan3A_58 : i32
    %scan3A_60 = arith.constant 8 : i32
    scf.for %scan3A_1355 = %scan3A to %scan3A_59 step %scan3A_60  : i32 {
      %mul3A_1356 = arith.constant 1 : i32
      %mul3A_1357 = arith.muli %scan3A_1355, %mul3A_1356 : i32
      %add3A_1358 = arith.constant 0 : i32
      %add3A_1359 = arith.addi %add3A_1358, %mul3A_1357 : i32
      %mul3A_1360 = arith.constant 16 : i32
      %mul3A_1361 = arith.muli %add3A_1359, %mul3A_1360 : i32
      %get3A_1362 = arith.index_cast %mul3A_1361 : i32 to index
      %get3A_1363 = tpu.vector_load %arg5[%get3A_1362] {strides = array<i32>} : memref<10000xi32, #tpu.memory_space<vmem>>, vector<16xi32>,
      %get3A_1364 = vector.shape_cast %get3A_1363 : vector<16xi32> to vector<16xi32>
      %lt3A_1365 = arith.constant 0 : i32
      %lt3A_1366 = vector.broadcast %lt3A_1365 : i32 to vector<16xi32>
      %lt3A_1367 = arith.cmpi slt, %get3A_1364, %lt3A_1366 : vector<16xi32>
      %jit3A_1368 = arith.constant 10000 : i32
      %broadcast_in_dim3A_1369 = vector.broadcast %jit3A_1368 : i32 to vector<16xi32>
      %select_n3A_1370 = arith.select %lt3A_1367, %broadcast_in_dim3A_1369, %get3A_1364 : vector<16xi1>, vector<16xi32>
      %swap3A_1371 = arith.index_cast %mul3A_1361 : i32 to index
      %swap3A_1372 = tpu.vector_load %arg5[%swap3A_1371] {strides = array<i32>} : memref<10000xi32, #tpu.memory_space<vmem>>, vector<16xi32>,
      %swap3A_1373 = vector.shape_cast %swap3A_1372 : vector<16xi32> to vector<16xi32>
      %swap3A_1374 = vector.shape_cast %select_n3A_1370 : vector<16xi32> to vector<16xi32>
      tpu.vector_store %arg5[%swap3A_1371], %swap3A_1374 {strides = array<i32>} : memref<10000xi32, #tpu.memory_space<vmem>>, vector<16xi32>,
      %scan3A_1375 = arith.constant 1 : i32
      %scan3A_1376 = arith.addi %scan3A_1355, %scan3A_1375 : i32
      %mul3A_1377 = arith.constant 1 : i32
      %mul3A_1378 = arith.muli %scan3A_1376, %mul3A_1377 : i32
      %add3A_1379 = arith.constant 0 : i32
      %add3A_1380 = arith.addi %add3A_1379, %mul3A_1378 : i32
      %mul3A_1381 = arith.constant 16 : i32
      %mul3A_1382 = arith.muli %add3A_1380, %mul3A_1381 : i32
      %get3A_1383 = arith.index_cast %mul3A_1382 : i32 to index
      %get3A_1384 = tpu.vector_load %arg5[%get3A_1383] {strides = array<i32>} : memref<10000xi32, #tpu.memory_space<vmem>>, vector<16xi32>,
      %get3A_1385 = vector.shape_cast %get3A_1384 : vector<16xi32> to vector<16xi32>
      %lt3A_1386 = arith.constant 0 : i32
      %lt3A_1387 = vector.broadcast %lt3A_1386 : i32 to vector<16xi32>
      %lt3A_1388 = arith.cmpi slt, %get3A_1385, %lt3A_1387 : vector<16xi32>
      %jit3A_1389 = arith.constant 10000 : i32
      %broadcast_in_dim3A_1390 = vector.broadcast %jit3A_1389 : i32 to vector<16xi32>
      %select_n3A_1391 = arith.select %lt3A_1388, %broadcast_in_dim3A_1390, %get3A_1385 : vector<16xi1>, vector<16xi32>
      %swap3A_1392 = arith.index_cast %mul3A_1382 : i32 to index
      %swap3A_1393 = tpu.vector_load %arg5[%swap3A_1392] {strides = array<i32>} : memref<10000xi32, #tpu.memory_space<vmem>>, vector<16xi32>,
      %swap3A_1394 = vector.shape_cast %swap3A_1393 : vector<16xi32> to vector<16xi32>
      %swap3A_1395 = vector.shape_cast %select_n3A_1391 : vector<16xi32> to vector<16xi32>
      tpu.vector_store %arg5[%swap3A_1392], %swap3A_1395 {strides = array<i32>} : memref<10000xi32, #tpu.memory_space<vmem>>, vector<16xi32>,
      %scan3A_1396 = arith.constant 2 : i32
      %scan3A_1397 = arith.addi %scan3A_1355, %scan3A_1396 : i32
      %mul3A_1398 = arith.constant 1 : i32
      %mul3A_1399 = arith.muli %scan3A_1397, %mul3A_1398 : i32
      %add3A_1400 = arith.constant 0 : i32
      %add3A_1401 = arith.addi %add3A_1400, %mul3A_1399 : i32
      %mul3A_1402 = arith.constant 16 : i32
      %mul3A_1403 = arith.muli %add3A_1401, %mul3A_1402 : i32
      %get3A_1404 = arith.index_cast %mul3A_1403 : i32 to index
      %get3A_1405 = tpu.vector_load %arg5[%get3A_1404] {strides = array<i32>} : memref<10000xi32, #tpu.memory_space<vmem>>, vector<16xi32>,
      %get3A_1406 = vector.shape_cast %get3A_1405 : vector<16xi32> to vector<16xi32>
      %lt3A_1407 = arith.constant 0 : i32
      %lt3A_1408 = vector.broadcast %lt3A_1407 : i32 to vector<16xi32>
      %lt3A_1409 = arith.cmpi slt, %get3A_1406, %lt3A_1408 : vector<16xi32>
      %jit3A_1410 = arith.constant 10000 : i32
      %broadcast_in_dim3A_1411 = vector.broadcast %jit3A_1410 : i32 to vector<16xi32>
      %select_n3A_1412 = arith.select %lt3A_1409, %broadcast_in_dim3A_1411, %get3A_1406 : vector<16xi1>, vector<16xi32>
      %swap3A_1413 = arith.index_cast %mul3A_1403 : i32 to index
      %swap3A_1414 = tpu.vector_load %arg5[%swap3A_1413] {strides = array<i32>} : memref<10000xi32, #tpu.memory_space<vmem>>, vector<16xi32>,
      %swap3A_1415 = vector.shape_cast %swap3A_1414 : vector<16xi32> to vector<16xi32>
      %swap3A_1416 = vector.shape_cast %select_n3A_1412 : vector<16xi32> to vector<16xi32>
      tpu.vector_store %arg5[%swap3A_1413], %swap3A_1416 {strides = array<i32>} : memref<10000xi32, #tpu.memory_space<vmem>>, vector<16xi32>,
      %scan3A_1417 = arith.constant 3 : i32
      %scan3A_1418 = arith.addi %scan3A_1355, %scan3A_1417 : i32
      %mul3A_1419 = arith.constant 1 : i32
      %mul3A_1420 = arith.muli %scan3A_1418, %mul3A_1419 : i32
      %add3A_1421 = arith.constant 0 : i32
      %add3A_1422 = arith.addi %add3A_1421, %mul3A_1420 : i32
      %mul3A_1423 = arith.constant 16 : i32
      %mul3A_1424 = arith.muli %add3A_1422, %mul3A_1423 : i32
      %get3A_1425 = arith.index_cast %mul3A_1424 : i32 to index
      %get3A_1426 = tpu.vector_load %arg5[%get3A_1425] {strides = array<i32>} : memref<10000xi32, #tpu.memory_space<vmem>>, vector<16xi32>,
      %get3A_1427 = vector.shape_cast %get3A_1426 : vector<16xi32> to vector<16xi32>
      %lt3A_1428 = arith.constant 0 : i32
      %lt3A_1429 = vector.broadcast %lt3A_1428 : i32 to vector<16xi32>
      %lt3A_1430 = arith.cmpi slt, %get3A_1427, %lt3A_1429 : vector<16xi32>
      %jit3A_1431 = arith.constant 10000 : i32
      %broadcast_in_dim3A_1432 = vector.broadcast %jit3A_1431 : i32 to vector<16xi32>
      %select_n3A_1433 = arith.select %lt3A_1430, %broadcast_in_dim3A_1432, %get3A_1427 : vector<16xi1>, vector<16xi32>
      %swap3A_1434 = arith.index_cast %mul3A_1424 : i32 to index
      %swap3A_1435 = tpu.vector_load %arg5[%swap3A_1434] {strides = array<i32>} : memref<10000xi32, #tpu.memory_space<vmem>>, vector<16xi32>,
      %swap3A_1436 = vector.shape_cast %swap3A_1435 : vector<16xi32> to vector<16xi32>
      %swap3A_1437 = vector.shape_cast %select_n3A_1433 : vector<16xi32> to vector<16xi32>
      tpu.vector_store %arg5[%swap3A_1434], %swap3A_1437 {strides = array<i32>} : memref<10000xi32, #tpu.memory_space<vmem>>, vector<16xi32>,
      %scan3A_1438 = arith.constant 4 : i32
      %scan3A_1439 = arith.addi %scan3A_1355, %scan3A_1438 : i32
      %mul3A_1440 = arith.constant 1 : i32
      %mul3A_1441 = arith.muli %scan3A_1439, %mul3A_1440 : i32
      %add3A_1442 = arith.constant 0 : i32
      %add3A_1443 = arith.addi %add3A_1442, %mul3A_1441 : i32
      %mul3A_1444 = arith.constant 16 : i32
      %mul3A_1445 = arith.muli %add3A_1443, %mul3A_1444 : i32
      %get3A_1446 = arith.index_cast %mul3A_1445 : i32 to index
      %get3A_1447 = tpu.vector_load %arg5[%get3A_1446] {strides = array<i32>} : memref<10000xi32, #tpu.memory_space<vmem>>, vector<16xi32>,
      %get3A_1448 = vector.shape_cast %get3A_1447 : vector<16xi32> to vector<16xi32>
      %lt3A_1449 = arith.constant 0 : i32
      %lt3A_1450 = vector.broadcast %lt3A_1449 : i32 to vector<16xi32>
      %lt3A_1451 = arith.cmpi slt, %get3A_1448, %lt3A_1450 : vector<16xi32>
      %jit3A_1452 = arith.constant 10000 : i32
      %broadcast_in_dim3A_1453 = vector.broadcast %jit3A_1452 : i32 to vector<16xi32>
      %select_n3A_1454 = arith.select %lt3A_1451, %broadcast_in_dim3A_1453, %get3A_1448 : vector<16xi1>, vector<16xi32>
      %swap3A_1455 = arith.index_cast %mul3A_1445 : i32 to index
      %swap3A_1456 = tpu.vector_load %arg5[%swap3A_1455] {strides = array<i32>} : memref<10000xi32, #tpu.memory_space<vmem>>, vector<16xi32>,
      %swap3A_1457 = vector.shape_cast %swap3A_1456 : vector<16xi32> to vector<16xi32>
      %swap3A_1458 = vector.shape_cast %select_n3A_1454 : vector<16xi32> to vector<16xi32>
      tpu.vector_store %arg5[%swap3A_1455], %swap3A_1458 {strides = array<i32>} : memref<10000xi32, #tpu.memory_space<vmem>>, vector<16xi32>,
      %scan3A_1459 = arith.constant 5 : i32
      %scan3A_1460 = arith.addi %scan3A_1355, %scan3A_1459 : i32
      %mul3A_1461 = arith.constant 1 : i32
      %mul3A_1462 = arith.muli %scan3A_1460, %mul3A_1461 : i32
      %add3A_1463 = arith.constant 0 : i32
      %add3A_1464 = arith.addi %add3A_1463, %mul3A_1462 : i32
      %mul3A_1465 = arith.constant 16 : i32
      %mul3A_1466 = arith.muli %add3A_1464, %mul3A_1465 : i32
      %get3A_1467 = arith.index_cast %mul3A_1466 : i32 to index
      %get3A_1468 = tpu.vector_load %arg5[%get3A_1467] {strides = array<i32>} : memref<10000xi32, #tpu.memory_space<vmem>>, vector<16xi32>,
      %get3A_1469 = vector.shape_cast %get3A_1468 : vector<16xi32> to vector<16xi32>
      %lt3A_1470 = arith.constant 0 : i32
      %lt3A_1471 = vector.broadcast %lt3A_1470 : i32 to vector<16xi32>
      %lt3A_1472 = arith.cmpi slt, %get3A_1469, %lt3A_1471 : vector<16xi32>
      %jit3A_1473 = arith.constant 10000 : i32
      %broadcast_in_dim3A_1474 = vector.broadcast %jit3A_1473 : i32 to vector<16xi32>
      %select_n3A_1475 = arith.select %lt3A_1472, %broadcast_in_dim3A_1474, %get3A_1469 : vector<16xi1>, vector<16xi32>
      %swap3A_1476 = arith.index_cast %mul3A_1466 : i32 to index
      %swap3A_1477 = tpu.vector_load %arg5[%swap3A_1476] {strides = array<i32>} : memref<10000xi32, #tpu.memory_space<vmem>>, vector<16xi32>,
      %swap3A_1478 = vector.shape_cast %swap3A_1477 : vector<16xi32> to vector<16xi32>
      %swap3A_1479 = vector.shape_cast %select_n3A_1475 : vector<16xi32> to vector<16xi32>
      tpu.vector_store %arg5[%swap3A_1476], %swap3A_1479 {strides = array<i32>} : memref<10000xi32, #tpu.memory_space<vmem>>, vector<16xi32>,
      %scan3A_1480 = arith.constant 6 : i32
      %scan3A_1481 = arith.addi %scan3A_1355, %scan3A_1480 : i32
      %mul3A_1482 = arith.constant 1 : i32
      %mul3A_1483 = arith.muli %scan3A_1481, %mul3A_1482 : i32
      %add3A_1484 = arith.constant 0 : i32
      %add3A_1485 = arith.addi %add3A_1484, %mul3A_1483 : i32
      %mul3A_1486 = arith.constant 16 : i32
      %mul3A_1487 = arith.muli %add3A_1485, %mul3A_1486 : i32
      %get3A_1488 = arith.index_cast %mul3A_1487 : i32 to index
      %get3A_1489 = tpu.vector_load %arg5[%get3A_1488] {strides = array<i32>} : memref<10000xi32, #tpu.memory_space<vmem>>, vector<16xi32>,
      %get3A_1490 = vector.shape_cast %get3A_1489 : vector<16xi32> to vector<16xi32>
      %lt3A_1491 = arith.constant 0 : i32
      %lt3A_1492 = vector.broadcast %lt3A_1491 : i32 to vector<16xi32>
      %lt3A_1493 = arith.cmpi slt, %get3A_1490, %lt3A_1492 : vector<16xi32>
      %jit3A_1494 = arith.constant 10000 : i32
      %broadcast_in_dim3A_1495 = vector.broadcast %jit3A_1494 : i32 to vector<16xi32>
      %select_n3A_1496 = arith.select %lt3A_1493, %broadcast_in_dim3A_1495, %get3A_1490 : vector<16xi1>, vector<16xi32>
      %swap3A_1497 = arith.index_cast %mul3A_1487 : i32 to index
      %swap3A_1498 = tpu.vector_load %arg5[%swap3A_1497] {strides = array<i32>} : memref<10000xi32, #tpu.memory_space<vmem>>, vector<16xi32>,
      %swap3A_1499 = vector.shape_cast %swap3A_1498 : vector<16xi32> to vector<16xi32>
      %swap3A_1500 = vector.shape_cast %select_n3A_1496 : vector<16xi32> to vector<16xi32>
      tpu.vector_store %arg5[%swap3A_1497], %swap3A_1500 {strides = array<i32>} : memref<10000xi32, #tpu.memory_space<vmem>>, vector<16xi32>,
      %scan3A_1501 = arith.constant 7 : i32
      %scan3A_1502 = arith.addi %scan3A_1355, %scan3A_1501 : i32
      %mul3A_1503 = arith.constant 1 : i32
      %mul3A_1504 = arith.muli %scan3A_1502, %mul3A_1503 : i32
      %add3A_1505 = arith.constant 0 : i32
      %add3A_1506 = arith.addi %add3A_1505, %mul3A_1504 : i32
      %mul3A_1507 = arith.constant 16 : i32
      %mul3A_1508 = arith.muli %add3A_1506, %mul3A_1507 : i32
      %get3A_1509 = arith.index_cast %mul3A_1508 : i32 to index
      %get3A_1510 = tpu.vector_load %arg5[%get3A_1509] {strides = array<i32>} : memref<10000xi32, #tpu.memory_space<vmem>>, vector<16xi32>,
      %get3A_1511 = vector.shape_cast %get3A_1510 : vector<16xi32> to vector<16xi32>
      %lt3A_1512 = arith.constant 0 : i32
      %lt3A_1513 = vector.broadcast %lt3A_1512 : i32 to vector<16xi32>
      %lt3A_1514 = arith.cmpi slt, %get3A_1511, %lt3A_1513 : vector<16xi32>
      %jit3A_1515 = arith.constant 10000 : i32
      %broadcast_in_dim3A_1516 = vector.broadcast %jit3A_1515 : i32 to vector<16xi32>
      %select_n3A_1517 = arith.select %lt3A_1514, %broadcast_in_dim3A_1516, %get3A_1511 : vector<16xi1>, vector<16xi32>
      %swap3A_1518 = arith.index_cast %mul3A_1508 : i32 to index
      %swap3A_1519 = tpu.vector_load %arg5[%swap3A_1518] {strides = array<i32>} : memref<10000xi32, #tpu.memory_space<vmem>>, vector<16xi32>,
      %swap3A_1520 = vector.shape_cast %swap3A_1519 : vector<16xi32> to vector<16xi32>
      %swap3A_1521 = vector.shape_cast %select_n3A_1517 : vector<16xi32> to vector<16xi32>
      tpu.vector_store %arg5[%swap3A_1518], %swap3A_1521 {strides = array<i32>} : memref<10000xi32, #tpu.memory_space<vmem>>, vector<16xi32>,
    }
    %scan3A_61 = arith.constant 624 : i32
    %scan3A_62 = arith.addi %scan3A, %scan3A_61 : i32
    %mul3A_63 = arith.constant 1 : i32
    %mul3A_64 = arith.muli %scan3A_62, %mul3A_63 : i32
    %add3A_65 = arith.constant 0 : i32
    %add3A_66 = arith.addi %add3A_65, %mul3A_64 : i32
    %mul3A_67 = arith.constant 16 : i32
    %mul3A_68 = arith.muli %add3A_66, %mul3A_67 : i32
    %get3A = arith.index_cast %mul3A_68 : i32 to index
    %get3A_69 = tpu.vector_load %arg5[%get3A] {strides = array<i32>} : memref<10000xi32, #tpu.memory_space<vmem>>, vector<16xi32>,
    %get3A_70 = vector.shape_cast %get3A_69 : vector<16xi32> to vector<16xi32>
    %lt3A = arith.constant 0 : i32
    %lt3A_71 = vector.broadcast %lt3A : i32 to vector<16xi32>
    %lt3A_72 = arith.cmpi slt, %get3A_70, %lt3A_71 : vector<16xi32>
    %jit3A = arith.constant 10000 : i32
    %broadcast_in_dim3A_73 = vector.broadcast %jit3A : i32 to vector<16xi32>
    %select_n3A = arith.select %lt3A_72, %broadcast_in_dim3A_73, %get3A_70 : vector<16xi1>, vector<16xi32>
    %swap3A = arith.index_cast %mul3A_68 : i32 to index
    %swap3A_74 = tpu.vector_load %arg5[%swap3A] {strides = array<i32>} : memref<10000xi32, #tpu.memory_space<vmem>>, vector<16xi32>,
    %swap3A_75 = vector.shape_cast %swap3A_74 : vector<16xi32> to vector<16xi32>
    %swap3A_76 = vector.shape_cast %select_n3A : vector<16xi32> to vector<16xi32>
    tpu.vector_store %arg5[%swap3A], %swap3A_76 {strides = array<i32>} : memref<10000xi32, #tpu.memory_space<vmem>>, vector<16xi32>,
    %scan3A_77 = arith.constant 625 : i32
    %dma_wait3A_78 = arith.constant 0 : i32
    %dma_wait3A_79 = arith.constant 0 : i32
    %dma_wait3A_80 = arith.constant 0 : i32
    %dma_wait3A_81 = tpu.memref_slice %arg6[%dma_wait3A_78, %dma_wait3A_79, %dma_wait3A_80] : memref<6x48x128xf32, #tpu.memory_space<vmem>> -> memref<1x48x128xf32, #tpu.memory_space<vmem>>
    %dma_wait3A_82 = tpu.memref_squeeze %dma_wait3A_81 : memref<1x48x128xf32, #tpu.memory_space<vmem>> -> memref<48x128xf32, #tpu.memory_space<vmem>>
    %dma_wait3A_83 = arith.constant 0 : i32
    %dma_wait3A_84 = arith.constant 0 : i32
    %dma_wait3A_85 = tpu.memref_slice %dma_wait3A_82[%dma_wait3A_83, %dma_wait3A_84] : memref<48x128xf32, #tpu.memory_space<vmem>> -> memref<48x128xf32, #tpu.memory_space<vmem>>
    %dma_wait3A_86 = arith.constant 0 : i32
    %dma_wait3A_87 = tpu.memref_slice %arg2[%add3A_11, %dma_wait3A_86] : memref<10000x128xf32, #tpu.memory_space<hbm>> -> memref<48x128xf32, #tpu.memory_space<hbm>>
    %dma_wait3A_88 = arith.constant 0 : i32
    %dma_wait3A_89 = arith.constant 0 : i32
    %dma_wait3A_90 = tpu.memref_slice %arg6[%dma_wait3A_78, %dma_wait3A_88, %dma_wait3A_89] : memref<6x48x128xf32, #tpu.memory_space<vmem>> -> memref<1x48x128xf32, #tpu.memory_space<vmem>>
    %dma_wait3A_91 = tpu.memref_squeeze %dma_wait3A_90 : memref<1x48x128xf32, #tpu.memory_space<vmem>> -> memref<48x128xf32, #tpu.memory_space<vmem>>
    %dma_wait3A_92 = arith.constant 0 : i32
    %dma_wait3A_93 = arith.constant 0 : i32
    %dma_wait3A_94 = tpu.memref_slice %dma_wait3A_91[%dma_wait3A_92, %dma_wait3A_93] : memref<48x128xf32, #tpu.memory_space<vmem>> -> memref<48x128xf32, #tpu.memory_space<vmem>>
    %dma_wait3A_95 = arith.constant 0 : i32
    %dma_wait3A_96 = tpu.memref_slice %arg2[%add3A_11, %dma_wait3A_95] : memref<10000x128xf32, #tpu.memory_space<hbm>> -> memref<48x128xf32, #tpu.memory_space<hbm>>
    tpu.wait_dma2 semaphore(%arg8 : memref<!tpu.dma_semaphore, #tpu.memory_space<semaphore_mem>>) src(%dma_wait3A_96 : memref<48x128xf32, #tpu.memory_space<hbm>>) dst(%dma_wait3A_94 : memref<48x128xf32, #tpu.memory_space<vmem>>)
    %add3A_97 = arith.constant 0 : i32
    %add3A_98 = arith.addi %mul3A_9, %add3A_97 : i32
    %dma_start3A_99 = arith.constant 0 : i32
    %dma_start3A_100 = arith.constant 0 : i32
    %dma_start3A_101 = arith.constant 0 : i32
    %dma_start3A_102 = tpu.memref_slice %arg6[%dma_start3A_99, %dma_start3A_100, %dma_start3A_101] : memref<6x48x128xf32, #tpu.memory_space<vmem>> -> memref<1x48x128xf32, #tpu.memory_space<vmem>>
    %dma_start3A_103 = tpu.memref_squeeze %dma_start3A_102 : memref<1x48x128xf32, #tpu.memory_space<vmem>> -> memref<48x128xf32, #tpu.memory_space<vmem>>
    %dma_start3A_104 = arith.constant 0 : i32
    %dma_start3A_105 = arith.constant 0 : i32
    %dma_start3A_106 = tpu.memref_slice %dma_start3A_103[%dma_start3A_104, %dma_start3A_105] : memref<48x128xf32, #tpu.memory_space<vmem>> -> memref<48x128xf32, #tpu.memory_space<vmem>>
    %dma_start3A_107 = arith.constant 0 : i32
    %dma_start3A_108 = tpu.memref_slice %arg7[%add3A_98, %dma_start3A_107] : memref<10001x128xf32, #tpu.memory_space<vmem_shared>> -> memref<48x128xf32, #tpu.memory_space<vmem_shared>>
    %dma_start3A_109 = arith.constant 0 : i32
    %dma_start3A_110 = tpu.memref_slice %arg7[%add3A_98, %dma_start3A_109] : memref<10001x128xf32, #tpu.memory_space<vmem_shared>> -> memref<48x128xf32, #tpu.memory_space<vmem_shared>>
    %dma_start3A_111 = arith.constant 0 : i32
    %dma_start3A_112 = arith.constant 0 : i32
    %dma_start3A_113 = tpu.memref_slice %arg6[%dma_start3A_99, %dma_start3A_111, %dma_start3A_112] : memref<6x48x128xf32, #tpu.memory_space<vmem>> -> memref<1x48x128xf32, #tpu.memory_space<vmem>>
    %dma_start3A_114 = tpu.memref_squeeze %dma_start3A_113 : memref<1x48x128xf32, #tpu.memory_space<vmem>> -> memref<48x128xf32, #tpu.memory_space<vmem>>
    %dma_start3A_115 = arith.constant 0 : i32
    %dma_start3A_116 = arith.constant 0 : i32
    %dma_start3A_117 = tpu.memref_slice %dma_start3A_114[%dma_start3A_115, %dma_start3A_116] : memref<48x128xf32, #tpu.memory_space<vmem>> -> memref<48x128xf32, #tpu.memory_space<vmem>>
    tpu.enqueue_dma source(%dma_start3A_117 : memref<48x128xf32, #tpu.memory_space<vmem>>) target(%dma_start3A_110 : memref<48x128xf32, #tpu.memory_space<vmem_shared>>) target_semaphore(%arg14 : memref<!tpu.dma_semaphore, #tpu.memory_space<semaphore_mem>>)
    %dma_wait3A_118 = arith.constant 0 : i32
    %dma_wait3A_119 = arith.constant 0 : i32
    %dma_wait3A_120 = arith.constant 0 : i32
    %dma_wait3A_121 = tpu.memref_slice %arg6[%dma_wait3A_118, %dma_wait3A_119, %dma_wait3A_120] : memref<6x48x128xf32, #tpu.memory_space<vmem>> -> memref<1x48x128xf32, #tpu.memory_space<vmem>>
    %dma_wait3A_122 = tpu.memref_squeeze %dma_wait3A_121 : memref<1x48x128xf32, #tpu.memory_space<vmem>> -> memref<48x128xf32, #tpu.memory_space<vmem>>
    %dma_wait3A_123 = arith.constant 0 : i32
    %dma_wait3A_124 = arith.constant 0 : i32
    %dma_wait3A_125 = tpu.memref_slice %dma_wait3A_122[%dma_wait3A_123, %dma_wait3A_124] : memref<48x128xf32, #tpu.memory_space<vmem>> -> memref<48x128xf32, #tpu.memory_space<vmem>>
    %dma_wait3A_126 = arith.constant 0 : i32
    %dma_wait3A_127 = tpu.memref_slice %arg7[%add3A_98, %dma_wait3A_126] : memref<10001x128xf32, #tpu.memory_space<vmem_shared>> -> memref<48x128xf32, #tpu.memory_space<vmem_shared>>
    %dma_wait3A_128 = arith.constant 0 : i32
    %dma_wait3A_129 = tpu.memref_slice %arg7[%add3A_98, %dma_wait3A_128] : memref<10001x128xf32, #tpu.memory_space<vmem_shared>> -> memref<48x128xf32, #tpu.memory_space<vmem_shared>>
    %dma_wait3A_130 = arith.constant 0 : i32
    %dma_wait3A_131 = arith.constant 0 : i32
    %dma_wait3A_132 = tpu.memref_slice %arg6[%dma_wait3A_118, %dma_wait3A_130, %dma_wait3A_131] : memref<6x48x128xf32, #tpu.memory_space<vmem>> -> memref<1x48x128xf32, #tpu.memory_space<vmem>>
    %dma_wait3A_133 = tpu.memref_squeeze %dma_wait3A_132 : memref<1x48x128xf32, #tpu.memory_space<vmem>> -> memref<48x128xf32, #tpu.memory_space<vmem>>
    %dma_wait3A_134 = arith.constant 0 : i32
    %dma_wait3A_135 = arith.constant 0 : i32
    %dma_wait3A_136 = tpu.memref_slice %dma_wait3A_133[%dma_wait3A_134, %dma_wait3A_135] : memref<48x128xf32, #tpu.memory_space<vmem>> -> memref<48x128xf32, #tpu.memory_space<vmem>>
    tpu.wait_dma2 semaphore(%arg14 : memref<!tpu.dma_semaphore, #tpu.memory_space<semaphore_mem>>) src(%dma_wait3A_136 : memref<48x128xf32, #tpu.memory_space<vmem>>) dst(%dma_wait3A_129 : memref<48x128xf32, #tpu.memory_space<vmem_shared>>)
    %add3A_137 = arith.constant 96 : i32
    %add3A_138 = arith.addi %mul3A_9, %add3A_137 : i32
    %dma_start3A_139 = arith.constant 0 : i32
    %dma_start3A_140 = arith.constant 0 : i32
    %dma_start3A_141 = arith.constant 0 : i32
    %dma_start3A_142 = tpu.memref_slice %arg6[%dma_start3A_139, %dma_start3A_140, %dma_start3A_141] : memref<6x48x128xf32, #tpu.memory_space<vmem>> -> memref<1x48x128xf32, #tpu.memory_space<vmem>>
    %dma_start3A_143 = tpu.memref_squeeze %dma_start3A_142 : memref<1x48x128xf32, #tpu.memory_space<vmem>> -> memref<48x128xf32, #tpu.memory_space<vmem>>
    %dma_start3A_144 = arith.constant 0 : i32
    %dma_start3A_145 = arith.constant 0 : i32
    %dma_start3A_146 = tpu.memref_slice %dma_start3A_143[%dma_start3A_144, %dma_start3A_145] : memref<48x128xf32, #tpu.memory_space<vmem>> -> memref<48x128xf32, #tpu.memory_space<vmem>>
    %dma_start3A_147 = arith.constant 0 : i32
    %dma_start3A_148 = tpu.memref_slice %arg2[%add3A_138, %dma_start3A_147] : memref<10000x128xf32, #tpu.memory_space<hbm>> -> memref<48x128xf32, #tpu.memory_space<hbm>>
    %dma_start3A_149 = arith.constant 0 : i32
    %dma_start3A_150 = arith.constant 0 : i32
    %dma_start3A_151 = tpu.memref_slice %arg6[%dma_start3A_139, %dma_start3A_149, %dma_start3A_150] : memref<6x48x128xf32, #tpu.memory_space<vmem>> -> memref<1x48x128xf32, #tpu.memory_space<vmem>>
    %dma_start3A_152 = tpu.memref_squeeze %dma_start3A_151 : memref<1x48x128xf32, #tpu.memory_space<vmem>> -> memref<48x128xf32, #tpu.memory_space<vmem>>
    %dma_start3A_153 = arith.constant 0 : i32
    %dma_start3A_154 = arith.constant 0 : i32
    %dma_start3A_155 = tpu.memref_slice %dma_start3A_152[%dma_start3A_153, %dma_start3A_154] : memref<48x128xf32, #tpu.memory_space<vmem>> -> memref<48x128xf32, #tpu.memory_space<vmem>>
    %dma_start3A_156 = arith.constant 0 : i32
    %dma_start3A_157 = tpu.memref_slice %arg2[%add3A_138, %dma_start3A_156] : memref<10000x128xf32, #tpu.memory_space<hbm>> -> memref<48x128xf32, #tpu.memory_space<hbm>>
    tpu.enqueue_dma source(%dma_start3A_157 : memref<48x128xf32, #tpu.memory_space<hbm>>) target(%dma_start3A_155 : memref<48x128xf32, #tpu.memory_space<vmem>>) target_semaphore(%arg8 : memref<!tpu.dma_semaphore, #tpu.memory_space<semaphore_mem>>)
    %dma_wait3A_158 = arith.constant 1 : i32
    %dma_wait3A_159 = arith.constant 0 : i32
    %dma_wait3A_160 = arith.constant 0 : i32
    %dma_wait3A_161 = tpu.memref_slice %arg6[%dma_wait3A_158, %dma_wait3A_159, %dma_wait3A_160] : memref<6x48x128xf32, #tpu.memory_space<vmem>> -> memref<1x48x128xf32, #tpu.memory_space<vmem>>
    %dma_wait3A_162 = tpu.memref_squeeze %dma_wait3A_161 : memref<1x48x128xf32, #tpu.memory_space<vmem>> -> memref<48x128xf32, #tpu.memory_space<vmem>>
    %dma_wait3A_163 = arith.constant 0 : i32
    %dma_wait3A_164 = arith.constant 0 : i32
    %dma_wait3A_165 = tpu.memref_slice %dma_wait3A_162[%dma_wait3A_163, %dma_wait3A_164] : memref<48x128xf32, #tpu.memory_space<vmem>> -> memref<48x128xf32, #tpu.memory_space<vmem>>
    %dma_wait3A_166 = arith.constant 0 : i32
    %dma_wait3A_167 = tpu.memref_slice %arg2[%add3A_32, %dma_wait3A_166] : memref<10000x128xf32, #tpu.memory_space<hbm>> -> memref<48x128xf32, #tpu.memory_space<hbm>>
    %dma_wait3A_168 = arith.constant 0 : i32
    %dma_wait3A_169 = arith.constant 0 : i32
    %dma_wait3A_170 = tpu.memref_slice %arg6[%dma_wait3A_158, %dma_wait3A_168, %dma_wait3A_169] : memref<6x48x128xf32, #tpu.memory_space<vmem>> -> memref<1x48x128xf32, #tpu.memory_space<vmem>>
    %dma_wait3A_171 = tpu.memref_squeeze %dma_wait3A_170 : memref<1x48x128xf32, #tpu.memory_space<vmem>> -> memref<48x128xf32, #tpu.memory_space<vmem>>
    %dma_wait3A_172 = arith.constant 0 : i32
    %dma_wait3A_173 = arith.constant 0 : i32
    %dma_wait3A_174 = tpu.memref_slice %dma_wait3A_171[%dma_wait3A_172, %dma_wait3A_173] : memref<48x128xf32, #tpu.memory_space<vmem>> -> memref<48x128xf32, #tpu.memory_space<vmem>>
    %dma_wait3A_175 = arith.constant 0 : i32
    %dma_wait3A_176 = tpu.memref_slice %arg2[%add3A_32, %dma_wait3A_175] : memref<10000x128xf32, #tpu.memory_space<hbm>> -> memref<48x128xf32, #tpu.memory_space<hbm>>
    tpu.wait_dma2 semaphore(%arg9 : memref<!tpu.dma_semaphore, #tpu.memory_space<semaphore_mem>>) src(%dma_wait3A_176 : memref<48x128xf32, #tpu.memory_space<hbm>>) dst(%dma_wait3A_174 : memref<48x128xf32, #tpu.memory_space<vmem>>)
    %add3A_177 = arith.constant 48 : i32
    %add3A_178 = arith.addi %mul3A_9, %add3A_177 : i32
    %dma_start3A_179 = arith.constant 1 : i32
    %dma_start3A_180 = arith.constant 0 : i32
    %dma_start3A_181 = arith.constant 0 : i32
    %dma_start3A_182 = tpu.memref_slice %arg6[%dma_start3A_179, %dma_start3A_180, %dma_start3A_181] : memref<6x48x128xf32, #tpu.memory_space<vmem>> -> memref<1x48x128xf32, #tpu.memory_space<vmem>>
    %dma_start3A_183 = tpu.memref_squeeze %dma_start3A_182 : memref<1x48x128xf32, #tpu.memory_space<vmem>> -> memref<48x128xf32, #tpu.memory_space<vmem>>
    %dma_start3A_184 = arith.constant 0 : i32
    %dma_start3A_185 = arith.constant 0 : i32
    %dma_start3A_186 = tpu.memref_slice %dma_start3A_183[%dma_start3A_184, %dma_start3A_185] : memref<48x128xf32, #tpu.memory_space<vmem>> -> memref<48x128xf32, #tpu.memory_space<vmem>>
    %dma_start3A_187 = arith.constant 0 : i32
    %dma_start3A_188 = tpu.memref_slice %arg7[%add3A_178, %dma_start3A_187] : memref<10001x128xf32, #tpu.memory_space<vmem_shared>> -> memref<48x128xf32, #tpu.memory_space<vmem_shared>>
    %dma_start3A_189 = arith.constant 0 : i32
    %dma_start3A_190 = tpu.memref_slice %arg7[%add3A_178, %dma_start3A_189] : memref<10001x128xf32, #tpu.memory_space<vmem_shared>> -> memref<48x128xf32, #tpu.memory_space<vmem_shared>>
    %dma_start3A_191 = arith.constant 0 : i32
    %dma_start3A_192 = arith.constant 0 : i32
    %dma_start3A_193 = tpu.memref_slice %arg6[%dma_start3A_179, %dma_start3A_191, %dma_start3A_192] : memref<6x48x128xf32, #tpu.memory_space<vmem>> -> memref<1x48x128xf32, #tpu.memory_space<vmem>>
    %dma_start3A_194 = tpu.memref_squeeze %dma_start3A_193 : memref<1x48x128xf32, #tpu.memory_space<vmem>> -> memref<48x128xf32, #tpu.memory_space<vmem>>
    %dma_start3A_195 = arith.constant 0 : i32
    %dma_start3A_196 = arith.constant 0 : i32
    %dma_start3A_197 = tpu.memref_slice %dma_start3A_194[%dma_start3A_195, %dma_start3A_196] : memref<48x128xf32, #tpu.memory_space<vmem>> -> memref<48x128xf32, #tpu.memory_space<vmem>>
    tpu.enqueue_dma source(%dma_start3A_197 : memref<48x128xf32, #tpu.memory_space<vmem>>) target(%dma_start3A_190 : memref<48x128xf32, #tpu.memory_space<vmem_shared>>) target_semaphore(%arg15 : memref<!tpu.dma_semaphore, #tpu.memory_space<semaphore_mem>>)
    %dma_wait3A_198 = arith.constant 1 : i32
    %dma_wait3A_199 = arith.constant 0 : i32
    %dma_wait3A_200 = arith.constant 0 : i32
    %dma_wait3A_201 = tpu.memref_slice %arg6[%dma_wait3A_198, %dma_wait3A_199, %dma_wait3A_200] : memref<6x48x128xf32, #tpu.memory_space<vmem>> -> memref<1x48x128xf32, #tpu.memory_space<vmem>>
    %dma_wait3A_202 = tpu.memref_squeeze %dma_wait3A_201 : memref<1x48x128xf32, #tpu.memory_space<vmem>> -> memref<48x128xf32, #tpu.memory_space<vmem>>
    %dma_wait3A_203 = arith.constant 0 : i32
    %dma_wait3A_204 = arith.constant 0 : i32
    %dma_wait3A_205 = tpu.memref_slice %dma_wait3A_202[%dma_wait3A_203, %dma_wait3A_204] : memref<48x128xf32, #tpu.memory_space<vmem>> -> memref<48x128xf32, #tpu.memory_space<vmem>>
    %dma_wait3A_206 = arith.constant 0 : i32
    %dma_wait3A_207 = tpu.memref_slice %arg7[%add3A_178, %dma_wait3A_206] : memref<10001x128xf32, #tpu.memory_space<vmem_shared>> -> memref<48x128xf32, #tpu.memory_space<vmem_shared>>
    %dma_wait3A_208 = arith.constant 0 : i32
    %dma_wait3A_209 = tpu.memref_slice %arg7[%add3A_178, %dma_wait3A_208] : memref<10001x128xf32, #tpu.memory_space<vmem_shared>> -> memref<48x128xf32, #tpu.memory_space<vmem_shared>>
    %dma_wait3A_210 = arith.constant 0 : i32
    %dma_wait3A_211 = arith.constant 0 : i32
    %dma_wait3A_212 = tpu.memref_slice %arg6[%dma_wait3A_198, %dma_wait3A_210, %dma_wait3A_211] : memref<6x48x128xf32, #tpu.memory_space<vmem>> -> memref<1x48x128xf32, #tpu.memory_space<vmem>>
    %dma_wait3A_213 = tpu.memref_squeeze %dma_wait3A_212 : memref<1x48x128xf32, #tpu.memory_space<vmem>> -> memref<48x128xf32, #tpu.memory_space<vmem>>
    %dma_wait3A_214 = arith.constant 0 : i32
    %dma_wait3A_215 = arith.constant 0 : i32
    %dma_wait3A_216 = tpu.memref_slice %dma_wait3A_213[%dma_wait3A_214, %dma_wait3A_215] : memref<48x128xf32, #tpu.memory_space<vmem>> -> memref<48x128xf32, #tpu.memory_space<vmem>>
    tpu.wait_dma2 semaphore(%arg15 : memref<!tpu.dma_semaphore, #tpu.memory_space<semaphore_mem>>) src(%dma_wait3A_216 : memref<48x128xf32, #tpu.memory_space<vmem>>) dst(%dma_wait3A_209 : memref<48x128xf32, #tpu.memory_space<vmem_shared>>)
    %add3A_217 = arith.constant 144 : i32
    %add3A_218 = arith.addi %mul3A_9, %add3A_217 : i32
    %dma_start3A_219 = arith.constant 1 : i32
    %dma_start3A_220 = arith.constant 0 : i32
    %dma_start3A_221 = arith.constant 0 : i32
    %dma_start3A_222 = tpu.memref_slice %arg6[%dma_start3A_219, %dma_start3A_220, %dma_start3A_221] : memref<6x48x128xf32, #tpu.memory_space<vmem>> -> memref<1x48x128xf32, #tpu.memory_space<vmem>>
    %dma_start3A_223 = tpu.memref_squeeze %dma_start3A_222 : memref<1x48x128xf32, #tpu.memory_space<vmem>> -> memref<48x128xf32, #tpu.memory_space<vmem>>
    %dma_start3A_224 = arith.constant 0 : i32
    %dma_start3A_225 = arith.constant 0 : i32
    %dma_start3A_226 = tpu.memref_slice %dma_start3A_223[%dma_start3A_224, %dma_start3A_225] : memref<48x128xf32, #tpu.memory_space<vmem>> -> memref<48x128xf32, #tpu.memory_space<vmem>>
    %dma_start3A_227 = arith.constant 0 : i32
    %dma_start3A_228 = tpu.memref_slice %arg2[%add3A_218, %dma_start3A_227] : memref<10000x128xf32, #tpu.memory_space<hbm>> -> memref<48x128xf32, #tpu.memory_space<hbm>>
    %dma_start3A_229 = arith.constant 0 : i32
    %dma_start3A_230 = arith.constant 0 : i32
    %dma_start3A_231 = tpu.memref_slice %arg6[%dma_start3A_219, %dma_start3A_229, %dma_start3A_230] : memref<6x48x128xf32, #tpu.memory_space<vmem>> -> memref<1x48x128xf32, #tpu.memory_space<vmem>>
    %dma_start3A_232 = tpu.memref_squeeze %dma_start3A_231 : memref<1x48x128xf32, #tpu.memory_space<vmem>> -> memref<48x128xf32, #tpu.memory_space<vmem>>
    %dma_start3A_233 = arith.constant 0 : i32
    %dma_start3A_234 = arith.constant 0 : i32
    %dma_start3A_235 = tpu.memref_slice %dma_start3A_232[%dma_start3A_233, %dma_start3A_234] : memref<48x128xf32, #tpu.memory_space<vmem>> -> memref<48x128xf32, #tpu.memory_space<vmem>>
    %dma_start3A_236 = arith.constant 0 : i32
    %dma_start3A_237 = tpu.memref_slice %arg2[%add3A_218, %dma_start3A_236] : memref<10000x128xf32, #tpu.memory_space<hbm>> -> memref<48x128xf32, #tpu.memory_space<hbm>>
    tpu.enqueue_dma source(%dma_start3A_237 : memref<48x128xf32, #tpu.memory_space<hbm>>) target(%dma_start3A_235 : memref<48x128xf32, #tpu.memory_space<vmem>>) target_semaphore(%arg9 : memref<!tpu.dma_semaphore, #tpu.memory_space<semaphore_mem>>)
    %dma_wait3A_238 = arith.constant 0 : i32
    %dma_wait3A_239 = arith.constant 0 : i32
    %dma_wait3A_240 = arith.constant 0 : i32
    %dma_wait3A_241 = tpu.memref_slice %arg6[%dma_wait3A_238, %dma_wait3A_239, %dma_wait3A_240] : memref<6x48x128xf32, #tpu.memory_space<vmem>> -> memref<1x48x128xf32, #tpu.memory_space<vmem>>
    %dma_wait3A_242 = tpu.memref_squeeze %dma_wait3A_241 : memref<1x48x128xf32, #tpu.memory_space<vmem>> -> memref<48x128xf32, #tpu.memory_space<vmem>>
    %dma_wait3A_243 = arith.constant 0 : i32
    %dma_wait3A_244 = arith.constant 0 : i32
    %dma_wait3A_245 = tpu.memref_slice %dma_wait3A_242[%dma_wait3A_243, %dma_wait3A_244] : memref<48x128xf32, #tpu.memory_space<vmem>> -> memref<48x128xf32, #tpu.memory_space<vmem>>
    %dma_wait3A_246 = arith.constant 0 : i32
    %dma_wait3A_247 = tpu.memref_slice %arg2[%add3A_138, %dma_wait3A_246] : memref<10000x128xf32, #tpu.memory_space<hbm>> -> memref<48x128xf32, #tpu.memory_space<hbm>>
    %dma_wait3A_248 = arith.constant 0 : i32
    %dma_wait3A_249 = arith.constant 0 : i32
    %dma_wait3A_250 = tpu.memref_slice %arg6[%dma_wait3A_238, %dma_wait3A_248, %dma_wait3A_249] : memref<6x48x128xf32, #tpu.memory_space<vmem>> -> memref<1x48x128xf32, #tpu.memory_space<vmem>>
    %dma_wait3A_251 = tpu.memref_squeeze %dma_wait3A_250 : memref<1x48x128xf32, #tpu.memory_space<vmem>> -> memref<48x128xf32, #tpu.memory_space<vmem>>
    %dma_wait3A_252 = arith.constant 0 : i32
    %dma_wait3A_253 = arith.constant 0 : i32
    %dma_wait3A_254 = tpu.memref_slice %dma_wait3A_251[%dma_wait3A_252, %dma_wait3A_253] : memref<48x128xf32, #tpu.memory_space<vmem>> -> memref<48x128xf32, #tpu.memory_space<vmem>>
    %dma_wait3A_255 = arith.constant 0 : i32
    %dma_wait3A_256 = tpu.memref_slice %arg2[%add3A_138, %dma_wait3A_255] : memref<10000x128xf32, #tpu.memory_space<hbm>> -> memref<48x128xf32, #tpu.memory_space<hbm>>
    tpu.wait_dma2 semaphore(%arg8 : memref<!tpu.dma_semaphore, #tpu.memory_space<semaphore_mem>>) src(%dma_wait3A_256 : memref<48x128xf32, #tpu.memory_space<hbm>>) dst(%dma_wait3A_254 : memref<48x128xf32, #tpu.memory_space<vmem>>)
    %add3A_257 = arith.constant 96 : i32
    %add3A_258 = arith.addi %mul3A_9, %add3A_257 : i32
    %dma_start3A_259 = arith.constant 0 : i32
    %dma_start3A_260 = arith.constant 0 : i32
    %dma_start3A_261 = arith.constant 0 : i32
    %dma_start3A_262 = tpu.memref_slice %arg6[%dma_start3A_259, %dma_start3A_260, %dma_start3A_261] : memref<6x48x128xf32, #tpu.memory_space<vmem>> -> memref<1x48x128xf32, #tpu.memory_space<vmem>>
    %dma_start3A_263 = tpu.memref_squeeze %dma_start3A_262 : memref<1x48x128xf32, #tpu.memory_space<vmem>> -> memref<48x128xf32, #tpu.memory_space<vmem>>
    %dma_start3A_264 = arith.constant 0 : i32
    %dma_start3A_265 = arith.constant 0 : i32
    %dma_start3A_266 = tpu.memref_slice %dma_start3A_263[%dma_start3A_264, %dma_start3A_265] : memref<48x128xf32, #tpu.memory_space<vmem>> -> memref<48x128xf32, #tpu.memory_space<vmem>>
    %dma_start3A_267 = arith.constant 0 : i32
    %dma_start3A_268 = tpu.memref_slice %arg7[%add3A_258, %dma_start3A_267] : memref<10001x128xf32, #tpu.memory_space<vmem_shared>> -> memref<48x128xf32, #tpu.memory_space<vmem_shared>>
    %dma_start3A_269 = arith.constant 0 : i32
    %dma_start3A_270 = tpu.memref_slice %arg7[%add3A_258, %dma_start3A_269] : memref<10001x128xf32, #tpu.memory_space<vmem_shared>> -> memref<48x128xf32, #tpu.memory_space<vmem_shared>>
    %dma_start3A_271 = arith.constant 0 : i32
    %dma_start3A_272 = arith.constant 0 : i32
    %dma_start3A_273 = tpu.memref_slice %arg6[%dma_start3A_259, %dma_start3A_271, %dma_start3A_272] : memref<6x48x128xf32, #tpu.memory_space<vmem>> -> memref<1x48x128xf32, #tpu.memory_space<vmem>>
    %dma_start3A_274 = tpu.memref_squeeze %dma_start3A_273 : memref<1x48x128xf32, #tpu.memory_space<vmem>> -> memref<48x128xf32, #tpu.memory_space<vmem>>
    %dma_start3A_275 = arith.constant 0 : i32
    %dma_start3A_276 = arith.constant 0 : i32
    %dma_start3A_277 = tpu.memref_slice %dma_start3A_274[%dma_start3A_275, %dma_start3A_276] : memref<48x128xf32, #tpu.memory_space<vmem>> -> memref<48x128xf32, #tpu.memory_space<vmem>>
    tpu.enqueue_dma source(%dma_start3A_277 : memref<48x128xf32, #tpu.memory_space<vmem>>) target(%dma_start3A_270 : memref<48x128xf32, #tpu.memory_space<vmem_shared>>) target_semaphore(%arg14 : memref<!tpu.dma_semaphore, #tpu.memory_space<semaphore_mem>>)
    %dma_wait3A_278 = arith.constant 0 : i32
    %dma_wait3A_279 = arith.constant 0 : i32
    %dma_wait3A_280 = arith.constant 0 : i32
    %dma_wait3A_281 = tpu.memref_slice %arg6[%dma_wait3A_278, %dma_wait3A_279, %dma_wait3A_280] : memref<6x48x128xf32, #tpu.memory_space<vmem>> -> memref<1x48x128xf32, #tpu.memory_space<vmem>>
    %dma_wait3A_282 = tpu.memref_squeeze %dma_wait3A_281 : memref<1x48x128xf32, #tpu.memory_space<vmem>> -> memref<48x128xf32, #tpu.memory_space<vmem>>
    %dma_wait3A_283 = arith.constant 0 : i32
    %dma_wait3A_284 = arith.constant 0 : i32
    %dma_wait3A_285 = tpu.memref_slice %dma_wait3A_282[%dma_wait3A_283, %dma_wait3A_284] : memref<48x128xf32, #tpu.memory_space<vmem>> -> memref<48x128xf32, #tpu.memory_space<vmem>>
    %dma_wait3A_286 = arith.constant 0 : i32
    %dma_wait3A_287 = tpu.memref_slice %arg7[%add3A_258, %dma_wait3A_286] : memref<10001x128xf32, #tpu.memory_space<vmem_shared>> -> memref<48x128xf32, #tpu.memory_space<vmem_shared>>
    %dma_wait3A_288 = arith.constant 0 : i32
    %dma_wait3A_289 = tpu.memref_slice %arg7[%add3A_258, %dma_wait3A_288] : memref<10001x128xf32, #tpu.memory_space<vmem_shared>> -> memref<48x128xf32, #tpu.memory_space<vmem_shared>>
    %dma_wait3A_290 = arith.constant 0 : i32
    %dma_wait3A_291 = arith.constant 0 : i32
    %dma_wait3A_292 = tpu.memref_slice %arg6[%dma_wait3A_278, %dma_wait3A_290, %dma_wait3A_291] : memref<6x48x128xf32, #tpu.memory_space<vmem>> -> memref<1x48x128xf32, #tpu.memory_space<vmem>>
    %dma_wait3A_293 = tpu.memref_squeeze %dma_wait3A_292 : memref<1x48x128xf32, #tpu.memory_space<vmem>> -> memref<48x128xf32, #tpu.memory_space<vmem>>
    %dma_wait3A_294 = arith.constant 0 : i32
    %dma_wait3A_295 = arith.constant 0 : i32
    %dma_wait3A_296 = tpu.memref_slice %dma_wait3A_293[%dma_wait3A_294, %dma_wait3A_295] : memref<48x128xf32, #tpu.memory_space<vmem>> -> memref<48x128xf32, #tpu.memory_space<vmem>>
    tpu.wait_dma2 semaphore(%arg14 : memref<!tpu.dma_semaphore, #tpu.memory_space<semaphore_mem>>) src(%dma_wait3A_296 : memref<48x128xf32, #tpu.memory_space<vmem>>) dst(%dma_wait3A_289 : memref<48x128xf32, #tpu.memory_space<vmem_shared>>)
    %add3A_297 = arith.constant 192 : i32
    %add3A_298 = arith.addi %mul3A_9, %add3A_297 : i32
    %dma_start3A_299 = arith.constant 0 : i32
    %dma_start3A_300 = arith.constant 0 : i32
    %dma_start3A_301 = arith.constant 0 : i32
    %dma_start3A_302 = tpu.memref_slice %arg6[%dma_start3A_299, %dma_start3A_300, %dma_start3A_301] : memref<6x48x128xf32, #tpu.memory_space<vmem>> -> memref<1x48x128xf32, #tpu.memory_space<vmem>>
    %dma_start3A_303 = tpu.memref_squeeze %dma_start3A_302 : memref<1x48x128xf32, #tpu.memory_space<vmem>> -> memref<48x128xf32, #tpu.memory_space<vmem>>
    %dma_start3A_304 = arith.constant 0 : i32
    %dma_start3A_305 = arith.constant 0 : i32
    %dma_start3A_306 = tpu.memref_slice %dma_start3A_303[%dma_start3A_304, %dma_start3A_305] : memref<48x128xf32, #tpu.memory_space<vmem>> -> memref<48x128xf32, #tpu.memory_space<vmem>>
    %dma_start3A_307 = arith.constant 0 : i32
    %dma_start3A_308 = tpu.memref_slice %arg2[%add3A_298, %dma_start3A_307] : memref<10000x128xf32, #tpu.memory_space<hbm>> -> memref<48x128xf32, #tpu.memory_space<hbm>>
    %dma_start3A_309 = arith.constant 0 : i32
    %dma_start3A_310 = arith.constant 0 : i32
    %dma_start3A_311 = tpu.memref_slice %arg6[%dma_start3A_299, %dma_start3A_309, %dma_start3A_310] : memref<6x48x128xf32, #tpu.memory_space<vmem>> -> memref<1x48x128xf32, #tpu.memory_space<vmem>>
    %dma_start3A_312 = tpu.memref_squeeze %dma_start3A_311 : memref<1x48x128xf32, #tpu.memory_space<vmem>> -> memref<48x128xf32, #tpu.memory_space<vmem>>
    %dma_start3A_313 = arith.constant 0 : i32
    %dma_start3A_314 = arith.constant 0 : i32
    %dma_start3A_315 = tpu.memref_slice %dma_start3A_312[%dma_start3A_313, %dma_start3A_314] : memref<48x128xf32, #tpu.memory_space<vmem>> -> memref<48x128xf32, #tpu.memory_space<vmem>>
    %dma_start3A_316 = arith.constant 0 : i32
    %dma_start3A_317 = tpu.memref_slice %arg2[%add3A_298, %dma_start3A_316] : memref<10000x128xf32, #tpu.memory_space<hbm>> -> memref<48x128xf32, #tpu.memory_space<hbm>>
    tpu.enqueue_dma source(%dma_start3A_317 : memref<48x128xf32, #tpu.memory_space<hbm>>) target(%dma_start3A_315 : memref<48x128xf32, #tpu.memory_space<vmem>>) target_semaphore(%arg8 : memref<!tpu.dma_semaphore, #tpu.memory_space<semaphore_mem>>)
    %dma_wait3A_318 = arith.constant 1 : i32
    %dma_wait3A_319 = arith.constant 0 : i32
    %dma_wait3A_320 = arith.constant 0 : i32
    %dma_wait3A_321 = tpu.memref_slice %arg6[%dma_wait3A_318, %dma_wait3A_319, %dma_wait3A_320] : memref<6x48x128xf32, #tpu.memory_space<vmem>> -> memref<1x48x128xf32, #tpu.memory_space<vmem>>
    %dma_wait3A_322 = tpu.memref_squeeze %dma_wait3A_321 : memref<1x48x128xf32, #tpu.memory_space<vmem>> -> memref<48x128xf32, #tpu.memory_space<vmem>>
    %dma_wait3A_323 = arith.constant 0 : i32
    %dma_wait3A_324 = arith.constant 0 : i32
    %dma_wait3A_325 = tpu.memref_slice %dma_wait3A_322[%dma_wait3A_323, %dma_wait3A_324] : memref<48x128xf32, #tpu.memory_space<vmem>> -> memref<48x128xf32, #tpu.memory_space<vmem>>
    %dma_wait3A_326 = arith.constant 0 : i32
    %dma_wait3A_327 = tpu.memref_slice %arg2[%add3A_218, %dma_wait3A_326] : memref<10000x128xf32, #tpu.memory_space<hbm>> -> memref<48x128xf32, #tpu.memory_space<hbm>>
    %dma_wait3A_328 = arith.constant 0 : i32
    %dma_wait3A_329 = arith.constant 0 : i32
    %dma_wait3A_330 = tpu.memref_slice %arg6[%dma_wait3A_318, %dma_wait3A_328, %dma_wait3A_329] : memref<6x48x128xf32, #tpu.memory_space<vmem>> -> memref<1x48x128xf32, #tpu.memory_space<vmem>>
    %dma_wait3A_331 = tpu.memref_squeeze %dma_wait3A_330 : memref<1x48x128xf32, #tpu.memory_space<vmem>> -> memref<48x128xf32, #tpu.memory_space<vmem>>
    %dma_wait3A_332 = arith.constant 0 : i32
    %dma_wait3A_333 = arith.constant 0 : i32
    %dma_wait3A_334 = tpu.memref_slice %dma_wait3A_331[%dma_wait3A_332, %dma_wait3A_333] : memref<48x128xf32, #tpu.memory_space<vmem>> -> memref<48x128xf32, #tpu.memory_space<vmem>>
    %dma_wait3A_335 = arith.constant 0 : i32
    %dma_wait3A_336 = tpu.memref_slice %arg2[%add3A_218, %dma_wait3A_335] : memref<10000x128xf32, #tpu.memory_space<hbm>> -> memref<48x128xf32, #tpu.memory_space<hbm>>
    tpu.wait_dma2 semaphore(%arg9 : memref<!tpu.dma_semaphore, #tpu.memory_space<semaphore_mem>>) src(%dma_wait3A_336 : memref<48x128xf32, #tpu.memory_space<hbm>>) dst(%dma_wait3A_334 : memref<48x128xf32, #tpu.memory_space<vmem>>)
    %add3A_337 = arith.constant 144 : i32
    %add3A_338 = arith.addi %mul3A_9, %add3A_337 : i32
    %dma_start3A_339 = arith.constant 1 : i32
    %dma_start3A_340 = arith.constant 0 : i32
    %dma_start3A_341 = arith.constant 0 : i32
    %dma_start3A_342 = tpu.memref_slice %arg6[%dma_start3A_339, %dma_start3A_340, %dma_start3A_341] : memref<6x48x128xf32, #tpu.memory_space<vmem>> -> memref<1x48x128xf32, #tpu.memory_space<vmem>>
    %dma_start3A_343 = tpu.memref_squeeze %dma_start3A_342 : memref<1x48x128xf32, #tpu.memory_space<vmem>> -> memref<48x128xf32, #tpu.memory_space<vmem>>
    %dma_start3A_344 = arith.constant 0 : i32
    %dma_start3A_345 = arith.constant 0 : i32
    %dma_start3A_346 = tpu.memref_slice %dma_start3A_343[%dma_start3A_344, %dma_start3A_345] : memref<48x128xf32, #tpu.memory_space<vmem>> -> memref<48x128xf32, #tpu.memory_space<vmem>>
    %dma_start3A_347 = arith.constant 0 : i32
    %dma_start3A_348 = tpu.memref_slice %arg7[%add3A_338, %dma_start3A_347] : memref<10001x128xf32, #tpu.memory_space<vmem_shared>> -> memref<48x128xf32, #tpu.memory_space<vmem_shared>>
    %dma_start3A_349 = arith.constant 0 : i32
    %dma_start3A_350 = tpu.memref_slice %arg7[%add3A_338, %dma_start3A_349] : memref<10001x128xf32, #tpu.memory_space<vmem_shared>> -> memref<48x128xf32, #tpu.memory_space<vmem_shared>>
    %dma_start3A_351 = arith.constant 0 : i32
    %dma_start3A_352 = arith.constant 0 : i32
    %dma_start3A_353 = tpu.memref_slice %arg6[%dma_start3A_339, %dma_start3A_351, %dma_start3A_352] : memref<6x48x128xf32, #tpu.memory_space<vmem>> -> memref<1x48x128xf32, #tpu.memory_space<vmem>>
    %dma_start3A_354 = tpu.memref_squeeze %dma_start3A_353 : memref<1x48x128xf32, #tpu.memory_space<vmem>> -> memref<48x128xf32, #tpu.memory_space<vmem>>
    %dma_start3A_355 = arith.constant 0 : i32
    %dma_start3A_356 = arith.constant 0 : i32
    %dma_start3A_357 = tpu.memref_slice %dma_start3A_354[%dma_start3A_355, %dma_start3A_356] : memref<48x128xf32, #tpu.memory_space<vmem>> -> memref<48x128xf32, #tpu.memory_space<vmem>>
    tpu.enqueue_dma source(%dma_start3A_357 : memref<48x128xf32, #tpu.memory_space<vmem>>) target(%dma_start3A_350 : memref<48x128xf32, #tpu.memory_space<vmem_shared>>) target_semaphore(%arg15 : memref<!tpu.dma_semaphore, #tpu.memory_space<semaphore_mem>>)
    %dma_wait3A_358 = arith.constant 1 : i32
    %dma_wait3A_359 = arith.constant 0 : i32
    %dma_wait3A_360 = arith.constant 0 : i32
    %dma_wait3A_361 = tpu.memref_slice %arg6[%dma_wait3A_358, %dma_wait3A_359, %dma_wait3A_360] : memref<6x48x128xf32, #tpu.memory_space<vmem>> -> memref<1x48x128xf32, #tpu.memory_space<vmem>>
    %dma_wait3A_362 = tpu.memref_squeeze %dma_wait3A_361 : memref<1x48x128xf32, #tpu.memory_space<vmem>> -> memref<48x128xf32, #tpu.memory_space<vmem>>
    %dma_wait3A_363 = arith.constant 0 : i32
    %dma_wait3A_364 = arith.constant 0 : i32
    %dma_wait3A_365 = tpu.memref_slice %dma_wait3A_362[%dma_wait3A_363, %dma_wait3A_364] : memref<48x128xf32, #tpu.memory_space<vmem>> -> memref<48x128xf32, #tpu.memory_space<vmem>>
    %dma_wait3A_366 = arith.constant 0 : i32
    %dma_wait3A_367 = tpu.memref_slice %arg7[%add3A_338, %dma_wait3A_366] : memref<10001x128xf32, #tpu.memory_space<vmem_shared>> -> memref<48x128xf32, #tpu.memory_space<vmem_shared>>
    %dma_wait3A_368 = arith.constant 0 : i32
    %dma_wait3A_369 = tpu.memref_slice %arg7[%add3A_338, %dma_wait3A_368] : memref<10001x128xf32, #tpu.memory_space<vmem_shared>> -> memref<48x128xf32, #tpu.memory_space<vmem_shared>>
    %dma_wait3A_370 = arith.constant 0 : i32
    %dma_wait3A_371 = arith.constant 0 : i32
    %dma_wait3A_372 = tpu.memref_slice %arg6[%dma_wait3A_358, %dma_wait3A_370, %dma_wait3A_371] : memref<6x48x128xf32, #tpu.memory_space<vmem>> -> memref<1x48x128xf32, #tpu.memory_space<vmem>>
    %dma_wait3A_373 = tpu.memref_squeeze %dma_wait3A_372 : memref<1x48x128xf32, #tpu.memory_space<vmem>> -> memref<48x128xf32, #tpu.memory_space<vmem>>
    %dma_wait3A_374 = arith.constant 0 : i32
    %dma_wait3A_375 = arith.constant 0 : i32
    %dma_wait3A_376 = tpu.memref_slice %dma_wait3A_373[%dma_wait3A_374, %dma_wait3A_375] : memref<48x128xf32, #tpu.memory_space<vmem>> -> memref<48x128xf32, #tpu.memory_space<vmem>>
    tpu.wait_dma2 semaphore(%arg15 : memref<!tpu.dma_semaphore, #tpu.memory_space<semaphore_mem>>) src(%dma_wait3A_376 : memref<48x128xf32, #tpu.memory_space<vmem>>) dst(%dma_wait3A_369 : memref<48x128xf32, #tpu.memory_space<vmem_shared>>)
    %add3A_377 = arith.constant 240 : i32
    %add3A_378 = arith.addi %mul3A_9, %add3A_377 : i32
    %dma_start3A_379 = arith.constant 1 : i32
    %dma_start3A_380 = arith.constant 0 : i32
    %dma_start3A_381 = arith.constant 0 : i32
    %dma_start3A_382 = tpu.memref_slice %arg6[%dma_start3A_379, %dma_start3A_380, %dma_start3A_381] : memref<6x48x128xf32, #tpu.memory_space<vmem>> -> memref<1x48x128xf32, #tpu.memory_space<vmem>>
    %dma_start3A_383 = tpu.memref_squeeze %dma_start3A_382 : memref<1x48x128xf32, #tpu.memory_space<vmem>> -> memref<48x128xf32, #tpu.memory_space<vmem>>
    %dma_start3A_384 = arith.constant 0 : i32
    %dma_start3A_385 = arith.constant 0 : i32
    %dma_start3A_386 = tpu.memref_slice %dma_start3A_383[%dma_start3A_384, %dma_start3A_385] : memref<48x128xf32, #tpu.memory_space<vmem>> -> memref<48x128xf32, #tpu.memory_space<vmem>>
    %dma_start3A_387 = arith.constant 0 : i32
    %dma_start3A_388 = tpu.memref_slice %arg2[%add3A_378, %dma_start3A_387] : memref<10000x128xf32, #tpu.memory_space<hbm>> -> memref<48x128xf32, #tpu.memory_space<hbm>>
    %dma_start3A_389 = arith.constant 0 : i32
    %dma_start3A_390 = arith.constant 0 : i32
    %dma_start3A_391 = tpu.memref_slice %arg6[%dma_start3A_379, %dma_start3A_389, %dma_start3A_390] : memref<6x48x128xf32, #tpu.memory_space<vmem>> -> memref<1x48x128xf32, #tpu.memory_space<vmem>>
    %dma_start3A_392 = tpu.memref_squeeze %dma_start3A_391 : memref<1x48x128xf32, #tpu.memory_space<vmem>> -> memref<48x128xf32, #tpu.memory_space<vmem>>
    %dma_start3A_393 = arith.constant 0 : i32
    %dma_start3A_394 = arith.constant 0 : i32
    %dma_start3A_395 = tpu.memref_slice %dma_start3A_392[%dma_start3A_393, %dma_start3A_394] : memref<48x128xf32, #tpu.memory_space<vmem>> -> memref<48x128xf32, #tpu.memory_space<vmem>>
    %dma_start3A_396 = arith.constant 0 : i32
    %dma_start3A_397 = tpu.memref_slice %arg2[%add3A_378, %dma_start3A_396] : memref<10000x128xf32, #tpu.memory_space<hbm>> -> memref<48x128xf32, #tpu.memory_space<hbm>>
    tpu.enqueue_dma source(%dma_start3A_397 : memref<48x128xf32, #tpu.memory_space<hbm>>) target(%dma_start3A_395 : memref<48x128xf32, #tpu.memory_space<vmem>>) target_semaphore(%arg9 : memref<!tpu.dma_semaphore, #tpu.memory_space<semaphore_mem>>)
    %dma_wait3A_398 = arith.constant 0 : i32
    %dma_wait3A_399 = arith.constant 0 : i32
    %dma_wait3A_400 = arith.constant 0 : i32
    %dma_wait3A_401 = tpu.memref_slice %arg6[%dma_wait3A_398, %dma_wait3A_399, %dma_wait3A_400] : memref<6x48x128xf32, #tpu.memory_space<vmem>> -> memref<1x48x128xf32, #tpu.memory_space<vmem>>
    %dma_wait3A_402 = tpu.memref_squeeze %dma_wait3A_401 : memref<1x48x128xf32, #tpu.memory_space<vmem>> -> memref<48x128xf32, #tpu.memory_space<vmem>>
    %dma_wait3A_403 = arith.constant 0 : i32
    %dma_wait3A_404 = arith.constant 0 : i32
    %dma_wait3A_405 = tpu.memref_slice %dma_wait3A_402[%dma_wait3A_403, %dma_wait3A_404] : memref<48x128xf32, #tpu.memory_space<vmem>> -> memref<48x128xf32, #tpu.memory_space<vmem>>
    %dma_wait3A_406 = arith.constant 0 : i32
    %dma_wait3A_407 = tpu.memref_slice %arg2[%add3A_298, %dma_wait3A_406] : memref<10000x128xf32, #tpu.memory_space<hbm>> -> memref<48x128xf32, #tpu.memory_space<hbm>>
    %dma_wait3A_408 = arith.constant 0 : i32
    %dma_wait3A_409 = arith.constant 0 : i32
    %dma_wait3A_410 = tpu.memref_slice %arg6[%dma_wait3A_398, %dma_wait3A_408, %dma_wait3A_409] : memref<6x48x128xf32, #tpu.memory_space<vmem>> -> memref<1x48x128xf32, #tpu.memory_space<vmem>>
    %dma_wait3A_411 = tpu.memref_squeeze %dma_wait3A_410 : memref<1x48x128xf32, #tpu.memory_space<vmem>> -> memref<48x128xf32, #tpu.memory_space<vmem>>
    %dma_wait3A_412 = arith.constant 0 : i32
    %dma_wait3A_413 = arith.constant 0 : i32
    %dma_wait3A_414 = tpu.memref_slice %dma_wait3A_411[%dma_wait3A_412, %dma_wait3A_413] : memref<48x128xf32, #tpu.memory_space<vmem>> -> memref<48x128xf32, #tpu.memory_space<vmem>>
    %dma_wait3A_415 = arith.constant 0 : i32
    %dma_wait3A_416 = tpu.memref_slice %arg2[%add3A_298, %dma_wait3A_415] : memref<10000x128xf32, #tpu.memory_space<hbm>> -> memref<48x128xf32, #tpu.memory_space<hbm>>
    tpu.wait_dma2 semaphore(%arg8 : memref<!tpu.dma_semaphore, #tpu.memory_space<semaphore_mem>>) src(%dma_wait3A_416 : memref<48x128xf32, #tpu.memory_space<hbm>>) dst(%dma_wait3A_414 : memref<48x128xf32, #tpu.memory_space<vmem>>)
    %add3A_417 = arith.constant 192 : i32
    %add3A_418 = arith.addi %mul3A_9, %add3A_417 : i32
    %dma_start3A_419 = arith.constant 0 : i32
    %dma_start3A_420 = arith.constant 0 : i32
    %dma_start3A_421 = arith.constant 0 : i32
    %dma_start3A_422 = tpu.memref_slice %arg6[%dma_start3A_419, %dma_start3A_420, %dma_start3A_421] : memref<6x48x128xf32, #tpu.memory_space<vmem>> -> memref<1x48x128xf32, #tpu.memory_space<vmem>>
    %dma_start3A_423 = tpu.memref_squeeze %dma_start3A_422 : memref<1x48x128xf32, #tpu.memory_space<vmem>> -> memref<48x128xf32, #tpu.memory_space<vmem>>
    %dma_start3A_424 = arith.constant 0 : i32
    %dma_start3A_425 = arith.constant 0 : i32
    %dma_start3A_426 = tpu.memref_slice %dma_start3A_423[%dma_start3A_424, %dma_start3A_425] : memref<48x128xf32, #tpu.memory_space<vmem>> -> memref<48x128xf32, #tpu.memory_space<vmem>>
    %dma_start3A_427 = arith.constant 0 : i32
    %dma_start3A_428 = tpu.memref_slice %arg7[%add3A_418, %dma_start3A_427] : memref<10001x128xf32, #tpu.memory_space<vmem_shared>> -> memref<48x128xf32, #tpu.memory_space<vmem_shared>>
    %dma_start3A_429 = arith.constant 0 : i32
    %dma_start3A_430 = tpu.memref_slice %arg7[%add3A_418, %dma_start3A_429] : memref<10001x128xf32, #tpu.memory_space<vmem_shared>> -> memref<48x128xf32, #tpu.memory_space<vmem_shared>>
    %dma_start3A_431 = arith.constant 0 : i32
    %dma_start3A_432 = arith.constant 0 : i32
    %dma_start3A_433 = tpu.memref_slice %arg6[%dma_start3A_419, %dma_start3A_431, %dma_start3A_432] : memref<6x48x128xf32, #tpu.memory_space<vmem>> -> memref<1x48x128xf32, #tpu.memory_space<vmem>>
    %dma_start3A_434 = tpu.memref_squeeze %dma_start3A_433 : memref<1x48x128xf32, #tpu.memory_space<vmem>> -> memref<48x128xf32, #tpu.memory_space<vmem>>
    %dma_start3A_435 = arith.constant 0 : i32
    %dma_start3A_436 = arith.constant 0 : i32
    %dma_start3A_437 = tpu.memref_slice %dma_start3A_434[%dma_start3A_435, %dma_start3A_436] : memref<48x128xf32, #tpu.memory_space<vmem>> -> memref<48x128xf32, #tpu.memory_space<vmem>>
    tpu.enqueue_dma source(%dma_start3A_437 : memref<48x128xf32, #tpu.memory_space<vmem>>) target(%dma_start3A_430 : memref<48x128xf32, #tpu.memory_space<vmem_shared>>) target_semaphore(%arg14 : memref<!tpu.dma_semaphore, #tpu.memory_space<semaphore_mem>>)
    %dma_wait3A_438 = arith.constant 0 : i32
    %dma_wait3A_439 = arith.constant 0 : i32
    %dma_wait3A_440 = arith.constant 0 : i32
    %dma_wait3A_441 = tpu.memref_slice %arg6[%dma_wait3A_438, %dma_wait3A_439, %dma_wait3A_440] : memref<6x48x128xf32, #tpu.memory_space<vmem>> -> memref<1x48x128xf32, #tpu.memory_space<vmem>>
    %dma_wait3A_442 = tpu.memref_squeeze %dma_wait3A_441 : memref<1x48x128xf32, #tpu.memory_space<vmem>> -> memref<48x128xf32, #tpu.memory_space<vmem>>
    %dma_wait3A_443 = arith.constant 0 : i32
    %dma_wait3A_444 = arith.constant 0 : i32
    %dma_wait3A_445 = tpu.memref_slice %dma_wait3A_442[%dma_wait3A_443, %dma_wait3A_444] : memref<48x128xf32, #tpu.memory_space<vmem>> -> memref<48x128xf32, #tpu.memory_space<vmem>>
    %dma_wait3A_446 = arith.constant 0 : i32
    %dma_wait3A_447 = tpu.memref_slice %arg7[%add3A_418, %dma_wait3A_446] : memref<10001x128xf32, #tpu.memory_space<vmem_shared>> -> memref<48x128xf32, #tpu.memory_space<vmem_shared>>
    %dma_wait3A_448 = arith.constant 0 : i32
    %dma_wait3A_449 = tpu.memref_slice %arg7[%add3A_418, %dma_wait3A_448] : memref<10001x128xf32, #tpu.memory_space<vmem_shared>> -> memref<48x128xf32, #tpu.memory_space<vmem_shared>>
    %dma_wait3A_450 = arith.constant 0 : i32
    %dma_wait3A_451 = arith.constant 0 : i32
    %dma_wait3A_452 = tpu.memref_slice %arg6[%dma_wait3A_438, %dma_wait3A_450, %dma_wait3A_451] : memref<6x48x128xf32, #tpu.memory_space<vmem>> -> memref<1x48x128xf32, #tpu.memory_space<vmem>>
    %dma_wait3A_453 = tpu.memref_squeeze %dma_wait3A_452 : memref<1x48x128xf32, #tpu.memory_space<vmem>> -> memref<48x128xf32, #tpu.memory_space<vmem>>
    %dma_wait3A_454 = arith.constant 0 : i32
    %dma_wait3A_455 = arith.constant 0 : i32
    %dma_wait3A_456 = tpu.memref_slice %dma_wait3A_453[%dma_wait3A_454, %dma_wait3A_455] : memref<48x128xf32, #tpu.memory_space<vmem>> -> memref<48x128xf32, #tpu.memory_space<vmem>>
    tpu.wait_dma2 semaphore(%arg14 : memref<!tpu.dma_semaphore, #tpu.memory_space<semaphore_mem>>) src(%dma_wait3A_456 : memref<48x128xf32, #tpu.memory_space<vmem>>) dst(%dma_wait3A_449 : memref<48x128xf32, #tpu.memory_space<vmem_shared>>)
    %add3A_457 = arith.constant 288 : i32
    %add3A_458 = arith.addi %mul3A_9, %add3A_457 : i32
    %dma_start3A_459 = arith.constant 0 : i32
    %dma_start3A_460 = arith.constant 0 : i32
    %dma_start3A_461 = arith.constant 0 : i32
    %dma_start3A_462 = tpu.memref_slice %arg6[%dma_start3A_459, %dma_start3A_460, %dma_start3A_461] : memref<6x48x128xf32, #tpu.memory_space<vmem>> -> memref<1x48x128xf32, #tpu.memory_space<vmem>>
    %dma_start3A_463 = tpu.memref_squeeze %dma_start3A_462 : memref<1x48x128xf32, #tpu.memory_space<vmem>> -> memref<48x128xf32, #tpu.memory_space<vmem>>
    %dma_start3A_464 = arith.constant 0 : i32
    %dma_start3A_465 = arith.constant 0 : i32
    %dma_start3A_466 = tpu.memref_slice %dma_start3A_463[%dma_start3A_464, %dma_start3A_465] : memref<48x128xf32, #tpu.memory_space<vmem>> -> memref<48x128xf32, #tpu.memory_space<vmem>>
    %dma_start3A_467 = arith.constant 0 : i32
    %dma_start3A_468 = tpu.memref_slice %arg2[%add3A_458, %dma_start3A_467] : memref<10000x128xf32, #tpu.memory_space<hbm>> -> memref<48x128xf32, #tpu.memory_space<hbm>>
    %dma_start3A_469 = arith.constant 0 : i32
    %dma_start3A_470 = arith.constant 0 : i32
    %dma_start3A_471 = tpu.memref_slice %arg6[%dma_start3A_459, %dma_start3A_469, %dma_start3A_470] : memref<6x48x128xf32, #tpu.memory_space<vmem>> -> memref<1x48x128xf32, #tpu.memory_space<vmem>>
    %dma_start3A_472 = tpu.memref_squeeze %dma_start3A_471 : memref<1x48x128xf32, #tpu.memory_space<vmem>> -> memref<48x128xf32, #tpu.memory_space<vmem>>
    %dma_start3A_473 = arith.constant 0 : i32
    %dma_start3A_474 = arith.constant 0 : i32
    %dma_start3A_475 = tpu.memref_slice %dma_start3A_472[%dma_start3A_473, %dma_start3A_474] : memref<48x128xf32, #tpu.memory_space<vmem>> -> memref<48x128xf32, #tpu.memory_space<vmem>>
    %dma_start3A_476 = arith.constant 0 : i32
    %dma_start3A_477 = tpu.memref_slice %arg2[%add3A_458, %dma_start3A_476] : memref<10000x128xf32, #tpu.memory_space<hbm>> -> memref<48x128xf32, #tpu.memory_space<hbm>>
    tpu.enqueue_dma source(%dma_start3A_477 : memref<48x128xf32, #tpu.memory_space<hbm>>) target(%dma_start3A_475 : memref<48x128xf32, #tpu.memory_space<vmem>>) target_semaphore(%arg8 : memref<!tpu.dma_semaphore, #tpu.memory_space<semaphore_mem>>)
    %dma_wait3A_478 = arith.constant 1 : i32
    %dma_wait3A_479 = arith.constant 0 : i32
    %dma_wait3A_480 = arith.constant 0 : i32
    %dma_wait3A_481 = tpu.memref_slice %arg6[%dma_wait3A_478, %dma_wait3A_479, %dma_wait3A_480] : memref<6x48x128xf32, #tpu.memory_space<vmem>> -> memref<1x48x128xf32, #tpu.memory_space<vmem>>
    %dma_wait3A_482 = tpu.memref_squeeze %dma_wait3A_481 : memref<1x48x128xf32, #tpu.memory_space<vmem>> -> memref<48x128xf32, #tpu.memory_space<vmem>>
    %dma_wait3A_483 = arith.constant 0 : i32
    %dma_wait3A_484 = arith.constant 0 : i32
    %dma_wait3A_485 = tpu.memref_slice %dma_wait3A_482[%dma_wait3A_483, %dma_wait3A_484] : memref<48x128xf32, #tpu.memory_space<vmem>> -> memref<48x128xf32, #tpu.memory_space<vmem>>
    %dma_wait3A_486 = arith.constant 0 : i32
    %dma_wait3A_487 = tpu.memref_slice %arg2[%add3A_378, %dma_wait3A_486] : memref<10000x128xf32, #tpu.memory_space<hbm>> -> memref<48x128xf32, #tpu.memory_space<hbm>>
    %dma_wait3A_488 = arith.constant 0 : i32
    %dma_wait3A_489 = arith.constant 0 : i32
    %dma_wait3A_490 = tpu.memref_slice %arg6[%dma_wait3A_478, %dma_wait3A_488, %dma_wait3A_489] : memref<6x48x128xf32, #tpu.memory_space<vmem>> -> memref<1x48x128xf32, #tpu.memory_space<vmem>>
    %dma_wait3A_491 = tpu.memref_squeeze %dma_wait3A_490 : memref<1x48x128xf32, #tpu.memory_space<vmem>> -> memref<48x128xf32, #tpu.memory_space<vmem>>
    %dma_wait3A_492 = arith.constant 0 : i32
    %dma_wait3A_493 = arith.constant 0 : i32
    %dma_wait3A_494 = tpu.memref_slice %dma_wait3A_491[%dma_wait3A_492, %dma_wait3A_493] : memref<48x128xf32, #tpu.memory_space<vmem>> -> memref<48x128xf32, #tpu.memory_space<vmem>>
    %dma_wait3A_495 = arith.constant 0 : i32
    %dma_wait3A_496 = tpu.memref_slice %arg2[%add3A_378, %dma_wait3A_495] : memref<10000x128xf32, #tpu.memory_space<hbm>> -> memref<48x128xf32, #tpu.memory_space<hbm>>
    tpu.wait_dma2 semaphore(%arg9 : memref<!tpu.dma_semaphore, #tpu.memory_space<semaphore_mem>>) src(%dma_wait3A_496 : memref<48x128xf32, #tpu.memory_space<hbm>>) dst(%dma_wait3A_494 : memref<48x128xf32, #tpu.memory_space<vmem>>)
    %add3A_497 = arith.constant 240 : i32
    %add3A_498 = arith.addi %mul3A_9, %add3A_497 : i32
    %dma_start3A_499 = arith.constant 1 : i32
    %dma_start3A_500 = arith.constant 0 : i32
    %dma_start3A_501 = arith.constant 0 : i32
    %dma_start3A_502 = tpu.memref_slice %arg6[%dma_start3A_499, %dma_start3A_500, %dma_start3A_501] : memref<6x48x128xf32, #tpu.memory_space<vmem>> -> memref<1x48x128xf32, #tpu.memory_space<vmem>>
    %dma_start3A_503 = tpu.memref_squeeze %dma_start3A_502 : memref<1x48x128xf32, #tpu.memory_space<vmem>> -> memref<48x128xf32, #tpu.memory_space<vmem>>
    %dma_start3A_504 = arith.constant 0 : i32
    %dma_start3A_505 = arith.constant 0 : i32
    %dma_start3A_506 = tpu.memref_slice %dma_start3A_503[%dma_start3A_504, %dma_start3A_505] : memref<48x128xf32, #tpu.memory_space<vmem>> -> memref<48x128xf32, #tpu.memory_space<vmem>>
    %dma_start3A_507 = arith.constant 0 : i32
    %dma_start3A_508 = tpu.memref_slice %arg7[%add3A_498, %dma_start3A_507] : memref<10001x128xf32, #tpu.memory_space<vmem_shared>> -> memref<48x128xf32, #tpu.memory_space<vmem_shared>>
    %dma_start3A_509 = arith.constant 0 : i32
    %dma_start3A_510 = tpu.memref_slice %arg7[%add3A_498, %dma_start3A_509] : memref<10001x128xf32, #tpu.memory_space<vmem_shared>> -> memref<48x128xf32, #tpu.memory_space<vmem_shared>>
    %dma_start3A_511 = arith.constant 0 : i32
    %dma_start3A_512 = arith.constant 0 : i32
    %dma_start3A_513 = tpu.memref_slice %arg6[%dma_start3A_499, %dma_start3A_511, %dma_start3A_512] : memref<6x48x128xf32, #tpu.memory_space<vmem>> -> memref<1x48x128xf32, #tpu.memory_space<vmem>>
    %dma_start3A_514 = tpu.memref_squeeze %dma_start3A_513 : memref<1x48x128xf32, #tpu.memory_space<vmem>> -> memref<48x128xf32, #tpu.memory_space<vmem>>
    %dma_start3A_515 = arith.constant 0 : i32
    %dma_start3A_516 = arith.constant 0 : i32
    %dma_start3A_517 = tpu.memref_slice %dma_start3A_514[%dma_start3A_515, %dma_start3A_516] : memref<48x128xf32, #tpu.memory_space<vmem>> -> memref<48x128xf32, #tpu.memory_space<vmem>>
    tpu.enqueue_dma source(%dma_start3A_517 : memref<48x128xf32, #tpu.memory_space<vmem>>) target(%dma_start3A_510 : memref<48x128xf32, #tpu.memory_space<vmem_shared>>) target_semaphore(%arg15 : memref<!tpu.dma_semaphore, #tpu.memory_space<semaphore_mem>>)
    %dma_wait3A_518 = arith.constant 1 : i32
    %dma_wait3A_519 = arith.constant 0 : i32
    %dma_wait3A_520 = arith.constant 0 : i32
    %dma_wait3A_521 = tpu.memref_slice %arg6[%dma_wait3A_518, %dma_wait3A_519, %dma_wait3A_520] : memref<6x48x128xf32, #tpu.memory_space<vmem>> -> memref<1x48x128xf32, #tpu.memory_space<vmem>>
    %dma_wait3A_522 = tpu.memref_squeeze %dma_wait3A_521 : memref<1x48x128xf32, #tpu.memory_space<vmem>> -> memref<48x128xf32, #tpu.memory_space<vmem>>
    %dma_wait3A_523 = arith.constant 0 : i32
    %dma_wait3A_524 = arith.constant 0 : i32
    %dma_wait3A_525 = tpu.memref_slice %dma_wait3A_522[%dma_wait3A_523, %dma_wait3A_524] : memref<48x128xf32, #tpu.memory_space<vmem>> -> memref<48x128xf32, #tpu.memory_space<vmem>>
    %dma_wait3A_526 = arith.constant 0 : i32
    %dma_wait3A_527 = tpu.memref_slice %arg7[%add3A_498, %dma_wait3A_526] : memref<10001x128xf32, #tpu.memory_space<vmem_shared>> -> memref<48x128xf32, #tpu.memory_space<vmem_shared>>
    %dma_wait3A_528 = arith.constant 0 : i32
    %dma_wait3A_529 = tpu.memref_slice %arg7[%add3A_498, %dma_wait3A_528] : memref<10001x128xf32, #tpu.memory_space<vmem_shared>> -> memref<48x128xf32, #tpu.memory_space<vmem_shared>>
    %dma_wait3A_530 = arith.constant 0 : i32
    %dma_wait3A_531 = arith.constant 0 : i32
    %dma_wait3A_532 = tpu.memref_slice %arg6[%dma_wait3A_518, %dma_wait3A_530, %dma_wait3A_531] : memref<6x48x128xf32, #tpu.memory_space<vmem>> -> memref<1x48x128xf32, #tpu.memory_space<vmem>>
    %dma_wait3A_533 = tpu.memref_squeeze %dma_wait3A_532 : memref<1x48x128xf32, #tpu.memory_space<vmem>> -> memref<48x128xf32, #tpu.memory_space<vmem>>
    %dma_wait3A_534 = arith.constant 0 : i32
    %dma_wait3A_535 = arith.constant 0 : i32
    %dma_wait3A_536 = tpu.memref_slice %dma_wait3A_533[%dma_wait3A_534, %dma_wait3A_535] : memref<48x128xf32, #tpu.memory_space<vmem>> -> memref<48x128xf32, #tpu.memory_space<vmem>>
    tpu.wait_dma2 semaphore(%arg15 : memref<!tpu.dma_semaphore, #tpu.memory_space<semaphore_mem>>) src(%dma_wait3A_536 : memref<48x128xf32, #tpu.memory_space<vmem>>) dst(%dma_wait3A_529 : memref<48x128xf32, #tpu.memory_space<vmem_shared>>)
    %add3A_537 = arith.constant 336 : i32
    %add3A_538 = arith.addi %mul3A_9, %add3A_537 : i32
    %dma_start3A_539 = arith.constant 1 : i32
    %dma_start3A_540 = arith.constant 0 : i32
    %dma_start3A_541 = arith.constant 0 : i32
    %dma_start3A_542 = tpu.memref_slice %arg6[%dma_start3A_539, %dma_start3A_540, %dma_start3A_541] : memref<6x48x128xf32, #tpu.memory_space<vmem>> -> memref<1x48x128xf32, #tpu.memory_space<vmem>>
    %dma_start3A_543 = tpu.memref_squeeze %dma_start3A_542 : memref<1x48x128xf32, #tpu.memory_space<vmem>> -> memref<48x128xf32, #tpu.memory_space<vmem>>
    %dma_start3A_544 = arith.constant 0 : i32
    %dma_start3A_545 = arith.constant 0 : i32
    %dma_start3A_546 = tpu.memref_slice %dma_start3A_543[%dma_start3A_544, %dma_start3A_545] : memref<48x128xf32, #tpu.memory_space<vmem>> -> memref<48x128xf32, #tpu.memory_space<vmem>>
    %dma_start3A_547 = arith.constant 0 : i32
    %dma_start3A_548 = tpu.memref_slice %arg2[%add3A_538, %dma_start3A_547] : memref<10000x128xf32, #tpu.memory_space<hbm>> -> memref<48x128xf32, #tpu.memory_space<hbm>>
    %dma_start3A_549 = arith.constant 0 : i32
    %dma_start3A_550 = arith.constant 0 : i32
    %dma_start3A_551 = tpu.memref_slice %arg6[%dma_start3A_539, %dma_start3A_549, %dma_start3A_550] : memref<6x48x128xf32, #tpu.memory_space<vmem>> -> memref<1x48x128xf32, #tpu.memory_space<vmem>>
    %dma_start3A_552 = tpu.memref_squeeze %dma_start3A_551 : memref<1x48x128xf32, #tpu.memory_space<vmem>> -> memref<48x128xf32, #tpu.memory_space<vmem>>
    %dma_start3A_553 = arith.constant 0 : i32
    %dma_start3A_554 = arith.constant 0 : i32
    %dma_start3A_555 = tpu.memref_slice %dma_start3A_552[%dma_start3A_553, %dma_start3A_554] : memref<48x128xf32, #tpu.memory_space<vmem>> -> memref<48x128xf32, #tpu.memory_space<vmem>>
    %dma_start3A_556 = arith.constant 0 : i32
    %dma_start3A_557 = tpu.memref_slice %arg2[%add3A_538, %dma_start3A_556] : memref<10000x128xf32, #tpu.memory_space<hbm>> -> memref<48x128xf32, #tpu.memory_space<hbm>>
    tpu.enqueue_dma source(%dma_start3A_557 : memref<48x128xf32, #tpu.memory_space<hbm>>) target(%dma_start3A_555 : memref<48x128xf32, #tpu.memory_space<vmem>>) target_semaphore(%arg9 : memref<!tpu.dma_semaphore, #tpu.memory_space<semaphore_mem>>)
    %dma_wait3A_558 = arith.constant 0 : i32
    %dma_wait3A_559 = arith.constant 0 : i32
    %dma_wait3A_560 = arith.constant 0 : i32
    %dma_wait3A_561 = tpu.memref_slice %arg6[%dma_wait3A_558, %dma_wait3A_559, %dma_wait3A_560] : memref<6x48x128xf32, #tpu.memory_space<vmem>> -> memref<1x48x128xf32, #tpu.memory_space<vmem>>
    %dma_wait3A_562 = tpu.memref_squeeze %dma_wait3A_561 : memref<1x48x128xf32, #tpu.memory_space<vmem>> -> memref<48x128xf32, #tpu.memory_space<vmem>>
    %dma_wait3A_563 = arith.constant 0 : i32
    %dma_wait3A_564 = arith.constant 0 : i32
    %dma_wait3A_565 = tpu.memref_slice %dma_wait3A_562[%dma_wait3A_563, %dma_wait3A_564] : memref<48x128xf32, #tpu.memory_space<vmem>> -> memref<48x128xf32, #tpu.memory_space<vmem>>
    %dma_wait3A_566 = arith.constant 0 : i32
    %dma_wait3A_567 = tpu.memref_slice %arg2[%add3A_458, %dma_wait3A_566] : memref<10000x128xf32, #tpu.memory_space<hbm>> -> memref<48x128xf32, #tpu.memory_space<hbm>>
    %dma_wait3A_568 = arith.constant 0 : i32
    %dma_wait3A_569 = arith.constant 0 : i32
    %dma_wait3A_570 = tpu.memref_slice %arg6[%dma_wait3A_558, %dma_wait3A_568, %dma_wait3A_569] : memref<6x48x128xf32, #tpu.memory_space<vmem>> -> memref<1x48x128xf32, #tpu.memory_space<vmem>>
    %dma_wait3A_571 = tpu.memref_squeeze %dma_wait3A_570 : memref<1x48x128xf32, #tpu.memory_space<vmem>> -> memref<48x128xf32, #tpu.memory_space<vmem>>
    %dma_wait3A_572 = arith.constant 0 : i32
    %dma_wait3A_573 = arith.constant 0 : i32
    %dma_wait3A_574 = tpu.memref_slice %dma_wait3A_571[%dma_wait3A_572, %dma_wait3A_573] : memref<48x128xf32, #tpu.memory_space<vmem>> -> memref<48x128xf32, #tpu.memory_space<vmem>>
    %dma_wait3A_575 = arith.constant 0 : i32
    %dma_wait3A_576 = tpu.memref_slice %arg2[%add3A_458, %dma_wait3A_575] : memref<10000x128xf32, #tpu.memory_space<hbm>> -> memref<48x128xf32, #tpu.memory_space<hbm>>
    tpu.wait_dma2 semaphore(%arg8 : memref<!tpu.dma_semaphore, #tpu.memory_space<semaphore_mem>>) src(%dma_wait3A_576 : memref<48x128xf32, #tpu.memory_space<hbm>>) dst(%dma_wait3A_574 : memref<48x128xf32, #tpu.memory_space<vmem>>)
    %add3A_577 = arith.constant 288 : i32
    %add3A_578 = arith.addi %mul3A_9, %add3A_577 : i32
    %dma_start3A_579 = arith.constant 0 : i32
    %dma_start3A_580 = arith.constant 0 : i32
    %dma_start3A_581 = arith.constant 0 : i32
    %dma_start3A_582 = tpu.memref_slice %arg6[%dma_start3A_579, %dma_start3A_580, %dma_start3A_581] : memref<6x48x128xf32, #tpu.memory_space<vmem>> -> memref<1x48x128xf32, #tpu.memory_space<vmem>>
    %dma_start3A_583 = tpu.memref_squeeze %dma_start3A_582 : memref<1x48x128xf32, #tpu.memory_space<vmem>> -> memref<48x128xf32, #tpu.memory_space<vmem>>
    %dma_start3A_584 = arith.constant 0 : i32
    %dma_start3A_585 = arith.constant 0 : i32
    %dma_start3A_586 = tpu.memref_slice %dma_start3A_583[%dma_start3A_584, %dma_start3A_585] : memref<48x128xf32, #tpu.memory_space<vmem>> -> memref<48x128xf32, #tpu.memory_space<vmem>>
    %dma_start3A_587 = arith.constant 0 : i32
    %dma_start3A_588 = tpu.memref_slice %arg7[%add3A_578, %dma_start3A_587] : memref<10001x128xf32, #tpu.memory_space<vmem_shared>> -> memref<48x128xf32, #tpu.memory_space<vmem_shared>>
    %dma_start3A_589 = arith.constant 0 : i32
    %dma_start3A_590 = tpu.memref_slice %arg7[%add3A_578, %dma_start3A_589] : memref<10001x128xf32, #tpu.memory_space<vmem_shared>> -> memref<48x128xf32, #tpu.memory_space<vmem_shared>>
    %dma_start3A_591 = arith.constant 0 : i32
    %dma_start3A_592 = arith.constant 0 : i32
    %dma_start3A_593 = tpu.memref_slice %arg6[%dma_start3A_579, %dma_start3A_591, %dma_start3A_592] : memref<6x48x128xf32, #tpu.memory_space<vmem>> -> memref<1x48x128xf32, #tpu.memory_space<vmem>>
    %dma_start3A_594 = tpu.memref_squeeze %dma_start3A_593 : memref<1x48x128xf32, #tpu.memory_space<vmem>> -> memref<48x128xf32, #tpu.memory_space<vmem>>
    %dma_start3A_595 = arith.constant 0 : i32
    %dma_start3A_596 = arith.constant 0 : i32
    %dma_start3A_597 = tpu.memref_slice %dma_start3A_594[%dma_start3A_595, %dma_start3A_596] : memref<48x128xf32, #tpu.memory_space<vmem>> -> memref<48x128xf32, #tpu.memory_space<vmem>>
    tpu.enqueue_dma source(%dma_start3A_597 : memref<48x128xf32, #tpu.memory_space<vmem>>) target(%dma_start3A_590 : memref<48x128xf32, #tpu.memory_space<vmem_shared>>) target_semaphore(%arg14 : memref<!tpu.dma_semaphore, #tpu.memory_space<semaphore_mem>>)
    %dma_wait3A_598 = arith.constant 0 : i32
    %dma_wait3A_599 = arith.constant 0 : i32
    %dma_wait3A_600 = arith.constant 0 : i32
    %dma_wait3A_601 = tpu.memref_slice %arg6[%dma_wait3A_598, %dma_wait3A_599, %dma_wait3A_600] : memref<6x48x128xf32, #tpu.memory_space<vmem>> -> memref<1x48x128xf32, #tpu.memory_space<vmem>>
    %dma_wait3A_602 = tpu.memref_squeeze %dma_wait3A_601 : memref<1x48x128xf32, #tpu.memory_space<vmem>> -> memref<48x128xf32, #tpu.memory_space<vmem>>
    %dma_wait3A_603 = arith.constant 0 : i32
    %dma_wait3A_604 = arith.constant 0 : i32
    %dma_wait3A_605 = tpu.memref_slice %dma_wait3A_602[%dma_wait3A_603, %dma_wait3A_604] : memref<48x128xf32, #tpu.memory_space<vmem>> -> memref<48x128xf32, #tpu.memory_space<vmem>>
    %dma_wait3A_606 = arith.constant 0 : i32
    %dma_wait3A_607 = tpu.memref_slice %arg7[%add3A_578, %dma_wait3A_606] : memref<10001x128xf32, #tpu.memory_space<vmem_shared>> -> memref<48x128xf32, #tpu.memory_space<vmem_shared>>
    %dma_wait3A_608 = arith.constant 0 : i32
    %dma_wait3A_609 = tpu.memref_slice %arg7[%add3A_578, %dma_wait3A_608] : memref<10001x128xf32, #tpu.memory_space<vmem_shared>> -> memref<48x128xf32, #tpu.memory_space<vmem_shared>>
    %dma_wait3A_610 = arith.constant 0 : i32
    %dma_wait3A_611 = arith.constant 0 : i32
    %dma_wait3A_612 = tpu.memref_slice %arg6[%dma_wait3A_598, %dma_wait3A_610, %dma_wait3A_611] : memref<6x48x128xf32, #tpu.memory_space<vmem>> -> memref<1x48x128xf32, #tpu.memory_space<vmem>>
    %dma_wait3A_613 = tpu.memref_squeeze %dma_wait3A_612 : memref<1x48x128xf32, #tpu.memory_space<vmem>> -> memref<48x128xf32, #tpu.memory_space<vmem>>
    %dma_wait3A_614 = arith.constant 0 : i32
    %dma_wait3A_615 = arith.constant 0 : i32
    %dma_wait3A_616 = tpu.memref_slice %dma_wait3A_613[%dma_wait3A_614, %dma_wait3A_615] : memref<48x128xf32, #tpu.memory_space<vmem>> -> memref<48x128xf32, #tpu.memory_space<vmem>>
    tpu.wait_dma2 semaphore(%arg14 : memref<!tpu.dma_semaphore, #tpu.memory_space<semaphore_mem>>) src(%dma_wait3A_616 : memref<48x128xf32, #tpu.memory_space<vmem>>) dst(%dma_wait3A_609 : memref<48x128xf32, #tpu.memory_space<vmem_shared>>)
    %add3A_617 = arith.constant 384 : i32
    %add3A_618 = arith.addi %mul3A_9, %add3A_617 : i32
    %dma_start3A_619 = arith.constant 0 : i32
    %dma_start3A_620 = arith.constant 0 : i32
    %dma_start3A_621 = arith.constant 0 : i32
    %dma_start3A_622 = tpu.memref_slice %arg6[%dma_start3A_619, %dma_start3A_620, %dma_start3A_621] : memref<6x48x128xf32, #tpu.memory_space<vmem>> -> memref<1x48x128xf32, #tpu.memory_space<vmem>>
    %dma_start3A_623 = tpu.memref_squeeze %dma_start3A_622 : memref<1x48x128xf32, #tpu.memory_space<vmem>> -> memref<48x128xf32, #tpu.memory_space<vmem>>
    %dma_start3A_624 = arith.constant 0 : i32
    %dma_start3A_625 = arith.constant 0 : i32
    %dma_start3A_626 = tpu.memref_slice %dma_start3A_623[%dma_start3A_624, %dma_start3A_625] : memref<48x128xf32, #tpu.memory_space<vmem>> -> memref<48x128xf32, #tpu.memory_space<vmem>>
    %dma_start3A_627 = arith.constant 0 : i32
    %dma_start3A_628 = tpu.memref_slice %arg2[%add3A_618, %dma_start3A_627] : memref<10000x128xf32, #tpu.memory_space<hbm>> -> memref<48x128xf32, #tpu.memory_space<hbm>>
    %dma_start3A_629 = arith.constant 0 : i32
    %dma_start3A_630 = arith.constant 0 : i32
    %dma_start3A_631 = tpu.memref_slice %arg6[%dma_start3A_619, %dma_start3A_629, %dma_start3A_630] : memref<6x48x128xf32, #tpu.memory_space<vmem>> -> memref<1x48x128xf32, #tpu.memory_space<vmem>>
    %dma_start3A_632 = tpu.memref_squeeze %dma_start3A_631 : memref<1x48x128xf32, #tpu.memory_space<vmem>> -> memref<48x128xf32, #tpu.memory_space<vmem>>
    %dma_start3A_633 = arith.constant 0 : i32
    %dma_start3A_634 = arith.constant 0 : i32
    %dma_start3A_635 = tpu.memref_slice %dma_start3A_632[%dma_start3A_633, %dma_start3A_634] : memref<48x128xf32, #tpu.memory_space<vmem>> -> memref<48x128xf32, #tpu.memory_space<vmem>>
    %dma_start3A_636 = arith.constant 0 : i32
    %dma_start3A_637 = tpu.memref_slice %arg2[%add3A_618, %dma_start3A_636] : memref<10000x128xf32, #tpu.memory_space<hbm>> -> memref<48x128xf32, #tpu.memory_space<hbm>>
    tpu.enqueue_dma source(%dma_start3A_637 : memref<48x128xf32, #tpu.memory_space<hbm>>) target(%dma_start3A_635 : memref<48x128xf32, #tpu.memory_space<vmem>>) target_semaphore(%arg8 : memref<!tpu.dma_semaphore, #tpu.memory_space<semaphore_mem>>)
    %dma_wait3A_638 = arith.constant 1 : i32
    %dma_wait3A_639 = arith.constant 0 : i32
    %dma_wait3A_640 = arith.constant 0 : i32
    %dma_wait3A_641 = tpu.memref_slice %arg6[%dma_wait3A_638, %dma_wait3A_639, %dma_wait3A_640] : memref<6x48x128xf32, #tpu.memory_space<vmem>> -> memref<1x48x128xf32, #tpu.memory_space<vmem>>
    %dma_wait3A_642 = tpu.memref_squeeze %dma_wait3A_641 : memref<1x48x128xf32, #tpu.memory_space<vmem>> -> memref<48x128xf32, #tpu.memory_space<vmem>>
    %dma_wait3A_643 = arith.constant 0 : i32
    %dma_wait3A_644 = arith.constant 0 : i32
    %dma_wait3A_645 = tpu.memref_slice %dma_wait3A_642[%dma_wait3A_643, %dma_wait3A_644] : memref<48x128xf32, #tpu.memory_space<vmem>> -> memref<48x128xf32, #tpu.memory_space<vmem>>
    %dma_wait3A_646 = arith.constant 0 : i32
    %dma_wait3A_647 = tpu.memref_slice %arg2[%add3A_538, %dma_wait3A_646] : memref<10000x128xf32, #tpu.memory_space<hbm>> -> memref<48x128xf32, #tpu.memory_space<hbm>>
    %dma_wait3A_648 = arith.constant 0 : i32
    %dma_wait3A_649 = arith.constant 0 : i32
    %dma_wait3A_650 = tpu.memref_slice %arg6[%dma_wait3A_638, %dma_wait3A_648, %dma_wait3A_649] : memref<6x48x128xf32, #tpu.memory_space<vmem>> -> memref<1x48x128xf32, #tpu.memory_space<vmem>>
    %dma_wait3A_651 = tpu.memref_squeeze %dma_wait3A_650 : memref<1x48x128xf32, #tpu.memory_space<vmem>> -> memref<48x128xf32, #tpu.memory_space<vmem>>
    %dma_wait3A_652 = arith.constant 0 : i32
    %dma_wait3A_653 = arith.constant 0 : i32
    %dma_wait3A_654 = tpu.memref_slice %dma_wait3A_651[%dma_wait3A_652, %dma_wait3A_653] : memref<48x128xf32, #tpu.memory_space<vmem>> -> memref<48x128xf32, #tpu.memory_space<vmem>>
    %dma_wait3A_655 = arith.constant 0 : i32
    %dma_wait3A_656 = tpu.memref_slice %arg2[%add3A_538, %dma_wait3A_655] : memref<10000x128xf32, #tpu.memory_space<hbm>> -> memref<48x128xf32, #tpu.memory_space<hbm>>
    tpu.wait_dma2 semaphore(%arg9 : memref<!tpu.dma_semaphore, #tpu.memory_space<semaphore_mem>>) src(%dma_wait3A_656 : memref<48x128xf32, #tpu.memory_space<hbm>>) dst(%dma_wait3A_654 : memref<48x128xf32, #tpu.memory_space<vmem>>)
    %add3A_657 = arith.constant 336 : i32
    %add3A_658 = arith.addi %mul3A_9, %add3A_657 : i32
    %dma_start3A_659 = arith.constant 1 : i32
    %dma_start3A_660 = arith.constant 0 : i32
    %dma_start3A_661 = arith.constant 0 : i32
    %dma_start3A_662 = tpu.memref_slice %arg6[%dma_start3A_659, %dma_start3A_660, %dma_start3A_661] : memref<6x48x128xf32, #tpu.memory_space<vmem>> -> memref<1x48x128xf32, #tpu.memory_space<vmem>>
    %dma_start3A_663 = tpu.memref_squeeze %dma_start3A_662 : memref<1x48x128xf32, #tpu.memory_space<vmem>> -> memref<48x128xf32, #tpu.memory_space<vmem>>
    %dma_start3A_664 = arith.constant 0 : i32
    %dma_start3A_665 = arith.constant 0 : i32
    %dma_start3A_666 = tpu.memref_slice %dma_start3A_663[%dma_start3A_664, %dma_start3A_665] : memref<48x128xf32, #tpu.memory_space<vmem>> -> memref<48x128xf32, #tpu.memory_space<vmem>>
    %dma_start3A_667 = arith.constant 0 : i32
    %dma_start3A_668 = tpu.memref_slice %arg7[%add3A_658, %dma_start3A_667] : memref<10001x128xf32, #tpu.memory_space<vmem_shared>> -> memref<48x128xf32, #tpu.memory_space<vmem_shared>>
    %dma_start3A_669 = arith.constant 0 : i32
    %dma_start3A_670 = tpu.memref_slice %arg7[%add3A_658, %dma_start3A_669] : memref<10001x128xf32, #tpu.memory_space<vmem_shared>> -> memref<48x128xf32, #tpu.memory_space<vmem_shared>>
    %dma_start3A_671 = arith.constant 0 : i32
    %dma_start3A_672 = arith.constant 0 : i32
    %dma_start3A_673 = tpu.memref_slice %arg6[%dma_start3A_659, %dma_start3A_671, %dma_start3A_672] : memref<6x48x128xf32, #tpu.memory_space<vmem>> -> memref<1x48x128xf32, #tpu.memory_space<vmem>>
    %dma_start3A_674 = tpu.memref_squeeze %dma_start3A_673 : memref<1x48x128xf32, #tpu.memory_space<vmem>> -> memref<48x128xf32, #tpu.memory_space<vmem>>
    %dma_start3A_675 = arith.constant 0 : i32
    %dma_start3A_676 = arith.constant 0 : i32
    %dma_start3A_677 = tpu.memref_slice %dma_start3A_674[%dma_start3A_675, %dma_start3A_676] : memref<48x128xf32, #tpu.memory_space<vmem>> -> memref<48x128xf32, #tpu.memory_space<vmem>>
    tpu.enqueue_dma source(%dma_start3A_677 : memref<48x128xf32, #tpu.memory_space<vmem>>) target(%dma_start3A_670 : memref<48x128xf32, #tpu.memory_space<vmem_shared>>) target_semaphore(%arg15 : memref<!tpu.dma_semaphore, #tpu.memory_space<semaphore_mem>>)
    %dma_wait3A_678 = arith.constant 1 : i32
    %dma_wait3A_679 = arith.constant 0 : i32
    %dma_wait3A_680 = arith.constant 0 : i32
    %dma_wait3A_681 = tpu.memref_slice %arg6[%dma_wait3A_678, %dma_wait3A_679, %dma_wait3A_680] : memref<6x48x128xf32, #tpu.memory_space<vmem>> -> memref<1x48x128xf32, #tpu.memory_space<vmem>>
    %dma_wait3A_682 = tpu.memref_squeeze %dma_wait3A_681 : memref<1x48x128xf32, #tpu.memory_space<vmem>> -> memref<48x128xf32, #tpu.memory_space<vmem>>
    %dma_wait3A_683 = arith.constant 0 : i32
    %dma_wait3A_684 = arith.constant 0 : i32
    %dma_wait3A_685 = tpu.memref_slice %dma_wait3A_682[%dma_wait3A_683, %dma_wait3A_684] : memref<48x128xf32, #tpu.memory_space<vmem>> -> memref<48x128xf32, #tpu.memory_space<vmem>>
    %dma_wait3A_686 = arith.constant 0 : i32
    %dma_wait3A_687 = tpu.memref_slice %arg7[%add3A_658, %dma_wait3A_686] : memref<10001x128xf32, #tpu.memory_space<vmem_shared>> -> memref<48x128xf32, #tpu.memory_space<vmem_shared>>
    %dma_wait3A_688 = arith.constant 0 : i32
    %dma_wait3A_689 = tpu.memref_slice %arg7[%add3A_658, %dma_wait3A_688] : memref<10001x128xf32, #tpu.memory_space<vmem_shared>> -> memref<48x128xf32, #tpu.memory_space<vmem_shared>>
    %dma_wait3A_690 = arith.constant 0 : i32
    %dma_wait3A_691 = arith.constant 0 : i32
    %dma_wait3A_692 = tpu.memref_slice %arg6[%dma_wait3A_678, %dma_wait3A_690, %dma_wait3A_691] : memref<6x48x128xf32, #tpu.memory_space<vmem>> -> memref<1x48x128xf32, #tpu.memory_space<vmem>>
    %dma_wait3A_693 = tpu.memref_squeeze %dma_wait3A_692 : memref<1x48x128xf32, #tpu.memory_space<vmem>> -> memref<48x128xf32, #tpu.memory_space<vmem>>
    %dma_wait3A_694 = arith.constant 0 : i32
    %dma_wait3A_695 = arith.constant 0 : i32
    %dma_wait3A_696 = tpu.memref_slice %dma_wait3A_693[%dma_wait3A_694, %dma_wait3A_695] : memref<48x128xf32, #tpu.memory_space<vmem>> -> memref<48x128xf32, #tpu.memory_space<vmem>>
    tpu.wait_dma2 semaphore(%arg15 : memref<!tpu.dma_semaphore, #tpu.memory_space<semaphore_mem>>) src(%dma_wait3A_696 : memref<48x128xf32, #tpu.memory_space<vmem>>) dst(%dma_wait3A_689 : memref<48x128xf32, #tpu.memory_space<vmem_shared>>)
    %add3A_697 = arith.constant 432 : i32
    %add3A_698 = arith.addi %mul3A_9, %add3A_697 : i32
    %dma_start3A_699 = arith.constant 1 : i32
    %dma_start3A_700 = arith.constant 0 : i32
    %dma_start3A_701 = arith.constant 0 : i32
    %dma_start3A_702 = tpu.memref_slice %arg6[%dma_start3A_699, %dma_start3A_700, %dma_start3A_701] : memref<6x48x128xf32, #tpu.memory_space<vmem>> -> memref<1x48x128xf32, #tpu.memory_space<vmem>>
    %dma_start3A_703 = tpu.memref_squeeze %dma_start3A_702 : memref<1x48x128xf32, #tpu.memory_space<vmem>> -> memref<48x128xf32, #tpu.memory_space<vmem>>
    %dma_start3A_704 = arith.constant 0 : i32
    %dma_start3A_705 = arith.constant 0 : i32
    %dma_start3A_706 = tpu.memref_slice %dma_start3A_703[%dma_start3A_704, %dma_start3A_705] : memref<48x128xf32, #tpu.memory_space<vmem>> -> memref<48x128xf32, #tpu.memory_space<vmem>>
    %dma_start3A_707 = arith.constant 0 : i32
    %dma_start3A_708 = tpu.memref_slice %arg2[%add3A_698, %dma_start3A_707] : memref<10000x128xf32, #tpu.memory_space<hbm>> -> memref<48x128xf32, #tpu.memory_space<hbm>>
    %dma_start3A_709 = arith.constant 0 : i32
    %dma_start3A_710 = arith.constant 0 : i32
    %dma_start3A_711 = tpu.memref_slice %arg6[%dma_start3A_699, %dma_start3A_709, %dma_start3A_710] : memref<6x48x128xf32, #tpu.memory_space<vmem>> -> memref<1x48x128xf32, #tpu.memory_space<vmem>>
    %dma_start3A_712 = tpu.memref_squeeze %dma_start3A_711 : memref<1x48x128xf32, #tpu.memory_space<vmem>> -> memref<48x128xf32, #tpu.memory_space<vmem>>
    %dma_start3A_713 = arith.constant 0 : i32
    %dma_start3A_714 = arith.constant 0 : i32
    %dma_start3A_715 = tpu.memref_slice %dma_start3A_712[%dma_start3A_713, %dma_start3A_714] : memref<48x128xf32, #tpu.memory_space<vmem>> -> memref<48x128xf32, #tpu.memory_space<vmem>>
    %dma_start3A_716 = arith.constant 0 : i32
    %dma_start3A_717 = tpu.memref_slice %arg2[%add3A_698, %dma_start3A_716] : memref<10000x128xf32, #tpu.memory_space<hbm>> -> memref<48x128xf32, #tpu.memory_space<hbm>>
    tpu.enqueue_dma source(%dma_start3A_717 : memref<48x128xf32, #tpu.memory_space<hbm>>) target(%dma_start3A_715 : memref<48x128xf32, #tpu.memory_space<vmem>>) target_semaphore(%arg9 : memref<!tpu.dma_semaphore, #tpu.memory_space<semaphore_mem>>)
    %dma_wait3A_718 = arith.constant 0 : i32
    %dma_wait3A_719 = arith.constant 0 : i32
    %dma_wait3A_720 = arith.constant 0 : i32
    %dma_wait3A_721 = tpu.memref_slice %arg6[%dma_wait3A_718, %dma_wait3A_719, %dma_wait3A_720] : memref<6x48x128xf32, #tpu.memory_space<vmem>> -> memref<1x48x128xf32, #tpu.memory_space<vmem>>
    %dma_wait3A_722 = tpu.memref_squeeze %dma_wait3A_721 : memref<1x48x128xf32, #tpu.memory_space<vmem>> -> memref<48x128xf32, #tpu.memory_space<vmem>>
    %dma_wait3A_723 = arith.constant 0 : i32
    %dma_wait3A_724 = arith.constant 0 : i32
    %dma_wait3A_725 = tpu.memref_slice %dma_wait3A_722[%dma_wait3A_723, %dma_wait3A_724] : memref<48x128xf32, #tpu.memory_space<vmem>> -> memref<48x128xf32, #tpu.memory_space<vmem>>
    %dma_wait3A_726 = arith.constant 0 : i32
    %dma_wait3A_727 = tpu.memref_slice %arg2[%add3A_618, %dma_wait3A_726] : memref<10000x128xf32, #tpu.memory_space<hbm>> -> memref<48x128xf32, #tpu.memory_space<hbm>>
    %dma_wait3A_728 = arith.constant 0 : i32
    %dma_wait3A_729 = arith.constant 0 : i32
    %dma_wait3A_730 = tpu.memref_slice %arg6[%dma_wait3A_718, %dma_wait3A_728, %dma_wait3A_729] : memref<6x48x128xf32, #tpu.memory_space<vmem>> -> memref<1x48x128xf32, #tpu.memory_space<vmem>>
    %dma_wait3A_731 = tpu.memref_squeeze %dma_wait3A_730 : memref<1x48x128xf32, #tpu.memory_space<vmem>> -> memref<48x128xf32, #tpu.memory_space<vmem>>
    %dma_wait3A_732 = arith.constant 0 : i32
    %dma_wait3A_733 = arith.constant 0 : i32
    %dma_wait3A_734 = tpu.memref_slice %dma_wait3A_731[%dma_wait3A_732, %dma_wait3A_733] : memref<48x128xf32, #tpu.memory_space<vmem>> -> memref<48x128xf32, #tpu.memory_space<vmem>>
    %dma_wait3A_735 = arith.constant 0 : i32
    %dma_wait3A_736 = tpu.memref_slice %arg2[%add3A_618, %dma_wait3A_735] : memref<10000x128xf32, #tpu.memory_space<hbm>> -> memref<48x128xf32, #tpu.memory_space<hbm>>
    tpu.wait_dma2 semaphore(%arg8 : memref<!tpu.dma_semaphore, #tpu.memory_space<semaphore_mem>>) src(%dma_wait3A_736 : memref<48x128xf32, #tpu.memory_space<hbm>>) dst(%dma_wait3A_734 : memref<48x128xf32, #tpu.memory_space<vmem>>)
    %add3A_737 = arith.constant 384 : i32
    %add3A_738 = arith.addi %mul3A_9, %add3A_737 : i32
    %dma_start3A_739 = arith.constant 0 : i32
    %dma_start3A_740 = arith.constant 0 : i32
    %dma_start3A_741 = arith.constant 0 : i32
    %dma_start3A_742 = tpu.memref_slice %arg6[%dma_start3A_739, %dma_start3A_740, %dma_start3A_741] : memref<6x48x128xf32, #tpu.memory_space<vmem>> -> memref<1x48x128xf32, #tpu.memory_space<vmem>>
    %dma_start3A_743 = tpu.memref_squeeze %dma_start3A_742 : memref<1x48x128xf32, #tpu.memory_space<vmem>> -> memref<48x128xf32, #tpu.memory_space<vmem>>
    %dma_start3A_744 = arith.constant 0 : i32
    %dma_start3A_745 = arith.constant 0 : i32
    %dma_start3A_746 = tpu.memref_slice %dma_start3A_743[%dma_start3A_744, %dma_start3A_745] : memref<48x128xf32, #tpu.memory_space<vmem>> -> memref<48x128xf32, #tpu.memory_space<vmem>>
    %dma_start3A_747 = arith.constant 0 : i32
    %dma_start3A_748 = tpu.memref_slice %arg7[%add3A_738, %dma_start3A_747] : memref<10001x128xf32, #tpu.memory_space<vmem_shared>> -> memref<48x128xf32, #tpu.memory_space<vmem_shared>>
    %dma_start3A_749 = arith.constant 0 : i32
    %dma_start3A_750 = tpu.memref_slice %arg7[%add3A_738, %dma_start3A_749] : memref<10001x128xf32, #tpu.memory_space<vmem_shared>> -> memref<48x128xf32, #tpu.memory_space<vmem_shared>>
    %dma_start3A_751 = arith.constant 0 : i32
    %dma_start3A_752 = arith.constant 0 : i32
    %dma_start3A_753 = tpu.memref_slice %arg6[%dma_start3A_739, %dma_start3A_751, %dma_start3A_752] : memref<6x48x128xf32, #tpu.memory_space<vmem>> -> memref<1x48x128xf32, #tpu.memory_space<vmem>>
    %dma_start3A_754 = tpu.memref_squeeze %dma_start3A_753 : memref<1x48x128xf32, #tpu.memory_space<vmem>> -> memref<48x128xf32, #tpu.memory_space<vmem>>
    %dma_start3A_755 = arith.constant 0 : i32
    %dma_start3A_756 = arith.constant 0 : i32
    %dma_start3A_757 = tpu.memref_slice %dma_start3A_754[%dma_start3A_755, %dma_start3A_756] : memref<48x128xf32, #tpu.memory_space<vmem>> -> memref<48x128xf32, #tpu.memory_space<vmem>>
    tpu.enqueue_dma source(%dma_start3A_757 : memref<48x128xf32, #tpu.memory_space<vmem>>) target(%dma_start3A_750 : memref<48x128xf32, #tpu.memory_space<vmem_shared>>) target_semaphore(%arg14 : memref<!tpu.dma_semaphore, #tpu.memory_space<semaphore_mem>>)
    %dma_wait3A_758 = arith.constant 0 : i32
    %dma_wait3A_759 = arith.constant 0 : i32
    %dma_wait3A_760 = arith.constant 0 : i32
    %dma_wait3A_761 = tpu.memref_slice %arg6[%dma_wait3A_758, %dma_wait3A_759, %dma_wait3A_760] : memref<6x48x128xf32, #tpu.memory_space<vmem>> -> memref<1x48x128xf32, #tpu.memory_space<vmem>>
    %dma_wait3A_762 = tpu.memref_squeeze %dma_wait3A_761 : memref<1x48x128xf32, #tpu.memory_space<vmem>> -> memref<48x128xf32, #tpu.memory_space<vmem>>
    %dma_wait3A_763 = arith.constant 0 : i32
    %dma_wait3A_764 = arith.constant 0 : i32
    %dma_wait3A_765 = tpu.memref_slice %dma_wait3A_762[%dma_wait3A_763, %dma_wait3A_764] : memref<48x128xf32, #tpu.memory_space<vmem>> -> memref<48x128xf32, #tpu.memory_space<vmem>>
    %dma_wait3A_766 = arith.constant 0 : i32
    %dma_wait3A_767 = tpu.memref_slice %arg7[%add3A_738, %dma_wait3A_766] : memref<10001x128xf32, #tpu.memory_space<vmem_shared>> -> memref<48x128xf32, #tpu.memory_space<vmem_shared>>
    %dma_wait3A_768 = arith.constant 0 : i32
    %dma_wait3A_769 = tpu.memref_slice %arg7[%add3A_738, %dma_wait3A_768] : memref<10001x128xf32, #tpu.memory_space<vmem_shared>> -> memref<48x128xf32, #tpu.memory_space<vmem_shared>>
    %dma_wait3A_770 = arith.constant 0 : i32
    %dma_wait3A_771 = arith.constant 0 : i32
    %dma_wait3A_772 = tpu.memref_slice %arg6[%dma_wait3A_758, %dma_wait3A_770, %dma_wait3A_771] : memref<6x48x128xf32, #tpu.memory_space<vmem>> -> memref<1x48x128xf32, #tpu.memory_space<vmem>>
    %dma_wait3A_773 = tpu.memref_squeeze %dma_wait3A_772 : memref<1x48x128xf32, #tpu.memory_space<vmem>> -> memref<48x128xf32, #tpu.memory_space<vmem>>
    %dma_wait3A_774 = arith.constant 0 : i32
    %dma_wait3A_775 = arith.constant 0 : i32
    %dma_wait3A_776 = tpu.memref_slice %dma_wait3A_773[%dma_wait3A_774, %dma_wait3A_775] : memref<48x128xf32, #tpu.memory_space<vmem>> -> memref<48x128xf32, #tpu.memory_space<vmem>>
    tpu.wait_dma2 semaphore(%arg14 : memref<!tpu.dma_semaphore, #tpu.memory_space<semaphore_mem>>) src(%dma_wait3A_776 : memref<48x128xf32, #tpu.memory_space<vmem>>) dst(%dma_wait3A_769 : memref<48x128xf32, #tpu.memory_space<vmem_shared>>)
    %add3A_777 = arith.constant 480 : i32
    %add3A_778 = arith.addi %mul3A_9, %add3A_777 : i32
    %dma_start3A_779 = arith.constant 0 : i32
    %dma_start3A_780 = arith.constant 0 : i32
    %dma_start3A_781 = arith.constant 0 : i32
    %dma_start3A_782 = tpu.memref_slice %arg6[%dma_start3A_779, %dma_start3A_780, %dma_start3A_781] : memref<6x48x128xf32, #tpu.memory_space<vmem>> -> memref<1x48x128xf32, #tpu.memory_space<vmem>>
    %dma_start3A_783 = tpu.memref_squeeze %dma_start3A_782 : memref<1x48x128xf32, #tpu.memory_space<vmem>> -> memref<48x128xf32, #tpu.memory_space<vmem>>
    %dma_start3A_784 = arith.constant 0 : i32
    %dma_start3A_785 = arith.constant 0 : i32
    %dma_start3A_786 = tpu.memref_slice %dma_start3A_783[%dma_start3A_784, %dma_start3A_785] : memref<48x128xf32, #tpu.memory_space<vmem>> -> memref<48x128xf32, #tpu.memory_space<vmem>>
    %dma_start3A_787 = arith.constant 0 : i32
    %dma_start3A_788 = tpu.memref_slice %arg2[%add3A_778, %dma_start3A_787] : memref<10000x128xf32, #tpu.memory_space<hbm>> -> memref<48x128xf32, #tpu.memory_space<hbm>>
    %dma_start3A_789 = arith.constant 0 : i32
    %dma_start3A_790 = arith.constant 0 : i32
    %dma_start3A_791 = tpu.memref_slice %arg6[%dma_start3A_779, %dma_start3A_789, %dma_start3A_790] : memref<6x48x128xf32, #tpu.memory_space<vmem>> -> memref<1x48x128xf32, #tpu.memory_space<vmem>>
    %dma_start3A_792 = tpu.memref_squeeze %dma_start3A_791 : memref<1x48x128xf32, #tpu.memory_space<vmem>> -> memref<48x128xf32, #tpu.memory_space<vmem>>
    %dma_start3A_793 = arith.constant 0 : i32
    %dma_start3A_794 = arith.constant 0 : i32
    %dma_start3A_795 = tpu.memref_slice %dma_start3A_792[%dma_start3A_793, %dma_start3A_794] : memref<48x128xf32, #tpu.memory_space<vmem>> -> memref<48x128xf32, #tpu.memory_space<vmem>>
    %dma_start3A_796 = arith.constant 0 : i32
    %dma_start3A_797 = tpu.memref_slice %arg2[%add3A_778, %dma_start3A_796] : memref<10000x128xf32, #tpu.memory_space<hbm>> -> memref<48x128xf32, #tpu.memory_space<hbm>>
    tpu.enqueue_dma source(%dma_start3A_797 : memref<48x128xf32, #tpu.memory_space<hbm>>) target(%dma_start3A_795 : memref<48x128xf32, #tpu.memory_space<vmem>>) target_semaphore(%arg8 : memref<!tpu.dma_semaphore, #tpu.memory_space<semaphore_mem>>)
    %dma_wait3A_798 = arith.constant 1 : i32
    %dma_wait3A_799 = arith.constant 0 : i32
    %dma_wait3A_800 = arith.constant 0 : i32
    %dma_wait3A_801 = tpu.memref_slice %arg6[%dma_wait3A_798, %dma_wait3A_799, %dma_wait3A_800] : memref<6x48x128xf32, #tpu.memory_space<vmem>> -> memref<1x48x128xf32, #tpu.memory_space<vmem>>
    %dma_wait3A_802 = tpu.memref_squeeze %dma_wait3A_801 : memref<1x48x128xf32, #tpu.memory_space<vmem>> -> memref<48x128xf32, #tpu.memory_space<vmem>>
    %dma_wait3A_803 = arith.constant 0 : i32
    %dma_wait3A_804 = arith.constant 0 : i32
    %dma_wait3A_805 = tpu.memref_slice %dma_wait3A_802[%dma_wait3A_803, %dma_wait3A_804] : memref<48x128xf32, #tpu.memory_space<vmem>> -> memref<48x128xf32, #tpu.memory_space<vmem>>
    %dma_wait3A_806 = arith.constant 0 : i32
    %dma_wait3A_807 = tpu.memref_slice %arg2[%add3A_698, %dma_wait3A_806] : memref<10000x128xf32, #tpu.memory_space<hbm>> -> memref<48x128xf32, #tpu.memory_space<hbm>>
    %dma_wait3A_808 = arith.constant 0 : i32
    %dma_wait3A_809 = arith.constant 0 : i32
    %dma_wait3A_810 = tpu.memref_slice %arg6[%dma_wait3A_798, %dma_wait3A_808, %dma_wait3A_809] : memref<6x48x128xf32, #tpu.memory_space<vmem>> -> memref<1x48x128xf32, #tpu.memory_space<vmem>>
    %dma_wait3A_811 = tpu.memref_squeeze %dma_wait3A_810 : memref<1x48x128xf32, #tpu.memory_space<vmem>> -> memref<48x128xf32, #tpu.memory_space<vmem>>
    %dma_wait3A_812 = arith.constant 0 : i32
    %dma_wait3A_813 = arith.constant 0 : i32
    %dma_wait3A_814 = tpu.memref_slice %dma_wait3A_811[%dma_wait3A_812, %dma_wait3A_813] : memref<48x128xf32, #tpu.memory_space<vmem>> -> memref<48x128xf32, #tpu.memory_space<vmem>>
    %dma_wait3A_815 = arith.constant 0 : i32
    %dma_wait3A_816 = tpu.memref_slice %arg2[%add3A_698, %dma_wait3A_815] : memref<10000x128xf32, #tpu.memory_space<hbm>> -> memref<48x128xf32, #tpu.memory_space<hbm>>
    tpu.wait_dma2 semaphore(%arg9 : memref<!tpu.dma_semaphore, #tpu.memory_space<semaphore_mem>>) src(%dma_wait3A_816 : memref<48x128xf32, #tpu.memory_space<hbm>>) dst(%dma_wait3A_814 : memref<48x128xf32, #tpu.memory_space<vmem>>)
    %add3A_817 = arith.constant 432 : i32
    %add3A_818 = arith.addi %mul3A_9, %add3A_817 : i32
    %dma_start3A_819 = arith.constant 1 : i32
    %dma_start3A_820 = arith.constant 0 : i32
    %dma_start3A_821 = arith.constant 0 : i32
    %dma_start3A_822 = tpu.memref_slice %arg6[%dma_start3A_819, %dma_start3A_820, %dma_start3A_821] : memref<6x48x128xf32, #tpu.memory_space<vmem>> -> memref<1x48x128xf32, #tpu.memory_space<vmem>>
    %dma_start3A_823 = tpu.memref_squeeze %dma_start3A_822 : memref<1x48x128xf32, #tpu.memory_space<vmem>> -> memref<48x128xf32, #tpu.memory_space<vmem>>
    %dma_start3A_824 = arith.constant 0 : i32
    %dma_start3A_825 = arith.constant 0 : i32
    %dma_start3A_826 = tpu.memref_slice %dma_start3A_823[%dma_start3A_824, %dma_start3A_825] : memref<48x128xf32, #tpu.memory_space<vmem>> -> memref<48x128xf32, #tpu.memory_space<vmem>>
    %dma_start3A_827 = arith.constant 0 : i32
    %dma_start3A_828 = tpu.memref_slice %arg7[%add3A_818, %dma_start3A_827] : memref<10001x128xf32, #tpu.memory_space<vmem_shared>> -> memref<48x128xf32, #tpu.memory_space<vmem_shared>>
    %dma_start3A_829 = arith.constant 0 : i32
    %dma_start3A_830 = tpu.memref_slice %arg7[%add3A_818, %dma_start3A_829] : memref<10001x128xf32, #tpu.memory_space<vmem_shared>> -> memref<48x128xf32, #tpu.memory_space<vmem_shared>>
    %dma_start3A_831 = arith.constant 0 : i32
    %dma_start3A_832 = arith.constant 0 : i32
    %dma_start3A_833 = tpu.memref_slice %arg6[%dma_start3A_819, %dma_start3A_831, %dma_start3A_832] : memref<6x48x128xf32, #tpu.memory_space<vmem>> -> memref<1x48x128xf32, #tpu.memory_space<vmem>>
    %dma_start3A_834 = tpu.memref_squeeze %dma_start3A_833 : memref<1x48x128xf32, #tpu.memory_space<vmem>> -> memref<48x128xf32, #tpu.memory_space<vmem>>
    %dma_start3A_835 = arith.constant 0 : i32
    %dma_start3A_836 = arith.constant 0 : i32
    %dma_start3A_837 = tpu.memref_slice %dma_start3A_834[%dma_start3A_835, %dma_start3A_836] : memref<48x128xf32, #tpu.memory_space<vmem>> -> memref<48x128xf32, #tpu.memory_space<vmem>>
    tpu.enqueue_dma source(%dma_start3A_837 : memref<48x128xf32, #tpu.memory_space<vmem>>) target(%dma_start3A_830 : memref<48x128xf32, #tpu.memory_space<vmem_shared>>) target_semaphore(%arg15 : memref<!tpu.dma_semaphore, #tpu.memory_space<semaphore_mem>>)
    %dma_wait3A_838 = arith.constant 1 : i32
    %dma_wait3A_839 = arith.constant 0 : i32
    %dma_wait3A_840 = arith.constant 0 : i32
    %dma_wait3A_841 = tpu.memref_slice %arg6[%dma_wait3A_838, %dma_wait3A_839, %dma_wait3A_840] : memref<6x48x128xf32, #tpu.memory_space<vmem>> -> memref<1x48x128xf32, #tpu.memory_space<vmem>>
    %dma_wait3A_842 = tpu.memref_squeeze %dma_wait3A_841 : memref<1x48x128xf32, #tpu.memory_space<vmem>> -> memref<48x128xf32, #tpu.memory_space<vmem>>
    %dma_wait3A_843 = arith.constant 0 : i32
    %dma_wait3A_844 = arith.constant 0 : i32
    %dma_wait3A_845 = tpu.memref_slice %dma_wait3A_842[%dma_wait3A_843, %dma_wait3A_844] : memref<48x128xf32, #tpu.memory_space<vmem>> -> memref<48x128xf32, #tpu.memory_space<vmem>>
    %dma_wait3A_846 = arith.constant 0 : i32
    %dma_wait3A_847 = tpu.memref_slice %arg7[%add3A_818, %dma_wait3A_846] : memref<10001x128xf32, #tpu.memory_space<vmem_shared>> -> memref<48x128xf32, #tpu.memory_space<vmem_shared>>
    %dma_wait3A_848 = arith.constant 0 : i32
    %dma_wait3A_849 = tpu.memref_slice %arg7[%add3A_818, %dma_wait3A_848] : memref<10001x128xf32, #tpu.memory_space<vmem_shared>> -> memref<48x128xf32, #tpu.memory_space<vmem_shared>>
    %dma_wait3A_850 = arith.constant 0 : i32
    %dma_wait3A_851 = arith.constant 0 : i32
    %dma_wait3A_852 = tpu.memref_slice %arg6[%dma_wait3A_838, %dma_wait3A_850, %dma_wait3A_851] : memref<6x48x128xf32, #tpu.memory_space<vmem>> -> memref<1x48x128xf32, #tpu.memory_space<vmem>>
    %dma_wait3A_853 = tpu.memref_squeeze %dma_wait3A_852 : memref<1x48x128xf32, #tpu.memory_space<vmem>> -> memref<48x128xf32, #tpu.memory_space<vmem>>
    %dma_wait3A_854 = arith.constant 0 : i32
    %dma_wait3A_855 = arith.constant 0 : i32
    %dma_wait3A_856 = tpu.memref_slice %dma_wait3A_853[%dma_wait3A_854, %dma_wait3A_855] : memref<48x128xf32, #tpu.memory_space<vmem>> -> memref<48x128xf32, #tpu.memory_space<vmem>>
    tpu.wait_dma2 semaphore(%arg15 : memref<!tpu.dma_semaphore, #tpu.memory_space<semaphore_mem>>) src(%dma_wait3A_856 : memref<48x128xf32, #tpu.memory_space<vmem>>) dst(%dma_wait3A_849 : memref<48x128xf32, #tpu.memory_space<vmem_shared>>)
    %add3A_857 = arith.constant 528 : i32
    %add3A_858 = arith.addi %mul3A_9, %add3A_857 : i32
    %dma_start3A_859 = arith.constant 1 : i32
    %dma_start3A_860 = arith.constant 0 : i32
    %dma_start3A_861 = arith.constant 0 : i32
    %dma_start3A_862 = tpu.memref_slice %arg6[%dma_start3A_859, %dma_start3A_860, %dma_start3A_861] : memref<6x48x128xf32, #tpu.memory_space<vmem>> -> memref<1x48x128xf32, #tpu.memory_space<vmem>>
    %dma_start3A_863 = tpu.memref_squeeze %dma_start3A_862 : memref<1x48x128xf32, #tpu.memory_space<vmem>> -> memref<48x128xf32, #tpu.memory_space<vmem>>
    %dma_start3A_864 = arith.constant 0 : i32
    %dma_start3A_865 = arith.constant 0 : i32
    %dma_start3A_866 = tpu.memref_slice %dma_start3A_863[%dma_start3A_864, %dma_start3A_865] : memref<48x128xf32, #tpu.memory_space<vmem>> -> memref<48x128xf32, #tpu.memory_space<vmem>>
    %dma_start3A_867 = arith.constant 0 : i32
    %dma_start3A_868 = tpu.memref_slice %arg2[%add3A_858, %dma_start3A_867] : memref<10000x128xf32, #tpu.memory_space<hbm>> -> memref<48x128xf32, #tpu.memory_space<hbm>>
    %dma_start3A_869 = arith.constant 0 : i32
    %dma_start3A_870 = arith.constant 0 : i32
    %dma_start3A_871 = tpu.memref_slice %arg6[%dma_start3A_859, %dma_start3A_869, %dma_start3A_870] : memref<6x48x128xf32, #tpu.memory_space<vmem>> -> memref<1x48x128xf32, #tpu.memory_space<vmem>>
    %dma_start3A_872 = tpu.memref_squeeze %dma_start3A_871 : memref<1x48x128xf32, #tpu.memory_space<vmem>> -> memref<48x128xf32, #tpu.memory_space<vmem>>
    %dma_start3A_873 = arith.constant 0 : i32
    %dma_start3A_874 = arith.constant 0 : i32
    %dma_start3A_875 = tpu.memref_slice %dma_start3A_872[%dma_start3A_873, %dma_start3A_874] : memref<48x128xf32, #tpu.memory_space<vmem>> -> memref<48x128xf32, #tpu.memory_space<vmem>>
    %dma_start3A_876 = arith.constant 0 : i32
    %dma_start3A_877 = tpu.memref_slice %arg2[%add3A_858, %dma_start3A_876] : memref<10000x128xf32, #tpu.memory_space<hbm>> -> memref<48x128xf32, #tpu.memory_space<hbm>>
    tpu.enqueue_dma source(%dma_start3A_877 : memref<48x128xf32, #tpu.memory_space<hbm>>) target(%dma_start3A_875 : memref<48x128xf32, #tpu.memory_space<vmem>>) target_semaphore(%arg9 : memref<!tpu.dma_semaphore, #tpu.memory_space<semaphore_mem>>)
    %dma_wait3A_878 = arith.constant 0 : i32
    %dma_wait3A_879 = arith.constant 0 : i32
    %dma_wait3A_880 = arith.constant 0 : i32
    %dma_wait3A_881 = tpu.memref_slice %arg6[%dma_wait3A_878, %dma_wait3A_879, %dma_wait3A_880] : memref<6x48x128xf32, #tpu.memory_space<vmem>> -> memref<1x48x128xf32, #tpu.memory_space<vmem>>
    %dma_wait3A_882 = tpu.memref_squeeze %dma_wait3A_881 : memref<1x48x128xf32, #tpu.memory_space<vmem>> -> memref<48x128xf32, #tpu.memory_space<vmem>>
    %dma_wait3A_883 = arith.constant 0 : i32
    %dma_wait3A_884 = arith.constant 0 : i32
    %dma_wait3A_885 = tpu.memref_slice %dma_wait3A_882[%dma_wait3A_883, %dma_wait3A_884] : memref<48x128xf32, #tpu.memory_space<vmem>> -> memref<48x128xf32, #tpu.memory_space<vmem>>
    %dma_wait3A_886 = arith.constant 0 : i32
    %dma_wait3A_887 = tpu.memref_slice %arg2[%add3A_778, %dma_wait3A_886] : memref<10000x128xf32, #tpu.memory_space<hbm>> -> memref<48x128xf32, #tpu.memory_space<hbm>>
    %dma_wait3A_888 = arith.constant 0 : i32
    %dma_wait3A_889 = arith.constant 0 : i32
    %dma_wait3A_890 = tpu.memref_slice %arg6[%dma_wait3A_878, %dma_wait3A_888, %dma_wait3A_889] : memref<6x48x128xf32, #tpu.memory_space<vmem>> -> memref<1x48x128xf32, #tpu.memory_space<vmem>>
    %dma_wait3A_891 = tpu.memref_squeeze %dma_wait3A_890 : memref<1x48x128xf32, #tpu.memory_space<vmem>> -> memref<48x128xf32, #tpu.memory_space<vmem>>
    %dma_wait3A_892 = arith.constant 0 : i32
    %dma_wait3A_893 = arith.constant 0 : i32
    %dma_wait3A_894 = tpu.memref_slice %dma_wait3A_891[%dma_wait3A_892, %dma_wait3A_893] : memref<48x128xf32, #tpu.memory_space<vmem>> -> memref<48x128xf32, #tpu.memory_space<vmem>>
    %dma_wait3A_895 = arith.constant 0 : i32
    %dma_wait3A_896 = tpu.memref_slice %arg2[%add3A_778, %dma_wait3A_895] : memref<10000x128xf32, #tpu.memory_space<hbm>> -> memref<48x128xf32, #tpu.memory_space<hbm>>
    tpu.wait_dma2 semaphore(%arg8 : memref<!tpu.dma_semaphore, #tpu.memory_space<semaphore_mem>>) src(%dma_wait3A_896 : memref<48x128xf32, #tpu.memory_space<hbm>>) dst(%dma_wait3A_894 : memref<48x128xf32, #tpu.memory_space<vmem>>)
    %add3A_897 = arith.constant 480 : i32
    %add3A_898 = arith.addi %mul3A_9, %add3A_897 : i32
    %dma_start3A_899 = arith.constant 0 : i32
    %dma_start3A_900 = arith.constant 0 : i32
    %dma_start3A_901 = arith.constant 0 : i32
    %dma_start3A_902 = tpu.memref_slice %arg6[%dma_start3A_899, %dma_start3A_900, %dma_start3A_901] : memref<6x48x128xf32, #tpu.memory_space<vmem>> -> memref<1x48x128xf32, #tpu.memory_space<vmem>>
    %dma_start3A_903 = tpu.memref_squeeze %dma_start3A_902 : memref<1x48x128xf32, #tpu.memory_space<vmem>> -> memref<48x128xf32, #tpu.memory_space<vmem>>
    %dma_start3A_904 = arith.constant 0 : i32
    %dma_start3A_905 = arith.constant 0 : i32
    %dma_start3A_906 = tpu.memref_slice %dma_start3A_903[%dma_start3A_904, %dma_start3A_905] : memref<48x128xf32, #tpu.memory_space<vmem>> -> memref<48x128xf32, #tpu.memory_space<vmem>>
    %dma_start3A_907 = arith.constant 0 : i32
    %dma_start3A_908 = tpu.memref_slice %arg7[%add3A_898, %dma_start3A_907] : memref<10001x128xf32, #tpu.memory_space<vmem_shared>> -> memref<48x128xf32, #tpu.memory_space<vmem_shared>>
    %dma_start3A_909 = arith.constant 0 : i32
    %dma_start3A_910 = tpu.memref_slice %arg7[%add3A_898, %dma_start3A_909] : memref<10001x128xf32, #tpu.memory_space<vmem_shared>> -> memref<48x128xf32, #tpu.memory_space<vmem_shared>>
    %dma_start3A_911 = arith.constant 0 : i32
    %dma_start3A_912 = arith.constant 0 : i32
    %dma_start3A_913 = tpu.memref_slice %arg6[%dma_start3A_899, %dma_start3A_911, %dma_start3A_912] : memref<6x48x128xf32, #tpu.memory_space<vmem>> -> memref<1x48x128xf32, #tpu.memory_space<vmem>>
    %dma_start3A_914 = tpu.memref_squeeze %dma_start3A_913 : memref<1x48x128xf32, #tpu.memory_space<vmem>> -> memref<48x128xf32, #tpu.memory_space<vmem>>
    %dma_start3A_915 = arith.constant 0 : i32
    %dma_start3A_916 = arith.constant 0 : i32
    %dma_start3A_917 = tpu.memref_slice %dma_start3A_914[%dma_start3A_915, %dma_start3A_916] : memref<48x128xf32, #tpu.memory_space<vmem>> -> memref<48x128xf32, #tpu.memory_space<vmem>>
    tpu.enqueue_dma source(%dma_start3A_917 : memref<48x128xf32, #tpu.memory_space<vmem>>) target(%dma_start3A_910 : memref<48x128xf32, #tpu.memory_space<vmem_shared>>) target_semaphore(%arg14 : memref<!tpu.dma_semaphore, #tpu.memory_space<semaphore_mem>>)
    %dma_wait3A_918 = arith.constant 0 : i32
    %dma_wait3A_919 = arith.constant 0 : i32
    %dma_wait3A_920 = arith.constant 0 : i32
    %dma_wait3A_921 = tpu.memref_slice %arg6[%dma_wait3A_918, %dma_wait3A_919, %dma_wait3A_920] : memref<6x48x128xf32, #tpu.memory_space<vmem>> -> memref<1x48x128xf32, #tpu.memory_space<vmem>>
    %dma_wait3A_922 = tpu.memref_squeeze %dma_wait3A_921 : memref<1x48x128xf32, #tpu.memory_space<vmem>> -> memref<48x128xf32, #tpu.memory_space<vmem>>
    %dma_wait3A_923 = arith.constant 0 : i32
    %dma_wait3A_924 = arith.constant 0 : i32
    %dma_wait3A_925 = tpu.memref_slice %dma_wait3A_922[%dma_wait3A_923, %dma_wait3A_924] : memref<48x128xf32, #tpu.memory_space<vmem>> -> memref<48x128xf32, #tpu.memory_space<vmem>>
    %dma_wait3A_926 = arith.constant 0 : i32
    %dma_wait3A_927 = tpu.memref_slice %arg7[%add3A_898, %dma_wait3A_926] : memref<10001x128xf32, #tpu.memory_space<vmem_shared>> -> memref<48x128xf32, #tpu.memory_space<vmem_shared>>
    %dma_wait3A_928 = arith.constant 0 : i32
    %dma_wait3A_929 = tpu.memref_slice %arg7[%add3A_898, %dma_wait3A_928] : memref<10001x128xf32, #tpu.memory_space<vmem_shared>> -> memref<48x128xf32, #tpu.memory_space<vmem_shared>>
    %dma_wait3A_930 = arith.constant 0 : i32
    %dma_wait3A_931 = arith.constant 0 : i32
    %dma_wait3A_932 = tpu.memref_slice %arg6[%dma_wait3A_918, %dma_wait3A_930, %dma_wait3A_931] : memref<6x48x128xf32, #tpu.memory_space<vmem>> -> memref<1x48x128xf32, #tpu.memory_space<vmem>>
    %dma_wait3A_933 = tpu.memref_squeeze %dma_wait3A_932 : memref<1x48x128xf32, #tpu.memory_space<vmem>> -> memref<48x128xf32, #tpu.memory_space<vmem>>
    %dma_wait3A_934 = arith.constant 0 : i32
    %dma_wait3A_935 = arith.constant 0 : i32
    %dma_wait3A_936 = tpu.memref_slice %dma_wait3A_933[%dma_wait3A_934, %dma_wait3A_935] : memref<48x128xf32, #tpu.memory_space<vmem>> -> memref<48x128xf32, #tpu.memory_space<vmem>>
    tpu.wait_dma2 semaphore(%arg14 : memref<!tpu.dma_semaphore, #tpu.memory_space<semaphore_mem>>) src(%dma_wait3A_936 : memref<48x128xf32, #tpu.memory_space<vmem>>) dst(%dma_wait3A_929 : memref<48x128xf32, #tpu.memory_space<vmem_shared>>)
    %add3A_937 = arith.constant 576 : i32
    %add3A_938 = arith.addi %mul3A_9, %add3A_937 : i32
    %dma_start3A_939 = arith.constant 0 : i32
    %dma_start3A_940 = arith.constant 0 : i32
    %dma_start3A_941 = arith.constant 0 : i32
    %dma_start3A_942 = tpu.memref_slice %arg6[%dma_start3A_939, %dma_start3A_940, %dma_start3A_941] : memref<6x48x128xf32, #tpu.memory_space<vmem>> -> memref<1x48x128xf32, #tpu.memory_space<vmem>>
    %dma_start3A_943 = tpu.memref_squeeze %dma_start3A_942 : memref<1x48x128xf32, #tpu.memory_space<vmem>> -> memref<48x128xf32, #tpu.memory_space<vmem>>
    %dma_start3A_944 = arith.constant 0 : i32
    %dma_start3A_945 = arith.constant 0 : i32
    %dma_start3A_946 = tpu.memref_slice %dma_start3A_943[%dma_start3A_944, %dma_start3A_945] : memref<48x128xf32, #tpu.memory_space<vmem>> -> memref<48x128xf32, #tpu.memory_space<vmem>>
    %dma_start3A_947 = arith.constant 0 : i32
    %dma_start3A_948 = tpu.memref_slice %arg2[%add3A_938, %dma_start3A_947] : memref<10000x128xf32, #tpu.memory_space<hbm>> -> memref<48x128xf32, #tpu.memory_space<hbm>>
    %dma_start3A_949 = arith.constant 0 : i32
    %dma_start3A_950 = arith.constant 0 : i32
    %dma_start3A_951 = tpu.memref_slice %arg6[%dma_start3A_939, %dma_start3A_949, %dma_start3A_950] : memref<6x48x128xf32, #tpu.memory_space<vmem>> -> memref<1x48x128xf32, #tpu.memory_space<vmem>>
    %dma_start3A_952 = tpu.memref_squeeze %dma_start3A_951 : memref<1x48x128xf32, #tpu.memory_space<vmem>> -> memref<48x128xf32, #tpu.memory_space<vmem>>
    %dma_start3A_953 = arith.constant 0 : i32
    %dma_start3A_954 = arith.constant 0 : i32
    %dma_start3A_955 = tpu.memref_slice %dma_start3A_952[%dma_start3A_953, %dma_start3A_954] : memref<48x128xf32, #tpu.memory_space<vmem>> -> memref<48x128xf32, #tpu.memory_space<vmem>>
    %dma_start3A_956 = arith.constant 0 : i32
    %dma_start3A_957 = tpu.memref_slice %arg2[%add3A_938, %dma_start3A_956] : memref<10000x128xf32, #tpu.memory_space<hbm>> -> memref<48x128xf32, #tpu.memory_space<hbm>>
    tpu.enqueue_dma source(%dma_start3A_957 : memref<48x128xf32, #tpu.memory_space<hbm>>) target(%dma_start3A_955 : memref<48x128xf32, #tpu.memory_space<vmem>>) target_semaphore(%arg8 : memref<!tpu.dma_semaphore, #tpu.memory_space<semaphore_mem>>)
    %dma_wait3A_958 = arith.constant 1 : i32
    %dma_wait3A_959 = arith.constant 0 : i32
    %dma_wait3A_960 = arith.constant 0 : i32
    %dma_wait3A_961 = tpu.memref_slice %arg6[%dma_wait3A_958, %dma_wait3A_959, %dma_wait3A_960] : memref<6x48x128xf32, #tpu.memory_space<vmem>> -> memref<1x48x128xf32, #tpu.memory_space<vmem>>
    %dma_wait3A_962 = tpu.memref_squeeze %dma_wait3A_961 : memref<1x48x128xf32, #tpu.memory_space<vmem>> -> memref<48x128xf32, #tpu.memory_space<vmem>>
    %dma_wait3A_963 = arith.constant 0 : i32
    %dma_wait3A_964 = arith.constant 0 : i32
    %dma_wait3A_965 = tpu.memref_slice %dma_wait3A_962[%dma_wait3A_963, %dma_wait3A_964] : memref<48x128xf32, #tpu.memory_space<vmem>> -> memref<48x128xf32, #tpu.memory_space<vmem>>
    %dma_wait3A_966 = arith.constant 0 : i32
    %dma_wait3A_967 = tpu.memref_slice %arg2[%add3A_858, %dma_wait3A_966] : memref<10000x128xf32, #tpu.memory_space<hbm>> -> memref<48x128xf32, #tpu.memory_space<hbm>>
    %dma_wait3A_968 = arith.constant 0 : i32
    %dma_wait3A_969 = arith.constant 0 : i32
    %dma_wait3A_970 = tpu.memref_slice %arg6[%dma_wait3A_958, %dma_wait3A_968, %dma_wait3A_969] : memref<6x48x128xf32, #tpu.memory_space<vmem>> -> memref<1x48x128xf32, #tpu.memory_space<vmem>>
    %dma_wait3A_971 = tpu.memref_squeeze %dma_wait3A_970 : memref<1x48x128xf32, #tpu.memory_space<vmem>> -> memref<48x128xf32, #tpu.memory_space<vmem>>
    %dma_wait3A_972 = arith.constant 0 : i32
    %dma_wait3A_973 = arith.constant 0 : i32
    %dma_wait3A_974 = tpu.memref_slice %dma_wait3A_971[%dma_wait3A_972, %dma_wait3A_973] : memref<48x128xf32, #tpu.memory_space<vmem>> -> memref<48x128xf32, #tpu.memory_space<vmem>>
    %dma_wait3A_975 = arith.constant 0 : i32
    %dma_wait3A_976 = tpu.memref_slice %arg2[%add3A_858, %dma_wait3A_975] : memref<10000x128xf32, #tpu.memory_space<hbm>> -> memref<48x128xf32, #tpu.memory_space<hbm>>
    tpu.wait_dma2 semaphore(%arg9 : memref<!tpu.dma_semaphore, #tpu.memory_space<semaphore_mem>>) src(%dma_wait3A_976 : memref<48x128xf32, #tpu.memory_space<hbm>>) dst(%dma_wait3A_974 : memref<48x128xf32, #tpu.memory_space<vmem>>)
    %add3A_977 = arith.constant 528 : i32
    %add3A_978 = arith.addi %mul3A_9, %add3A_977 : i32
    %dma_start3A_979 = arith.constant 1 : i32
    %dma_start3A_980 = arith.constant 0 : i32
    %dma_start3A_981 = arith.constant 0 : i32
    %dma_start3A_982 = tpu.memref_slice %arg6[%dma_start3A_979, %dma_start3A_980, %dma_start3A_981] : memref<6x48x128xf32, #tpu.memory_space<vmem>> -> memref<1x48x128xf32, #tpu.memory_space<vmem>>
    %dma_start3A_983 = tpu.memref_squeeze %dma_start3A_982 : memref<1x48x128xf32, #tpu.memory_space<vmem>> -> memref<48x128xf32, #tpu.memory_space<vmem>>
    %dma_start3A_984 = arith.constant 0 : i32
    %dma_start3A_985 = arith.constant 0 : i32
    %dma_start3A_986 = tpu.memref_slice %dma_start3A_983[%dma_start3A_984, %dma_start3A_985] : memref<48x128xf32, #tpu.memory_space<vmem>> -> memref<48x128xf32, #tpu.memory_space<vmem>>
    %dma_start3A_987 = arith.constant 0 : i32
    %dma_start3A_988 = tpu.memref_slice %arg7[%add3A_978, %dma_start3A_987] : memref<10001x128xf32, #tpu.memory_space<vmem_shared>> -> memref<48x128xf32, #tpu.memory_space<vmem_shared>>
    %dma_start3A_989 = arith.constant 0 : i32
    %dma_start3A_990 = tpu.memref_slice %arg7[%add3A_978, %dma_start3A_989] : memref<10001x128xf32, #tpu.memory_space<vmem_shared>> -> memref<48x128xf32, #tpu.memory_space<vmem_shared>>
    %dma_start3A_991 = arith.constant 0 : i32
    %dma_start3A_992 = arith.constant 0 : i32
    %dma_start3A_993 = tpu.memref_slice %arg6[%dma_start3A_979, %dma_start3A_991, %dma_start3A_992] : memref<6x48x128xf32, #tpu.memory_space<vmem>> -> memref<1x48x128xf32, #tpu.memory_space<vmem>>
    %dma_start3A_994 = tpu.memref_squeeze %dma_start3A_993 : memref<1x48x128xf32, #tpu.memory_space<vmem>> -> memref<48x128xf32, #tpu.memory_space<vmem>>
    %dma_start3A_995 = arith.constant 0 : i32
    %dma_start3A_996 = arith.constant 0 : i32
    %dma_start3A_997 = tpu.memref_slice %dma_start3A_994[%dma_start3A_995, %dma_start3A_996] : memref<48x128xf32, #tpu.memory_space<vmem>> -> memref<48x128xf32, #tpu.memory_space<vmem>>
    tpu.enqueue_dma source(%dma_start3A_997 : memref<48x128xf32, #tpu.memory_space<vmem>>) target(%dma_start3A_990 : memref<48x128xf32, #tpu.memory_space<vmem_shared>>) target_semaphore(%arg15 : memref<!tpu.dma_semaphore, #tpu.memory_space<semaphore_mem>>)
    %dma_wait3A_998 = arith.constant 1 : i32
    %dma_wait3A_999 = arith.constant 0 : i32
    %dma_wait3A_1000 = arith.constant 0 : i32
    %dma_wait3A_1001 = tpu.memref_slice %arg6[%dma_wait3A_998, %dma_wait3A_999, %dma_wait3A_1000] : memref<6x48x128xf32, #tpu.memory_space<vmem>> -> memref<1x48x128xf32, #tpu.memory_space<vmem>>
    %dma_wait3A_1002 = tpu.memref_squeeze %dma_wait3A_1001 : memref<1x48x128xf32, #tpu.memory_space<vmem>> -> memref<48x128xf32, #tpu.memory_space<vmem>>
    %dma_wait3A_1003 = arith.constant 0 : i32
    %dma_wait3A_1004 = arith.constant 0 : i32
    %dma_wait3A_1005 = tpu.memref_slice %dma_wait3A_1002[%dma_wait3A_1003, %dma_wait3A_1004] : memref<48x128xf32, #tpu.memory_space<vmem>> -> memref<48x128xf32, #tpu.memory_space<vmem>>
    %dma_wait3A_1006 = arith.constant 0 : i32
    %dma_wait3A_1007 = tpu.memref_slice %arg7[%add3A_978, %dma_wait3A_1006] : memref<10001x128xf32, #tpu.memory_space<vmem_shared>> -> memref<48x128xf32, #tpu.memory_space<vmem_shared>>
    %dma_wait3A_1008 = arith.constant 0 : i32
    %dma_wait3A_1009 = tpu.memref_slice %arg7[%add3A_978, %dma_wait3A_1008] : memref<10001x128xf32, #tpu.memory_space<vmem_shared>> -> memref<48x128xf32, #tpu.memory_space<vmem_shared>>
    %dma_wait3A_1010 = arith.constant 0 : i32
    %dma_wait3A_1011 = arith.constant 0 : i32
    %dma_wait3A_1012 = tpu.memref_slice %arg6[%dma_wait3A_998, %dma_wait3A_1010, %dma_wait3A_1011] : memref<6x48x128xf32, #tpu.memory_space<vmem>> -> memref<1x48x128xf32, #tpu.memory_space<vmem>>
    %dma_wait3A_1013 = tpu.memref_squeeze %dma_wait3A_1012 : memref<1x48x128xf32, #tpu.memory_space<vmem>> -> memref<48x128xf32, #tpu.memory_space<vmem>>
    %dma_wait3A_1014 = arith.constant 0 : i32
    %dma_wait3A_1015 = arith.constant 0 : i32
    %dma_wait3A_1016 = tpu.memref_slice %dma_wait3A_1013[%dma_wait3A_1014, %dma_wait3A_1015] : memref<48x128xf32, #tpu.memory_space<vmem>> -> memref<48x128xf32, #tpu.memory_space<vmem>>
    tpu.wait_dma2 semaphore(%arg15 : memref<!tpu.dma_semaphore, #tpu.memory_space<semaphore_mem>>) src(%dma_wait3A_1016 : memref<48x128xf32, #tpu.memory_space<vmem>>) dst(%dma_wait3A_1009 : memref<48x128xf32, #tpu.memory_space<vmem_shared>>)
    %dma_wait3A_1017 = arith.constant 0 : i32
    %dma_wait3A_1018 = arith.constant 0 : i32
    %dma_wait3A_1019 = arith.constant 0 : i32
    %dma_wait3A_1020 = tpu.memref_slice %arg6[%dma_wait3A_1017, %dma_wait3A_1018, %dma_wait3A_1019] : memref<6x48x128xf32, #tpu.memory_space<vmem>> -> memref<1x48x128xf32, #tpu.memory_space<vmem>>
    %dma_wait3A_1021 = tpu.memref_squeeze %dma_wait3A_1020 : memref<1x48x128xf32, #tpu.memory_space<vmem>> -> memref<48x128xf32, #tpu.memory_space<vmem>>
    %dma_wait3A_1022 = arith.constant 0 : i32
    %dma_wait3A_1023 = arith.constant 0 : i32
    %dma_wait3A_1024 = tpu.memref_slice %dma_wait3A_1021[%dma_wait3A_1022, %dma_wait3A_1023] : memref<48x128xf32, #tpu.memory_space<vmem>> -> memref<48x128xf32, #tpu.memory_space<vmem>>
    %dma_wait3A_1025 = arith.constant 0 : i32
    %dma_wait3A_1026 = tpu.memref_slice %arg2[%add3A_938, %dma_wait3A_1025] : memref<10000x128xf32, #tpu.memory_space<hbm>> -> memref<48x128xf32, #tpu.memory_space<hbm>>
    %dma_wait3A_1027 = arith.constant 0 : i32
    %dma_wait3A_1028 = arith.constant 0 : i32
    %dma_wait3A_1029 = tpu.memref_slice %arg6[%dma_wait3A_1017, %dma_wait3A_1027, %dma_wait3A_1028] : memref<6x48x128xf32, #tpu.memory_space<vmem>> -> memref<1x48x128xf32, #tpu.memory_space<vmem>>
    %dma_wait3A_1030 = tpu.memref_squeeze %dma_wait3A_1029 : memref<1x48x128xf32, #tpu.memory_space<vmem>> -> memref<48x128xf32, #tpu.memory_space<vmem>>
    %dma_wait3A_1031 = arith.constant 0 : i32
    %dma_wait3A_1032 = arith.constant 0 : i32
    %dma_wait3A_1033 = tpu.memref_slice %dma_wait3A_1030[%dma_wait3A_1031, %dma_wait3A_1032] : memref<48x128xf32, #tpu.memory_space<vmem>> -> memref<48x128xf32, #tpu.memory_space<vmem>>
    %dma_wait3A_1034 = arith.constant 0 : i32
    %dma_wait3A_1035 = tpu.memref_slice %arg2[%add3A_938, %dma_wait3A_1034] : memref<10000x128xf32, #tpu.memory_space<hbm>> -> memref<48x128xf32, #tpu.memory_space<hbm>>
    tpu.wait_dma2 semaphore(%arg8 : memref<!tpu.dma_semaphore, #tpu.memory_space<semaphore_mem>>) src(%dma_wait3A_1035 : memref<48x128xf32, #tpu.memory_space<hbm>>) dst(%dma_wait3A_1033 : memref<48x128xf32, #tpu.memory_space<vmem>>)
    %add3A_1036 = arith.constant 576 : i32
    %add3A_1037 = arith.addi %mul3A_9, %add3A_1036 : i32
    %dma_start3A_1038 = arith.constant 0 : i32
    %dma_start3A_1039 = arith.constant 0 : i32
    %dma_start3A_1040 = arith.constant 0 : i32
    %dma_start3A_1041 = tpu.memref_slice %arg6[%dma_start3A_1038, %dma_start3A_1039, %dma_start3A_1040] : memref<6x48x128xf32, #tpu.memory_space<vmem>> -> memref<1x48x128xf32, #tpu.memory_space<vmem>>
    %dma_start3A_1042 = tpu.memref_squeeze %dma_start3A_1041 : memref<1x48x128xf32, #tpu.memory_space<vmem>> -> memref<48x128xf32, #tpu.memory_space<vmem>>
    %dma_start3A_1043 = arith.constant 0 : i32
    %dma_start3A_1044 = arith.constant 0 : i32
    %dma_start3A_1045 = tpu.memref_slice %dma_start3A_1042[%dma_start3A_1043, %dma_start3A_1044] : memref<48x128xf32, #tpu.memory_space<vmem>> -> memref<48x128xf32, #tpu.memory_space<vmem>>
    %dma_start3A_1046 = arith.constant 0 : i32
    %dma_start3A_1047 = tpu.memref_slice %arg7[%add3A_1037, %dma_start3A_1046] : memref<10001x128xf32, #tpu.memory_space<vmem_shared>> -> memref<48x128xf32, #tpu.memory_space<vmem_shared>>
    %dma_start3A_1048 = arith.constant 0 : i32
    %dma_start3A_1049 = tpu.memref_slice %arg7[%add3A_1037, %dma_start3A_1048] : memref<10001x128xf32, #tpu.memory_space<vmem_shared>> -> memref<48x128xf32, #tpu.memory_space<vmem_shared>>
    %dma_start3A_1050 = arith.constant 0 : i32
    %dma_start3A_1051 = arith.constant 0 : i32
    %dma_start3A_1052 = tpu.memref_slice %arg6[%dma_start3A_1038, %dma_start3A_1050, %dma_start3A_1051] : memref<6x48x128xf32, #tpu.memory_space<vmem>> -> memref<1x48x128xf32, #tpu.memory_space<vmem>>
    %dma_start3A_1053 = tpu.memref_squeeze %dma_start3A_1052 : memref<1x48x128xf32, #tpu.memory_space<vmem>> -> memref<48x128xf32, #tpu.memory_space<vmem>>
    %dma_start3A_1054 = arith.constant 0 : i32
    %dma_start3A_1055 = arith.constant 0 : i32
    %dma_start3A_1056 = tpu.memref_slice %dma_start3A_1053[%dma_start3A_1054, %dma_start3A_1055] : memref<48x128xf32, #tpu.memory_space<vmem>> -> memref<48x128xf32, #tpu.memory_space<vmem>>
    tpu.enqueue_dma source(%dma_start3A_1056 : memref<48x128xf32, #tpu.memory_space<vmem>>) target(%dma_start3A_1049 : memref<48x128xf32, #tpu.memory_space<vmem_shared>>) target_semaphore(%arg14 : memref<!tpu.dma_semaphore, #tpu.memory_space<semaphore_mem>>)
    %dma_wait3A_1057 = arith.constant 0 : i32
    %dma_wait3A_1058 = arith.constant 0 : i32
    %dma_wait3A_1059 = arith.constant 0 : i32
    %dma_wait3A_1060 = tpu.memref_slice %arg6[%dma_wait3A_1057, %dma_wait3A_1058, %dma_wait3A_1059] : memref<6x48x128xf32, #tpu.memory_space<vmem>> -> memref<1x48x128xf32, #tpu.memory_space<vmem>>
    %dma_wait3A_1061 = tpu.memref_squeeze %dma_wait3A_1060 : memref<1x48x128xf32, #tpu.memory_space<vmem>> -> memref<48x128xf32, #tpu.memory_space<vmem>>
    %dma_wait3A_1062 = arith.constant 0 : i32
    %dma_wait3A_1063 = arith.constant 0 : i32
    %dma_wait3A_1064 = tpu.memref_slice %dma_wait3A_1061[%dma_wait3A_1062, %dma_wait3A_1063] : memref<48x128xf32, #tpu.memory_space<vmem>> -> memref<48x128xf32, #tpu.memory_space<vmem>>
    %dma_wait3A_1065 = arith.constant 0 : i32
    %dma_wait3A_1066 = tpu.memref_slice %arg7[%add3A_1037, %dma_wait3A_1065] : memref<10001x128xf32, #tpu.memory_space<vmem_shared>> -> memref<48x128xf32, #tpu.memory_space<vmem_shared>>
    %dma_wait3A_1067 = arith.constant 0 : i32
    %dma_wait3A_1068 = tpu.memref_slice %arg7[%add3A_1037, %dma_wait3A_1067] : memref<10001x128xf32, #tpu.memory_space<vmem_shared>> -> memref<48x128xf32, #tpu.memory_space<vmem_shared>>
    %dma_wait3A_1069 = arith.constant 0 : i32
    %dma_wait3A_1070 = arith.constant 0 : i32
    %dma_wait3A_1071 = tpu.memref_slice %arg6[%dma_wait3A_1057, %dma_wait3A_1069, %dma_wait3A_1070] : memref<6x48x128xf32, #tpu.memory_space<vmem>> -> memref<1x48x128xf32, #tpu.memory_space<vmem>>
    %dma_wait3A_1072 = tpu.memref_squeeze %dma_wait3A_1071 : memref<1x48x128xf32, #tpu.memory_space<vmem>> -> memref<48x128xf32, #tpu.memory_space<vmem>>
    %dma_wait3A_1073 = arith.constant 0 : i32
    %dma_wait3A_1074 = arith.constant 0 : i32
    %dma_wait3A_1075 = tpu.memref_slice %dma_wait3A_1072[%dma_wait3A_1073, %dma_wait3A_1074] : memref<48x128xf32, #tpu.memory_space<vmem>> -> memref<48x128xf32, #tpu.memory_space<vmem>>
    tpu.wait_dma2 semaphore(%arg14 : memref<!tpu.dma_semaphore, #tpu.memory_space<semaphore_mem>>) src(%dma_wait3A_1075 : memref<48x128xf32, #tpu.memory_space<vmem>>) dst(%dma_wait3A_1068 : memref<48x128xf32, #tpu.memory_space<vmem_shared>>)
    %broadcast_in_dim3A_1076 = arith.constant 0.000000e+00 : f32
    %broadcast_in_dim3A_1077 = vector.broadcast %broadcast_in_dim3A_1076 : f32 to vector<16xf32>
    %eq3A = arith.constant 0 : i32
    %eq3A_1078 = arith.cmpi eq, %arg1, %eq3A : i32
    %convert_element_type3A = arith.extui %eq3A_1078 : i1 to i32
    %cond3A = arith.constant 0 : i32
    %cond3A_1079 = arith.cmpi ne, %convert_element_type3A, %cond3A : i32
    scf.if %cond3A_1079 {
      %run_scoped3A_1355 = arith.constant 0 : i32
      "tpu.region"() ({
        %run_scoped3A_1422 = tpu.sem_alloc : memref<!tpu.dma_semaphore, #tpu.memory_space<semaphore_mem>>
        %dma_start3A_1423 = arith.constant 0 : i32
        %dma_start3A_1424 = arith.constant 0 : i32
        %dma_start3A_1425 = tpu.memref_slice %arg6[%run_scoped3A_1355, %dma_start3A_1423, %dma_start3A_1424] : memref<6x48x128xf32, #tpu.memory_space<vmem>> -> memref<1x48x128xf32, #tpu.memory_space<vmem>>
        %dma_start3A_1426 = tpu.memref_squeeze %dma_start3A_1425 : memref<1x48x128xf32, #tpu.memory_space<vmem>> -> memref<48x128xf32, #tpu.memory_space<vmem>>
        %dma_start3A_1427 = arith.constant 0 : i32
        %dma_start3A_1428 = arith.constant 0 : i32
        %dma_start3A_1429 = tpu.memref_slice %dma_start3A_1426[%dma_start3A_1427, %dma_start3A_1428] : memref<48x128xf32, #tpu.memory_space<vmem>> -> memref<16x128xf32, #tpu.memory_space<vmem>>
        %dma_start3A_1430 = arith.constant 9984 : i32
        %dma_start3A_1431 = arith.constant 0 : i32
        %dma_start3A_1432 = tpu.memref_slice %arg2[%dma_start3A_1430, %dma_start3A_1431] : memref<10000x128xf32, #tpu.memory_space<hbm>> -> memref<16x128xf32, #tpu.memory_space<hbm>>
        %dma_start3A_1433 = arith.constant 0 : i32
        %dma_start3A_1434 = arith.constant 0 : i32
        %dma_start3A_1435 = tpu.memref_slice %arg6[%run_scoped3A_1355, %dma_start3A_1433, %dma_start3A_1434] : memref<6x48x128xf32, #tpu.memory_space<vmem>> -> memref<1x48x128xf32, #tpu.memory_space<vmem>>
        %dma_start3A_1436 = tpu.memref_squeeze %dma_start3A_1435 : memref<1x48x128xf32, #tpu.memory_space<vmem>> -> memref<48x128xf32, #tpu.memory_space<vmem>>
        %dma_start3A_1437 = arith.constant 0 : i32
        %dma_start3A_1438 = arith.constant 0 : i32
        %dma_start3A_1439 = tpu.memref_slice %dma_start3A_1436[%dma_start3A_1437, %dma_start3A_1438] : memref<48x128xf32, #tpu.memory_space<vmem>> -> memref<16x128xf32, #tpu.memory_space<vmem>>
        %dma_start3A_1440 = arith.constant 9984 : i32
        %dma_start3A_1441 = arith.constant 0 : i32
        %dma_start3A_1442 = tpu.memref_slice %arg2[%dma_start3A_1440, %dma_start3A_1441] : memref<10000x128xf32, #tpu.memory_space<hbm>> -> memref<16x128xf32, #tpu.memory_space<hbm>>
        tpu.enqueue_dma source(%dma_start3A_1442 : memref<16x128xf32, #tpu.memory_space<hbm>>) target(%dma_start3A_1439 : memref<16x128xf32, #tpu.memory_space<vmem>>) target_semaphore(%run_scoped3A_1422 : memref<!tpu.dma_semaphore, #tpu.memory_space<semaphore_mem>>)
        %dma_wait3A_1443 = arith.constant 0 : i32
        %dma_wait3A_1444 = arith.constant 0 : i32
        %dma_wait3A_1445 = tpu.memref_slice %arg6[%run_scoped3A_1355, %dma_wait3A_1443, %dma_wait3A_1444] : memref<6x48x128xf32, #tpu.memory_space<vmem>> -> memref<1x48x128xf32, #tpu.memory_space<vmem>>
        %dma_wait3A_1446 = tpu.memref_squeeze %dma_wait3A_1445 : memref<1x48x128xf32, #tpu.memory_space<vmem>> -> memref<48x128xf32, #tpu.memory_space<vmem>>
        %dma_wait3A_1447 = arith.constant 0 : i32
        %dma_wait3A_1448 = arith.constant 0 : i32
        %dma_wait3A_1449 = tpu.memref_slice %dma_wait3A_1446[%dma_wait3A_1447, %dma_wait3A_1448] : memref<48x128xf32, #tpu.memory_space<vmem>> -> memref<16x128xf32, #tpu.memory_space<vmem>>
        %dma_wait3A_1450 = arith.constant 9984 : i32
        %dma_wait3A_1451 = arith.constant 0 : i32
        %dma_wait3A_1452 = tpu.memref_slice %arg2[%dma_wait3A_1450, %dma_wait3A_1451] : memref<10000x128xf32, #tpu.memory_space<hbm>> -> memref<16x128xf32, #tpu.memory_space<hbm>>
        %dma_wait3A_1453 = arith.constant 0 : i32
        %dma_wait3A_1454 = arith.constant 0 : i32
        %dma_wait3A_1455 = tpu.memref_slice %arg6[%run_scoped3A_1355, %dma_wait3A_1453, %dma_wait3A_1454] : memref<6x48x128xf32, #tpu.memory_space<vmem>> -> memref<1x48x128xf32, #tpu.memory_space<vmem>>
        %dma_wait3A_1456 = tpu.memref_squeeze %dma_wait3A_1455 : memref<1x48x128xf32, #tpu.memory_space<vmem>> -> memref<48x128xf32, #tpu.memory_space<vmem>>
        %dma_wait3A_1457 = arith.constant 0 : i32
        %dma_wait3A_1458 = arith.constant 0 : i32
        %dma_wait3A_1459 = tpu.memref_slice %dma_wait3A_1456[%dma_wait3A_1457, %dma_wait3A_1458] : memref<48x128xf32, #tpu.memory_space<vmem>> -> memref<16x128xf32, #tpu.memory_space<vmem>>
        %dma_wait3A_1460 = arith.constant 9984 : i32
        %dma_wait3A_1461 = arith.constant 0 : i32
        %dma_wait3A_1462 = tpu.memref_slice %arg2[%dma_wait3A_1460, %dma_wait3A_1461] : memref<10000x128xf32, #tpu.memory_space<hbm>> -> memref<16x128xf32, #tpu.memory_space<hbm>>
        tpu.wait_dma2 semaphore(%run_scoped3A_1422 : memref<!tpu.dma_semaphore, #tpu.memory_space<semaphore_mem>>) src(%dma_wait3A_1462 : memref<16x128xf32, #tpu.memory_space<hbm>>) dst(%dma_wait3A_1459 : memref<16x128xf32, #tpu.memory_space<vmem>>)
        tpu.yield
      }) : () -> ()
      %run_scoped3A_1356 = arith.constant 0 : i32
      "tpu.region"() ({
        %run_scoped3A_1422 = tpu.sem_alloc : memref<!tpu.dma_semaphore, #tpu.memory_space<semaphore_mem>>
        %dma_start3A_1423 = arith.constant 0 : i32
        %dma_start3A_1424 = arith.constant 0 : i32
        %dma_start3A_1425 = tpu.memref_slice %arg6[%run_scoped3A_1356, %dma_start3A_1423, %dma_start3A_1424] : memref<6x48x128xf32, #tpu.memory_space<vmem>> -> memref<1x48x128xf32, #tpu.memory_space<vmem>>
        %dma_start3A_1426 = tpu.memref_squeeze %dma_start3A_1425 : memref<1x48x128xf32, #tpu.memory_space<vmem>> -> memref<48x128xf32, #tpu.memory_space<vmem>>
        %dma_start3A_1427 = arith.constant 0 : i32
        %dma_start3A_1428 = arith.constant 0 : i32
        %dma_start3A_1429 = tpu.memref_slice %dma_start3A_1426[%dma_start3A_1427, %dma_start3A_1428] : memref<48x128xf32, #tpu.memory_space<vmem>> -> memref<16x128xf32, #tpu.memory_space<vmem>>
        %dma_start3A_1430 = arith.constant 9984 : i32
        %dma_start3A_1431 = arith.constant 0 : i32
        %dma_start3A_1432 = tpu.memref_slice %arg7[%dma_start3A_1430, %dma_start3A_1431] : memref<10001x128xf32, #tpu.memory_space<vmem_shared>> -> memref<16x128xf32, #tpu.memory_space<vmem_shared>>
        %dma_start3A_1433 = arith.constant 9984 : i32
        %dma_start3A_1434 = arith.constant 0 : i32
        %dma_start3A_1435 = tpu.memref_slice %arg7[%dma_start3A_1433, %dma_start3A_1434] : memref<10001x128xf32, #tpu.memory_space<vmem_shared>> -> memref<16x128xf32, #tpu.memory_space<vmem_shared>>
        %dma_start3A_1436 = arith.constant 0 : i32
        %dma_start3A_1437 = arith.constant 0 : i32
        %dma_start3A_1438 = tpu.memref_slice %arg6[%run_scoped3A_1356, %dma_start3A_1436, %dma_start3A_1437] : memref<6x48x128xf32, #tpu.memory_space<vmem>> -> memref<1x48x128xf32, #tpu.memory_space<vmem>>
        %dma_start3A_1439 = tpu.memref_squeeze %dma_start3A_1438 : memref<1x48x128xf32, #tpu.memory_space<vmem>> -> memref<48x128xf32, #tpu.memory_space<vmem>>
        %dma_start3A_1440 = arith.constant 0 : i32
        %dma_start3A_1441 = arith.constant 0 : i32
        %dma_start3A_1442 = tpu.memref_slice %dma_start3A_1439[%dma_start3A_1440, %dma_start3A_1441] : memref<48x128xf32, #tpu.memory_space<vmem>> -> memref<16x128xf32, #tpu.memory_space<vmem>>
        tpu.enqueue_dma source(%dma_start3A_1442 : memref<16x128xf32, #tpu.memory_space<vmem>>) target(%dma_start3A_1435 : memref<16x128xf32, #tpu.memory_space<vmem_shared>>) target_semaphore(%run_scoped3A_1422 : memref<!tpu.dma_semaphore, #tpu.memory_space<semaphore_mem>>)
        %dma_wait3A_1443 = arith.constant 0 : i32
        %dma_wait3A_1444 = arith.constant 0 : i32
        %dma_wait3A_1445 = tpu.memref_slice %arg6[%run_scoped3A_1356, %dma_wait3A_1443, %dma_wait3A_1444] : memref<6x48x128xf32, #tpu.memory_space<vmem>> -> memref<1x48x128xf32, #tpu.memory_space<vmem>>
        %dma_wait3A_1446 = tpu.memref_squeeze %dma_wait3A_1445 : memref<1x48x128xf32, #tpu.memory_space<vmem>> -> memref<48x128xf32, #tpu.memory_space<vmem>>
        %dma_wait3A_1447 = arith.constant 0 : i32
        %dma_wait3A_1448 = arith.constant 0 : i32
        %dma_wait3A_1449 = tpu.memref_slice %dma_wait3A_1446[%dma_wait3A_1447, %dma_wait3A_1448] : memref<48x128xf32, #tpu.memory_space<vmem>> -> memref<16x128xf32, #tpu.memory_space<vmem>>
        %dma_wait3A_1450 = arith.constant 9984 : i32
        %dma_wait3A_1451 = arith.constant 0 : i32
        %dma_wait3A_1452 = tpu.memref_slice %arg7[%dma_wait3A_1450, %dma_wait3A_1451] : memref<10001x128xf32, #tpu.memory_space<vmem_shared>> -> memref<16x128xf32, #tpu.memory_space<vmem_shared>>
        %dma_wait3A_1453 = arith.constant 9984 : i32
        %dma_wait3A_1454 = arith.constant 0 : i32
        %dma_wait3A_1455 = tpu.memref_slice %arg7[%dma_wait3A_1453, %dma_wait3A_1454] : memref<10001x128xf32, #tpu.memory_space<vmem_shared>> -> memref<16x128xf32, #tpu.memory_space<vmem_shared>>
        %dma_wait3A_1456 = arith.constant 0 : i32
        %dma_wait3A_1457 = arith.constant 0 : i32
        %dma_wait3A_1458 = tpu.memref_slice %arg6[%run_scoped3A_1356, %dma_wait3A_1456, %dma_wait3A_1457] : memref<6x48x128xf32, #tpu.memory_space<vmem>> -> memref<1x48x128xf32, #tpu.memory_space<vmem>>
        %dma_wait3A_1459 = tpu.memref_squeeze %dma_wait3A_1458 : memref<1x48x128xf32, #tpu.memory_space<vmem>> -> memref<48x128xf32, #tpu.memory_space<vmem>>
        %dma_wait3A_1460 = arith.constant 0 : i32
        %dma_wait3A_1461 = arith.constant 0 : i32
        %dma_wait3A_1462 = tpu.memref_slice %dma_wait3A_1459[%dma_wait3A_1460, %dma_wait3A_1461] : memref<48x128xf32, #tpu.memory_space<vmem>> -> memref<16x128xf32, #tpu.memory_space<vmem>>
        tpu.wait_dma2 semaphore(%run_scoped3A_1422 : memref<!tpu.dma_semaphore, #tpu.memory_space<semaphore_mem>>) src(%dma_wait3A_1462 : memref<16x128xf32, #tpu.memory_space<vmem>>) dst(%dma_wait3A_1455 : memref<16x128xf32, #tpu.memory_space<vmem_shared>>)
        tpu.yield
      }) : () -> ()
      %swap3A_1357 = arith.constant 0 : i32
      %swap3A_1358 = arith.constant 0 : i32
      %swap3A_1359 = arith.index_cast %swap3A_1357 : i32 to index
      %swap3A_1360 = arith.index_cast %swap3A_1358 : i32 to index
      %swap3A_1361 = arith.constant 0 : index
      %swap3A_1362 = tpu.vector_load %arg6[%swap3A_1359, %swap3A_1360, %swap3A_1361] {strides = array<i32>} : memref<6x48x128xf32, #tpu.memory_space<vmem>>, vector<1x1x16xf32>,
      %swap3A_1363 = vector.shape_cast %swap3A_1362 : vector<1x1x16xf32> to vector<16xf32>
      %swap3A_1364 = vector.shape_cast %broadcast_in_dim3A_1077 : vector<16xf32> to vector<1x1x16xf32>
      tpu.vector_store %arg6[%swap3A_1359, %swap3A_1360, %swap3A_1361], %swap3A_1364 {strides = array<i32>} : memref<6x48x128xf32, #tpu.memory_space<vmem>>, vector<1x1x16xf32>,
      %swap3A_1365 = arith.constant 0 : i32
      %swap3A_1366 = arith.constant 0 : i32
      %swap3A_1367 = arith.index_cast %swap3A_1365 : i32 to index
      %swap3A_1368 = arith.index_cast %swap3A_1366 : i32 to index
      %swap3A_1369 = arith.constant 16 : index
      %swap3A_1370 = tpu.vector_load %arg6[%swap3A_1367, %swap3A_1368, %swap3A_1369] {strides = array<i32>} : memref<6x48x128xf32, #tpu.memory_space<vmem>>, vector<1x1x16xf32>,
      %swap3A_1371 = vector.shape_cast %swap3A_1370 : vector<1x1x16xf32> to vector<16xf32>
      %swap3A_1372 = vector.shape_cast %broadcast_in_dim3A_1077 : vector<16xf32> to vector<1x1x16xf32>
      tpu.vector_store %arg6[%swap3A_1367, %swap3A_1368, %swap3A_1369], %swap3A_1372 {strides = array<i32>} : memref<6x48x128xf32, #tpu.memory_space<vmem>>, vector<1x1x16xf32>,
      %swap3A_1373 = arith.constant 0 : i32
      %swap3A_1374 = arith.constant 0 : i32
      %swap3A_1375 = arith.index_cast %swap3A_1373 : i32 to index
      %swap3A_1376 = arith.index_cast %swap3A_1374 : i32 to index
      %swap3A_1377 = arith.constant 32 : index
      %swap3A_1378 = tpu.vector_load %arg6[%swap3A_1375, %swap3A_1376, %swap3A_1377] {strides = array<i32>} : memref<6x48x128xf32, #tpu.memory_space<vmem>>, vector<1x1x16xf32>,
      %swap3A_1379 = vector.shape_cast %swap3A_1378 : vector<1x1x16xf32> to vector<16xf32>
      %swap3A_1380 = vector.shape_cast %broadcast_in_dim3A_1077 : vector<16xf32> to vector<1x1x16xf32>
      tpu.vector_store %arg6[%swap3A_1375, %swap3A_1376, %swap3A_1377], %swap3A_1380 {strides = array<i32>} : memref<6x48x128xf32, #tpu.memory_space<vmem>>, vector<1x1x16xf32>,
      %swap3A_1381 = arith.constant 0 : i32
      %swap3A_1382 = arith.constant 0 : i32
      %swap3A_1383 = arith.index_cast %swap3A_1381 : i32 to index
      %swap3A_1384 = arith.index_cast %swap3A_1382 : i32 to index
      %swap3A_1385 = arith.constant 48 : index
      %swap3A_1386 = tpu.vector_load %arg6[%swap3A_1383, %swap3A_1384, %swap3A_1385] {strides = array<i32>} : memref<6x48x128xf32, #tpu.memory_space<vmem>>, vector<1x1x16xf32>,
      %swap3A_1387 = vector.shape_cast %swap3A_1386 : vector<1x1x16xf32> to vector<16xf32>
      %swap3A_1388 = vector.shape_cast %broadcast_in_dim3A_1077 : vector<16xf32> to vector<1x1x16xf32>
      tpu.vector_store %arg6[%swap3A_1383, %swap3A_1384, %swap3A_1385], %swap3A_1388 {strides = array<i32>} : memref<6x48x128xf32, #tpu.memory_space<vmem>>, vector<1x1x16xf32>,
      %swap3A_1389 = arith.constant 0 : i32
      %swap3A_1390 = arith.constant 0 : i32
      %swap3A_1391 = arith.index_cast %swap3A_1389 : i32 to index
      %swap3A_1392 = arith.index_cast %swap3A_1390 : i32 to index
      %swap3A_1393 = arith.constant 64 : index
      %swap3A_1394 = tpu.vector_load %arg6[%swap3A_1391, %swap3A_1392, %swap3A_1393] {strides = array<i32>} : memref<6x48x128xf32, #tpu.memory_space<vmem>>, vector<1x1x16xf32>,
      %swap3A_1395 = vector.shape_cast %swap3A_1394 : vector<1x1x16xf32> to vector<16xf32>
      %swap3A_1396 = vector.shape_cast %broadcast_in_dim3A_1077 : vector<16xf32> to vector<1x1x16xf32>
      tpu.vector_store %arg6[%swap3A_1391, %swap3A_1392, %swap3A_1393], %swap3A_1396 {strides = array<i32>} : memref<6x48x128xf32, #tpu.memory_space<vmem>>, vector<1x1x16xf32>,
      %swap3A_1397 = arith.constant 0 : i32
      %swap3A_1398 = arith.constant 0 : i32
      %swap3A_1399 = arith.index_cast %swap3A_1397 : i32 to index
      %swap3A_1400 = arith.index_cast %swap3A_1398 : i32 to index
      %swap3A_1401 = arith.constant 80 : index
      %swap3A_1402 = tpu.vector_load %arg6[%swap3A_1399, %swap3A_1400, %swap3A_1401] {strides = array<i32>} : memref<6x48x128xf32, #tpu.memory_space<vmem>>, vector<1x1x16xf32>,
      %swap3A_1403 = vector.shape_cast %swap3A_1402 : vector<1x1x16xf32> to vector<16xf32>
      %swap3A_1404 = vector.shape_cast %broadcast_in_dim3A_1077 : vector<16xf32> to vector<1x1x16xf32>
      tpu.vector_store %arg6[%swap3A_1399, %swap3A_1400, %swap3A_1401], %swap3A_1404 {strides = array<i32>} : memref<6x48x128xf32, #tpu.memory_space<vmem>>, vector<1x1x16xf32>,
      %swap3A_1405 = arith.constant 0 : i32
      %swap3A_1406 = arith.constant 0 : i32
      %swap3A_1407 = arith.index_cast %swap3A_1405 : i32 to index
      %swap3A_1408 = arith.index_cast %swap3A_1406 : i32 to index
      %swap3A_1409 = arith.constant 96 : index
      %swap3A_1410 = tpu.vector_load %arg6[%swap3A_1407, %swap3A_1408, %swap3A_1409] {strides = array<i32>} : memref<6x48x128xf32, #tpu.memory_space<vmem>>, vector<1x1x16xf32>,
      %swap3A_1411 = vector.shape_cast %swap3A_1410 : vector<1x1x16xf32> to vector<16xf32>
      %swap3A_1412 = vector.shape_cast %broadcast_in_dim3A_1077 : vector<16xf32> to vector<1x1x16xf32>
      tpu.vector_store %arg6[%swap3A_1407, %swap3A_1408, %swap3A_1409], %swap3A_1412 {strides = array<i32>} : memref<6x48x128xf32, #tpu.memory_space<vmem>>, vector<1x1x16xf32>,
      %swap3A_1413 = arith.constant 0 : i32
      %swap3A_1414 = arith.constant 0 : i32
      %swap3A_1415 = arith.index_cast %swap3A_1413 : i32 to index
      %swap3A_1416 = arith.index_cast %swap3A_1414 : i32 to index
      %swap3A_1417 = arith.constant 112 : index
      %swap3A_1418 = tpu.vector_load %arg6[%swap3A_1415, %swap3A_1416, %swap3A_1417] {strides = array<i32>} : memref<6x48x128xf32, #tpu.memory_space<vmem>>, vector<1x1x16xf32>,
      %swap3A_1419 = vector.shape_cast %swap3A_1418 : vector<1x1x16xf32> to vector<16xf32>
      %swap3A_1420 = vector.shape_cast %broadcast_in_dim3A_1077 : vector<16xf32> to vector<1x1x16xf32>
      tpu.vector_store %arg6[%swap3A_1415, %swap3A_1416, %swap3A_1417], %swap3A_1420 {strides = array<i32>} : memref<6x48x128xf32, #tpu.memory_space<vmem>>, vector<1x1x16xf32>,
      %run_scoped3A_1421 = arith.constant 0 : i32
      "tpu.region"() ({
        %run_scoped3A_1422 = tpu.sem_alloc : memref<!tpu.dma_semaphore, #tpu.memory_space<semaphore_mem>>
        %dma_start3A_1423 = arith.constant 0 : i32
        %dma_start3A_1424 = arith.constant 0 : i32
        %dma_start3A_1425 = tpu.memref_slice %arg6[%run_scoped3A_1421, %dma_start3A_1423, %dma_start3A_1424] : memref<6x48x128xf32, #tpu.memory_space<vmem>> -> memref<1x48x128xf32, #tpu.memory_space<vmem>>
        %dma_start3A_1426 = tpu.memref_squeeze %dma_start3A_1425 : memref<1x48x128xf32, #tpu.memory_space<vmem>> -> memref<48x128xf32, #tpu.memory_space<vmem>>
        %dma_start3A_1427 = arith.constant 0 : i32
        %dma_start3A_1428 = arith.constant 0 : i32
        %dma_start3A_1429 = tpu.memref_slice %dma_start3A_1426[%dma_start3A_1427, %dma_start3A_1428] : memref<48x128xf32, #tpu.memory_space<vmem>> -> memref<1x128xf32, #tpu.memory_space<vmem>>
        %dma_start3A_1430 = arith.constant 10000 : i32
        %dma_start3A_1431 = arith.constant 0 : i32
        %dma_start3A_1432 = tpu.memref_slice %arg7[%dma_start3A_1430, %dma_start3A_1431] : memref<10001x128xf32, #tpu.memory_space<vmem_shared>> -> memref<1x128xf32, #tpu.memory_space<vmem_shared>>
        %dma_start3A_1433 = arith.constant 10000 : i32
        %dma_start3A_1434 = arith.constant 0 : i32
        %dma_start3A_1435 = tpu.memref_slice %arg7[%dma_start3A_1433, %dma_start3A_1434] : memref<10001x128xf32, #tpu.memory_space<vmem_shared>> -> memref<1x128xf32, #tpu.memory_space<vmem_shared>>
        %dma_start3A_1436 = arith.constant 0 : i32
        %dma_start3A_1437 = arith.constant 0 : i32
        %dma_start3A_1438 = tpu.memref_slice %arg6[%run_scoped3A_1421, %dma_start3A_1436, %dma_start3A_1437] : memref<6x48x128xf32, #tpu.memory_space<vmem>> -> memref<1x48x128xf32, #tpu.memory_space<vmem>>
        %dma_start3A_1439 = tpu.memref_squeeze %dma_start3A_1438 : memref<1x48x128xf32, #tpu.memory_space<vmem>> -> memref<48x128xf32, #tpu.memory_space<vmem>>
        %dma_start3A_1440 = arith.constant 0 : i32
        %dma_start3A_1441 = arith.constant 0 : i32
        %dma_start3A_1442 = tpu.memref_slice %dma_start3A_1439[%dma_start3A_1440, %dma_start3A_1441] : memref<48x128xf32, #tpu.memory_space<vmem>> -> memref<1x128xf32, #tpu.memory_space<vmem>>
        tpu.enqueue_dma source(%dma_start3A_1442 : memref<1x128xf32, #tpu.memory_space<vmem>>) target(%dma_start3A_1435 : memref<1x128xf32, #tpu.memory_space<vmem_shared>>) target_semaphore(%run_scoped3A_1422 : memref<!tpu.dma_semaphore, #tpu.memory_space<semaphore_mem>>)
        %dma_wait3A_1443 = arith.constant 0 : i32
        %dma_wait3A_1444 = arith.constant 0 : i32
        %dma_wait3A_1445 = tpu.memref_slice %arg6[%run_scoped3A_1421, %dma_wait3A_1443, %dma_wait3A_1444] : memref<6x48x128xf32, #tpu.memory_space<vmem>> -> memref<1x48x128xf32, #tpu.memory_space<vmem>>
        %dma_wait3A_1446 = tpu.memref_squeeze %dma_wait3A_1445 : memref<1x48x128xf32, #tpu.memory_space<vmem>> -> memref<48x128xf32, #tpu.memory_space<vmem>>
        %dma_wait3A_1447 = arith.constant 0 : i32
        %dma_wait3A_1448 = arith.constant 0 : i32
        %dma_wait3A_1449 = tpu.memref_slice %dma_wait3A_1446[%dma_wait3A_1447, %dma_wait3A_1448] : memref<48x128xf32, #tpu.memory_space<vmem>> -> memref<1x128xf32, #tpu.memory_space<vmem>>
        %dma_wait3A_1450 = arith.constant 10000 : i32
        %dma_wait3A_1451 = arith.constant 0 : i32
        %dma_wait3A_1452 = tpu.memref_slice %arg7[%dma_wait3A_1450, %dma_wait3A_1451] : memref<10001x128xf32, #tpu.memory_space<vmem_shared>> -> memref<1x128xf32, #tpu.memory_space<vmem_shared>>
        %dma_wait3A_1453 = arith.constant 10000 : i32
        %dma_wait3A_1454 = arith.constant 0 : i32
        %dma_wait3A_1455 = tpu.memref_slice %arg7[%dma_wait3A_1453, %dma_wait3A_1454] : memref<10001x128xf32, #tpu.memory_space<vmem_shared>> -> memref<1x128xf32, #tpu.memory_space<vmem_shared>>
        %dma_wait3A_1456 = arith.constant 0 : i32
        %dma_wait3A_1457 = arith.constant 0 : i32
        %dma_wait3A_1458 = tpu.memref_slice %arg6[%run_scoped3A_1421, %dma_wait3A_1456, %dma_wait3A_1457] : memref<6x48x128xf32, #tpu.memory_space<vmem>> -> memref<1x48x128xf32, #tpu.memory_space<vmem>>
        %dma_wait3A_1459 = tpu.memref_squeeze %dma_wait3A_1458 : memref<1x48x128xf32, #tpu.memory_space<vmem>> -> memref<48x128xf32, #tpu.memory_space<vmem>>
        %dma_wait3A_1460 = arith.constant 0 : i32
        %dma_wait3A_1461 = arith.constant 0 : i32
        %dma_wait3A_1462 = tpu.memref_slice %dma_wait3A_1459[%dma_wait3A_1460, %dma_wait3A_1461] : memref<48x128xf32, #tpu.memory_space<vmem>> -> memref<1x128xf32, #tpu.memory_space<vmem>>
        tpu.wait_dma2 semaphore(%run_scoped3A_1422 : memref<!tpu.dma_semaphore, #tpu.memory_space<semaphore_mem>>) src(%dma_wait3A_1462 : memref<1x128xf32, #tpu.memory_space<vmem>>) dst(%dma_wait3A_1455 : memref<1x128xf32, #tpu.memory_space<vmem_shared>>)
        tpu.yield
      }) : () -> ()
    } else {
    }
    %barrier3A = arith.constant 0 : index
    tpu.barrier barrier_id(%barrier3A)
    %mul3A_1080 = arith.constant 10000 : i32
    %mul3A_1081 = arith.muli %add3A, %mul3A_1080 : i32
    %dma_start3A_1082 = arith.constant 0 : i32
    %dma_start3A_1083 = arith.constant 0 : i32
    %dma_start3A_1084 = arith.constant 0 : i32
    %dma_start3A_1085 = tpu.memref_slice %arg6[%dma_start3A_1082, %dma_start3A_1083, %dma_start3A_1084] : memref<6x48x128xf32, #tpu.memory_space<vmem>> -> memref<1x48x128xf32, #tpu.memory_space<vmem>>
    %dma_start3A_1086 = tpu.memref_squeeze %dma_start3A_1085 : memref<1x48x128xf32, #tpu.memory_space<vmem>> -> memref<48x128xf32, #tpu.memory_space<vmem>>
    %dma_start3A_1087 = arith.constant 0 : i32
    %dma_start3A_1088 = tpu.memref_slice %arg5[%dma_start3A_1087] : memref<10000xi32, #tpu.memory_space<vmem>> -> memref<48xi32, #tpu.memory_space<vmem>>
    %dma_start3A_1089 = arith.constant 0 : i32
    %dma_start3A_1090 = arith.constant 0 : i32
    %dma_start3A_1091 = tpu.memref_slice %arg7[%dma_start3A_1089, %dma_start3A_1090] : memref<10001x128xf32, #tpu.memory_space<vmem_shared>> -> memref<10001x128xf32, #tpu.memory_space<vmem_shared>>
    tpu.enqueue_indirect_dma source(%dma_start3A_1091 : memref<10001x128xf32, #tpu.memory_space<vmem_shared>>) target(%dma_start3A_1086 : memref<48x128xf32, #tpu.memory_space<vmem>>) offsets(%dma_start3A_1088 : memref<48xi32, #tpu.memory_space<vmem>>) semaphore(%arg8 : memref<!tpu.dma_semaphore, #tpu.memory_space<semaphore_mem>>)
    %dma_start3A_1092 = arith.constant 1 : i32
    %dma_start3A_1093 = arith.constant 0 : i32
    %dma_start3A_1094 = arith.constant 0 : i32
    %dma_start3A_1095 = tpu.memref_slice %arg6[%dma_start3A_1092, %dma_start3A_1093, %dma_start3A_1094] : memref<6x48x128xf32, #tpu.memory_space<vmem>> -> memref<1x48x128xf32, #tpu.memory_space<vmem>>
    %dma_start3A_1096 = tpu.memref_squeeze %dma_start3A_1095 : memref<1x48x128xf32, #tpu.memory_space<vmem>> -> memref<48x128xf32, #tpu.memory_space<vmem>>
    %dma_start3A_1097 = arith.constant 48 : i32
    %dma_start3A_1098 = tpu.memref_slice %arg5[%dma_start3A_1097] : memref<10000xi32, #tpu.memory_space<vmem>> -> memref<48xi32, #tpu.memory_space<vmem>>
    %dma_start3A_1099 = arith.constant 0 : i32
    %dma_start3A_1100 = arith.constant 0 : i32
    %dma_start3A_1101 = tpu.memref_slice %arg7[%dma_start3A_1099, %dma_start3A_1100] : memref<10001x128xf32, #tpu.memory_space<vmem_shared>> -> memref<10001x128xf32, #tpu.memory_space<vmem_shared>>
    tpu.enqueue_indirect_dma source(%dma_start3A_1101 : memref<10001x128xf32, #tpu.memory_space<vmem_shared>>) target(%dma_start3A_1096 : memref<48x128xf32, #tpu.memory_space<vmem>>) offsets(%dma_start3A_1098 : memref<48xi32, #tpu.memory_space<vmem>>) semaphore(%arg9 : memref<!tpu.dma_semaphore, #tpu.memory_space<semaphore_mem>>)
    %dma_start3A_1102 = arith.constant 2 : i32
    %dma_start3A_1103 = arith.constant 0 : i32
    %dma_start3A_1104 = arith.constant 0 : i32
    %dma_start3A_1105 = tpu.memref_slice %arg6[%dma_start3A_1102, %dma_start3A_1103, %dma_start3A_1104] : memref<6x48x128xf32, #tpu.memory_space<vmem>> -> memref<1x48x128xf32, #tpu.memory_space<vmem>>
    %dma_start3A_1106 = tpu.memref_squeeze %dma_start3A_1105 : memref<1x48x128xf32, #tpu.memory_space<vmem>> -> memref<48x128xf32, #tpu.memory_space<vmem>>
    %dma_start3A_1107 = arith.constant 96 : i32
    %dma_start3A_1108 = tpu.memref_slice %arg5[%dma_start3A_1107] : memref<10000xi32, #tpu.memory_space<vmem>> -> memref<48xi32, #tpu.memory_space<vmem>>
    %dma_start3A_1109 = arith.constant 0 : i32
    %dma_start3A_1110 = arith.constant 0 : i32
    %dma_start3A_1111 = tpu.memref_slice %arg7[%dma_start3A_1109, %dma_start3A_1110] : memref<10001x128xf32, #tpu.memory_space<vmem_shared>> -> memref<10001x128xf32, #tpu.memory_space<vmem_shared>>
    tpu.enqueue_indirect_dma source(%dma_start3A_1111 : memref<10001x128xf32, #tpu.memory_space<vmem_shared>>) target(%dma_start3A_1106 : memref<48x128xf32, #tpu.memory_space<vmem>>) offsets(%dma_start3A_1108 : memref<48xi32, #tpu.memory_space<vmem>>) semaphore(%arg10 : memref<!tpu.dma_semaphore, #tpu.memory_space<semaphore_mem>>)
    %dma_start3A_1112 = arith.constant 3 : i32
    %dma_start3A_1113 = arith.constant 0 : i32
    %dma_start3A_1114 = arith.constant 0 : i32
    %dma_start3A_1115 = tpu.memref_slice %arg6[%dma_start3A_1112, %dma_start3A_1113, %dma_start3A_1114] : memref<6x48x128xf32, #tpu.memory_space<vmem>> -> memref<1x48x128xf32, #tpu.memory_space<vmem>>
    %dma_start3A_1116 = tpu.memref_squeeze %dma_start3A_1115 : memref<1x48x128xf32, #tpu.memory_space<vmem>> -> memref<48x128xf32, #tpu.memory_space<vmem>>
    %dma_start3A_1117 = arith.constant 144 : i32
    %dma_start3A_1118 = tpu.memref_slice %arg5[%dma_start3A_1117] : memref<10000xi32, #tpu.memory_space<vmem>> -> memref<48xi32, #tpu.memory_space<vmem>>
    %dma_start3A_1119 = arith.constant 0 : i32
    %dma_start3A_1120 = arith.constant 0 : i32
    %dma_start3A_1121 = tpu.memref_slice %arg7[%dma_start3A_1119, %dma_start3A_1120] : memref<10001x128xf32, #tpu.memory_space<vmem_shared>> -> memref<10001x128xf32, #tpu.memory_space<vmem_shared>>
    tpu.enqueue_indirect_dma source(%dma_start3A_1121 : memref<10001x128xf32, #tpu.memory_space<vmem_shared>>) target(%dma_start3A_1116 : memref<48x128xf32, #tpu.memory_space<vmem>>) offsets(%dma_start3A_1118 : memref<48xi32, #tpu.memory_space<vmem>>) semaphore(%arg11 : memref<!tpu.dma_semaphore, #tpu.memory_space<semaphore_mem>>)
    %dma_start3A_1122 = arith.constant 4 : i32
    %dma_start3A_1123 = arith.constant 0 : i32
    %dma_start3A_1124 = arith.constant 0 : i32
    %dma_start3A_1125 = tpu.memref_slice %arg6[%dma_start3A_1122, %dma_start3A_1123, %dma_start3A_1124] : memref<6x48x128xf32, #tpu.memory_space<vmem>> -> memref<1x48x128xf32, #tpu.memory_space<vmem>>
    %dma_start3A_1126 = tpu.memref_squeeze %dma_start3A_1125 : memref<1x48x128xf32, #tpu.memory_space<vmem>> -> memref<48x128xf32, #tpu.memory_space<vmem>>
    %dma_start3A_1127 = arith.constant 192 : i32
    %dma_start3A_1128 = tpu.memref_slice %arg5[%dma_start3A_1127] : memref<10000xi32, #tpu.memory_space<vmem>> -> memref<48xi32, #tpu.memory_space<vmem>>
    %dma_start3A_1129 = arith.constant 0 : i32
    %dma_start3A_1130 = arith.constant 0 : i32
    %dma_start3A_1131 = tpu.memref_slice %arg7[%dma_start3A_1129, %dma_start3A_1130] : memref<10001x128xf32, #tpu.memory_space<vmem_shared>> -> memref<10001x128xf32, #tpu.memory_space<vmem_shared>>
    tpu.enqueue_indirect_dma source(%dma_start3A_1131 : memref<10001x128xf32, #tpu.memory_space<vmem_shared>>) target(%dma_start3A_1126 : memref<48x128xf32, #tpu.memory_space<vmem>>) offsets(%dma_start3A_1128 : memref<48xi32, #tpu.memory_space<vmem>>) semaphore(%arg12 : memref<!tpu.dma_semaphore, #tpu.memory_space<semaphore_mem>>)
    %dma_start3A_1132 = arith.constant 5 : i32
    %dma_start3A_1133 = arith.constant 0 : i32
    %dma_start3A_1134 = arith.constant 0 : i32
    %dma_start3A_1135 = tpu.memref_slice %arg6[%dma_start3A_1132, %dma_start3A_1133, %dma_start3A_1134] : memref<6x48x128xf32, #tpu.memory_space<vmem>> -> memref<1x48x128xf32, #tpu.memory_space<vmem>>
    %dma_start3A_1136 = tpu.memref_squeeze %dma_start3A_1135 : memref<1x48x128xf32, #tpu.memory_space<vmem>> -> memref<48x128xf32, #tpu.memory_space<vmem>>
    %dma_start3A_1137 = arith.constant 240 : i32
    %dma_start3A_1138 = tpu.memref_slice %arg5[%dma_start3A_1137] : memref<10000xi32, #tpu.memory_space<vmem>> -> memref<48xi32, #tpu.memory_space<vmem>>
    %dma_start3A_1139 = arith.constant 0 : i32
    %dma_start3A_1140 = arith.constant 0 : i32
    %dma_start3A_1141 = tpu.memref_slice %arg7[%dma_start3A_1139, %dma_start3A_1140] : memref<10001x128xf32, #tpu.memory_space<vmem_shared>> -> memref<10001x128xf32, #tpu.memory_space<vmem_shared>>
    tpu.enqueue_indirect_dma source(%dma_start3A_1141 : memref<10001x128xf32, #tpu.memory_space<vmem_shared>>) target(%dma_start3A_1136 : memref<48x128xf32, #tpu.memory_space<vmem>>) offsets(%dma_start3A_1138 : memref<48xi32, #tpu.memory_space<vmem>>) semaphore(%arg13 : memref<!tpu.dma_semaphore, #tpu.memory_space<semaphore_mem>>)
    %scan3A_1142 = arith.constant 0 : i32
    %scan3A_1143 = arith.constant 34 : i32
    %scan3A_1144 = arith.addi %scan3A_1142, %scan3A_1143 : i32
    %scan3A_1145 = arith.constant 1 : i32
    scf.for %scan3A_1355 = %scan3A_1142 to %scan3A_1144 step %scan3A_1145  : i32 {
      %mul3A_1356 = arith.constant 1 : i32
      %mul3A_1357 = arith.muli %scan3A_1355, %mul3A_1356 : i32
      %add3A_1358 = arith.constant 0 : i32
      %add3A_1359 = arith.addi %add3A_1358, %mul3A_1357 : i32
      %mul3A_1360 = arith.constant 6 : i32
      %mul3A_1361 = arith.muli %add3A_1359, %mul3A_1360 : i32
      %dma_wait3A_1362 = arith.constant 0 : i32
      %dma_wait3A_1363 = arith.constant 0 : i32
      %dma_wait3A_1364 = arith.constant 0 : i32
      %dma_wait3A_1365 = tpu.memref_slice %arg6[%dma_wait3A_1362, %dma_wait3A_1363, %dma_wait3A_1364] : memref<6x48x128xf32, #tpu.memory_space<vmem>> -> memref<1x48x128xf32, #tpu.memory_space<vmem>>
      %dma_wait3A_1366 = tpu.memref_squeeze %dma_wait3A_1365 : memref<1x48x128xf32, #tpu.memory_space<vmem>> -> memref<48x128xf32, #tpu.memory_space<vmem>>
      %dma_wait3A_1367 = arith.constant 0 : i32
      %dma_wait3A_1368 = arith.constant 0 : i32
      %dma_wait3A_1369 = tpu.memref_slice %arg2[%dma_wait3A_1367, %dma_wait3A_1368] : memref<10000x128xf32, #tpu.memory_space<hbm>> -> memref<48x128xf32, #tpu.memory_space<hbm>>
      %dma_wait3A_1370 = arith.constant 0 : i32
      %dma_wait3A_1371 = arith.constant 0 : i32
      %dma_wait3A_1372 = tpu.memref_slice %arg6[%dma_wait3A_1362, %dma_wait3A_1370, %dma_wait3A_1371] : memref<6x48x128xf32, #tpu.memory_space<vmem>> -> memref<1x48x128xf32, #tpu.memory_space<vmem>>
      %dma_wait3A_1373 = tpu.memref_squeeze %dma_wait3A_1372 : memref<1x48x128xf32, #tpu.memory_space<vmem>> -> memref<48x128xf32, #tpu.memory_space<vmem>>
      %dma_wait3A_1374 = arith.constant 0 : i32
      %dma_wait3A_1375 = arith.constant 0 : i32
      %dma_wait3A_1376 = tpu.memref_slice %arg2[%dma_wait3A_1374, %dma_wait3A_1375] : memref<10000x128xf32, #tpu.memory_space<hbm>> -> memref<48x128xf32, #tpu.memory_space<hbm>>
      tpu.wait_dma2 semaphore(%arg8 : memref<!tpu.dma_semaphore, #tpu.memory_space<semaphore_mem>>) src(%dma_wait3A_1376 : memref<48x128xf32, #tpu.memory_space<hbm>>) dst(%dma_wait3A_1373 : memref<48x128xf32, #tpu.memory_space<vmem>>)
      %add3A_1377 = arith.constant 0 : i32
      %add3A_1378 = arith.addi %mul3A_1361, %add3A_1377 : i32
      %mul3A_1379 = arith.constant 48 : i32
      %mul3A_1380 = arith.muli %add3A_1378, %mul3A_1379 : i32
      %add3A_1381 = arith.addi %mul3A_1081, %mul3A_1380 : i32
      %dma_start3A_1382 = arith.constant 0 : i32
      %dma_start3A_1383 = arith.constant 0 : i32
      %dma_start3A_1384 = arith.constant 0 : i32
      %dma_start3A_1385 = tpu.memref_slice %arg6[%dma_start3A_1382, %dma_start3A_1383, %dma_start3A_1384] : memref<6x48x128xf32, #tpu.memory_space<vmem>> -> memref<1x48x128xf32, #tpu.memory_space<vmem>>
      %dma_start3A_1386 = tpu.memref_squeeze %dma_start3A_1385 : memref<1x48x128xf32, #tpu.memory_space<vmem>> -> memref<48x128xf32, #tpu.memory_space<vmem>>
      %dma_start3A_1387 = arith.constant 0 : i32
      %dma_start3A_1388 = tpu.memref_slice %arg4[%add3A_1381, %dma_start3A_1387] : memref<320000x128xf32, #tpu.memory_space<hbm>> -> memref<48x128xf32, #tpu.memory_space<hbm>>
      %dma_start3A_1389 = arith.constant 0 : i32
      %dma_start3A_1390 = tpu.memref_slice %arg4[%add3A_1381, %dma_start3A_1389] : memref<320000x128xf32, #tpu.memory_space<hbm>> -> memref<48x128xf32, #tpu.memory_space<hbm>>
      %dma_start3A_1391 = arith.constant 0 : i32
      %dma_start3A_1392 = arith.constant 0 : i32
      %dma_start3A_1393 = tpu.memref_slice %arg6[%dma_start3A_1382, %dma_start3A_1391, %dma_start3A_1392] : memref<6x48x128xf32, #tpu.memory_space<vmem>> -> memref<1x48x128xf32, #tpu.memory_space<vmem>>
      %dma_start3A_1394 = tpu.memref_squeeze %dma_start3A_1393 : memref<1x48x128xf32, #tpu.memory_space<vmem>> -> memref<48x128xf32, #tpu.memory_space<vmem>>
      tpu.enqueue_dma source(%dma_start3A_1394 : memref<48x128xf32, #tpu.memory_space<vmem>>) target(%dma_start3A_1390 : memref<48x128xf32, #tpu.memory_space<hbm>>) target_semaphore(%arg14 : memref<!tpu.dma_semaphore, #tpu.memory_space<semaphore_mem>>)
      %dma_wait3A_1395 = arith.constant 1 : i32
      %dma_wait3A_1396 = arith.constant 0 : i32
      %dma_wait3A_1397 = arith.constant 0 : i32
      %dma_wait3A_1398 = tpu.memref_slice %arg6[%dma_wait3A_1395, %dma_wait3A_1396, %dma_wait3A_1397] : memref<6x48x128xf32, #tpu.memory_space<vmem>> -> memref<1x48x128xf32, #tpu.memory_space<vmem>>
      %dma_wait3A_1399 = tpu.memref_squeeze %dma_wait3A_1398 : memref<1x48x128xf32, #tpu.memory_space<vmem>> -> memref<48x128xf32, #tpu.memory_space<vmem>>
      %dma_wait3A_1400 = arith.constant 0 : i32
      %dma_wait3A_1401 = arith.constant 0 : i32
      %dma_wait3A_1402 = tpu.memref_slice %arg2[%dma_wait3A_1400, %dma_wait3A_1401] : memref<10000x128xf32, #tpu.memory_space<hbm>> -> memref<48x128xf32, #tpu.memory_space<hbm>>
      %dma_wait3A_1403 = arith.constant 0 : i32
      %dma_wait3A_1404 = arith.constant 0 : i32
      %dma_wait3A_1405 = tpu.memref_slice %arg6[%dma_wait3A_1395, %dma_wait3A_1403, %dma_wait3A_1404] : memref<6x48x128xf32, #tpu.memory_space<vmem>> -> memref<1x48x128xf32, #tpu.memory_space<vmem>>
      %dma_wait3A_1406 = tpu.memref_squeeze %dma_wait3A_1405 : memref<1x48x128xf32, #tpu.memory_space<vmem>> -> memref<48x128xf32, #tpu.memory_space<vmem>>
      %dma_wait3A_1407 = arith.constant 0 : i32
      %dma_wait3A_1408 = arith.constant 0 : i32
      %dma_wait3A_1409 = tpu.memref_slice %arg2[%dma_wait3A_1407, %dma_wait3A_1408] : memref<10000x128xf32, #tpu.memory_space<hbm>> -> memref<48x128xf32, #tpu.memory_space<hbm>>
      tpu.wait_dma2 semaphore(%arg9 : memref<!tpu.dma_semaphore, #tpu.memory_space<semaphore_mem>>) src(%dma_wait3A_1409 : memref<48x128xf32, #tpu.memory_space<hbm>>) dst(%dma_wait3A_1406 : memref<48x128xf32, #tpu.memory_space<vmem>>)
      %add3A_1410 = arith.constant 1 : i32
      %add3A_1411 = arith.addi %mul3A_1361, %add3A_1410 : i32
      %mul3A_1412 = arith.constant 48 : i32
      %mul3A_1413 = arith.muli %add3A_1411, %mul3A_1412 : i32
      %add3A_1414 = arith.addi %mul3A_1081, %mul3A_1413 : i32
      %dma_start3A_1415 = arith.constant 1 : i32
      %dma_start3A_1416 = arith.constant 0 : i32
      %dma_start3A_1417 = arith.constant 0 : i32
      %dma_start3A_1418 = tpu.memref_slice %arg6[%dma_start3A_1415, %dma_start3A_1416, %dma_start3A_1417] : memref<6x48x128xf32, #tpu.memory_space<vmem>> -> memref<1x48x128xf32, #tpu.memory_space<vmem>>
      %dma_start3A_1419 = tpu.memref_squeeze %dma_start3A_1418 : memref<1x48x128xf32, #tpu.memory_space<vmem>> -> memref<48x128xf32, #tpu.memory_space<vmem>>
      %dma_start3A_1420 = arith.constant 0 : i32
      %dma_start3A_1421 = tpu.memref_slice %arg4[%add3A_1414, %dma_start3A_1420] : memref<320000x128xf32, #tpu.memory_space<hbm>> -> memref<48x128xf32, #tpu.memory_space<hbm>>
      %dma_start3A_1422 = arith.constant 0 : i32
      %dma_start3A_1423 = tpu.memref_slice %arg4[%add3A_1414, %dma_start3A_1422] : memref<320000x128xf32, #tpu.memory_space<hbm>> -> memref<48x128xf32, #tpu.memory_space<hbm>>
      %dma_start3A_1424 = arith.constant 0 : i32
      %dma_start3A_1425 = arith.constant 0 : i32
      %dma_start3A_1426 = tpu.memref_slice %arg6[%dma_start3A_1415, %dma_start3A_1424, %dma_start3A_1425] : memref<6x48x128xf32, #tpu.memory_space<vmem>> -> memref<1x48x128xf32, #tpu.memory_space<vmem>>
      %dma_start3A_1427 = tpu.memref_squeeze %dma_start3A_1426 : memref<1x48x128xf32, #tpu.memory_space<vmem>> -> memref<48x128xf32, #tpu.memory_space<vmem>>
      tpu.enqueue_dma source(%dma_start3A_1427 : memref<48x128xf32, #tpu.memory_space<vmem>>) target(%dma_start3A_1423 : memref<48x128xf32, #tpu.memory_space<hbm>>) target_semaphore(%arg15 : memref<!tpu.dma_semaphore, #tpu.memory_space<semaphore_mem>>)
      %dma_wait3A_1428 = arith.constant 2 : i32
      %dma_wait3A_1429 = arith.constant 0 : i32
      %dma_wait3A_1430 = arith.constant 0 : i32
      %dma_wait3A_1431 = tpu.memref_slice %arg6[%dma_wait3A_1428, %dma_wait3A_1429, %dma_wait3A_1430] : memref<6x48x128xf32, #tpu.memory_space<vmem>> -> memref<1x48x128xf32, #tpu.memory_space<vmem>>
      %dma_wait3A_1432 = tpu.memref_squeeze %dma_wait3A_1431 : memref<1x48x128xf32, #tpu.memory_space<vmem>> -> memref<48x128xf32, #tpu.memory_space<vmem>>
      %dma_wait3A_1433 = arith.constant 0 : i32
      %dma_wait3A_1434 = arith.constant 0 : i32
      %dma_wait3A_1435 = tpu.memref_slice %arg2[%dma_wait3A_1433, %dma_wait3A_1434] : memref<10000x128xf32, #tpu.memory_space<hbm>> -> memref<48x128xf32, #tpu.memory_space<hbm>>
      %dma_wait3A_1436 = arith.constant 0 : i32
      %dma_wait3A_1437 = arith.constant 0 : i32
      %dma_wait3A_1438 = tpu.memref_slice %arg6[%dma_wait3A_1428, %dma_wait3A_1436, %dma_wait3A_1437] : memref<6x48x128xf32, #tpu.memory_space<vmem>> -> memref<1x48x128xf32, #tpu.memory_space<vmem>>
      %dma_wait3A_1439 = tpu.memref_squeeze %dma_wait3A_1438 : memref<1x48x128xf32, #tpu.memory_space<vmem>> -> memref<48x128xf32, #tpu.memory_space<vmem>>
      %dma_wait3A_1440 = arith.constant 0 : i32
      %dma_wait3A_1441 = arith.constant 0 : i32
      %dma_wait3A_1442 = tpu.memref_slice %arg2[%dma_wait3A_1440, %dma_wait3A_1441] : memref<10000x128xf32, #tpu.memory_space<hbm>> -> memref<48x128xf32, #tpu.memory_space<hbm>>
      tpu.wait_dma2 semaphore(%arg10 : memref<!tpu.dma_semaphore, #tpu.memory_space<semaphore_mem>>) src(%dma_wait3A_1442 : memref<48x128xf32, #tpu.memory_space<hbm>>) dst(%dma_wait3A_1439 : memref<48x128xf32, #tpu.memory_space<vmem>>)
      %add3A_1443 = arith.constant 2 : i32
      %add3A_1444 = arith.addi %mul3A_1361, %add3A_1443 : i32
      %mul3A_1445 = arith.constant 48 : i32
      %mul3A_1446 = arith.muli %add3A_1444, %mul3A_1445 : i32
      %add3A_1447 = arith.addi %mul3A_1081, %mul3A_1446 : i32
      %dma_start3A_1448 = arith.constant 2 : i32
      %dma_start3A_1449 = arith.constant 0 : i32
      %dma_start3A_1450 = arith.constant 0 : i32
      %dma_start3A_1451 = tpu.memref_slice %arg6[%dma_start3A_1448, %dma_start3A_1449, %dma_start3A_1450] : memref<6x48x128xf32, #tpu.memory_space<vmem>> -> memref<1x48x128xf32, #tpu.memory_space<vmem>>
      %dma_start3A_1452 = tpu.memref_squeeze %dma_start3A_1451 : memref<1x48x128xf32, #tpu.memory_space<vmem>> -> memref<48x128xf32, #tpu.memory_space<vmem>>
      %dma_start3A_1453 = arith.constant 0 : i32
      %dma_start3A_1454 = tpu.memref_slice %arg4[%add3A_1447, %dma_start3A_1453] : memref<320000x128xf32, #tpu.memory_space<hbm>> -> memref<48x128xf32, #tpu.memory_space<hbm>>
      %dma_start3A_1455 = arith.constant 0 : i32
      %dma_start3A_1456 = tpu.memref_slice %arg4[%add3A_1447, %dma_start3A_1455] : memref<320000x128xf32, #tpu.memory_space<hbm>> -> memref<48x128xf32, #tpu.memory_space<hbm>>
      %dma_start3A_1457 = arith.constant 0 : i32
      %dma_start3A_1458 = arith.constant 0 : i32
      %dma_start3A_1459 = tpu.memref_slice %arg6[%dma_start3A_1448, %dma_start3A_1457, %dma_start3A_1458] : memref<6x48x128xf32, #tpu.memory_space<vmem>> -> memref<1x48x128xf32, #tpu.memory_space<vmem>>
      %dma_start3A_1460 = tpu.memref_squeeze %dma_start3A_1459 : memref<1x48x128xf32, #tpu.memory_space<vmem>> -> memref<48x128xf32, #tpu.memory_space<vmem>>
      tpu.enqueue_dma source(%dma_start3A_1460 : memref<48x128xf32, #tpu.memory_space<vmem>>) target(%dma_start3A_1456 : memref<48x128xf32, #tpu.memory_space<hbm>>) target_semaphore(%arg16 : memref<!tpu.dma_semaphore, #tpu.memory_space<semaphore_mem>>)
      %dma_wait3A_1461 = arith.constant 3 : i32
      %dma_wait3A_1462 = arith.constant 0 : i32
      %dma_wait3A_1463 = arith.constant 0 : i32
      %dma_wait3A_1464 = tpu.memref_slice %arg6[%dma_wait3A_1461, %dma_wait3A_1462, %dma_wait3A_1463] : memref<6x48x128xf32, #tpu.memory_space<vmem>> -> memref<1x48x128xf32, #tpu.memory_space<vmem>>
      %dma_wait3A_1465 = tpu.memref_squeeze %dma_wait3A_1464 : memref<1x48x128xf32, #tpu.memory_space<vmem>> -> memref<48x128xf32, #tpu.memory_space<vmem>>
      %dma_wait3A_1466 = arith.constant 0 : i32
      %dma_wait3A_1467 = arith.constant 0 : i32
      %dma_wait3A_1468 = tpu.memref_slice %arg2[%dma_wait3A_1466, %dma_wait3A_1467] : memref<10000x128xf32, #tpu.memory_space<hbm>> -> memref<48x128xf32, #tpu.memory_space<hbm>>
      %dma_wait3A_1469 = arith.constant 0 : i32
      %dma_wait3A_1470 = arith.constant 0 : i32
      %dma_wait3A_1471 = tpu.memref_slice %arg6[%dma_wait3A_1461, %dma_wait3A_1469, %dma_wait3A_1470] : memref<6x48x128xf32, #tpu.memory_space<vmem>> -> memref<1x48x128xf32, #tpu.memory_space<vmem>>
      %dma_wait3A_1472 = tpu.memref_squeeze %dma_wait3A_1471 : memref<1x48x128xf32, #tpu.memory_space<vmem>> -> memref<48x128xf32, #tpu.memory_space<vmem>>
      %dma_wait3A_1473 = arith.constant 0 : i32
      %dma_wait3A_1474 = arith.constant 0 : i32
      %dma_wait3A_1475 = tpu.memref_slice %arg2[%dma_wait3A_1473, %dma_wait3A_1474] : memref<10000x128xf32, #tpu.memory_space<hbm>> -> memref<48x128xf32, #tpu.memory_space<hbm>>
      tpu.wait_dma2 semaphore(%arg11 : memref<!tpu.dma_semaphore, #tpu.memory_space<semaphore_mem>>) src(%dma_wait3A_1475 : memref<48x128xf32, #tpu.memory_space<hbm>>) dst(%dma_wait3A_1472 : memref<48x128xf32, #tpu.memory_space<vmem>>)
      %add3A_1476 = arith.constant 3 : i32
      %add3A_1477 = arith.addi %mul3A_1361, %add3A_1476 : i32
      %mul3A_1478 = arith.constant 48 : i32
      %mul3A_1479 = arith.muli %add3A_1477, %mul3A_1478 : i32
      %add3A_1480 = arith.addi %mul3A_1081, %mul3A_1479 : i32
      %dma_start3A_1481 = arith.constant 3 : i32
      %dma_start3A_1482 = arith.constant 0 : i32
      %dma_start3A_1483 = arith.constant 0 : i32
      %dma_start3A_1484 = tpu.memref_slice %arg6[%dma_start3A_1481, %dma_start3A_1482, %dma_start3A_1483] : memref<6x48x128xf32, #tpu.memory_space<vmem>> -> memref<1x48x128xf32, #tpu.memory_space<vmem>>
      %dma_start3A_1485 = tpu.memref_squeeze %dma_start3A_1484 : memref<1x48x128xf32, #tpu.memory_space<vmem>> -> memref<48x128xf32, #tpu.memory_space<vmem>>
      %dma_start3A_1486 = arith.constant 0 : i32
      %dma_start3A_1487 = tpu.memref_slice %arg4[%add3A_1480, %dma_start3A_1486] : memref<320000x128xf32, #tpu.memory_space<hbm>> -> memref<48x128xf32, #tpu.memory_space<hbm>>
      %dma_start3A_1488 = arith.constant 0 : i32
      %dma_start3A_1489 = tpu.memref_slice %arg4[%add3A_1480, %dma_start3A_1488] : memref<320000x128xf32, #tpu.memory_space<hbm>> -> memref<48x128xf32, #tpu.memory_space<hbm>>
      %dma_start3A_1490 = arith.constant 0 : i32
      %dma_start3A_1491 = arith.constant 0 : i32
      %dma_start3A_1492 = tpu.memref_slice %arg6[%dma_start3A_1481, %dma_start3A_1490, %dma_start3A_1491] : memref<6x48x128xf32, #tpu.memory_space<vmem>> -> memref<1x48x128xf32, #tpu.memory_space<vmem>>
      %dma_start3A_1493 = tpu.memref_squeeze %dma_start3A_1492 : memref<1x48x128xf32, #tpu.memory_space<vmem>> -> memref<48x128xf32, #tpu.memory_space<vmem>>
      tpu.enqueue_dma source(%dma_start3A_1493 : memref<48x128xf32, #tpu.memory_space<vmem>>) target(%dma_start3A_1489 : memref<48x128xf32, #tpu.memory_space<hbm>>) target_semaphore(%arg17 : memref<!tpu.dma_semaphore, #tpu.memory_space<semaphore_mem>>)
      %dma_wait3A_1494 = arith.constant 4 : i32
      %dma_wait3A_1495 = arith.constant 0 : i32
      %dma_wait3A_1496 = arith.constant 0 : i32
      %dma_wait3A_1497 = tpu.memref_slice %arg6[%dma_wait3A_1494, %dma_wait3A_1495, %dma_wait3A_1496] : memref<6x48x128xf32, #tpu.memory_space<vmem>> -> memref<1x48x128xf32, #tpu.memory_space<vmem>>
      %dma_wait3A_1498 = tpu.memref_squeeze %dma_wait3A_1497 : memref<1x48x128xf32, #tpu.memory_space<vmem>> -> memref<48x128xf32, #tpu.memory_space<vmem>>
      %dma_wait3A_1499 = arith.constant 0 : i32
      %dma_wait3A_1500 = arith.constant 0 : i32
      %dma_wait3A_1501 = tpu.memref_slice %arg2[%dma_wait3A_1499, %dma_wait3A_1500] : memref<10000x128xf32, #tpu.memory_space<hbm>> -> memref<48x128xf32, #tpu.memory_space<hbm>>
      %dma_wait3A_1502 = arith.constant 0 : i32
      %dma_wait3A_1503 = arith.constant 0 : i32
      %dma_wait3A_1504 = tpu.memref_slice %arg6[%dma_wait3A_1494, %dma_wait3A_1502, %dma_wait3A_1503] : memref<6x48x128xf32, #tpu.memory_space<vmem>> -> memref<1x48x128xf32, #tpu.memory_space<vmem>>
      %dma_wait3A_1505 = tpu.memref_squeeze %dma_wait3A_1504 : memref<1x48x128xf32, #tpu.memory_space<vmem>> -> memref<48x128xf32, #tpu.memory_space<vmem>>
      %dma_wait3A_1506 = arith.constant 0 : i32
      %dma_wait3A_1507 = arith.constant 0 : i32
      %dma_wait3A_1508 = tpu.memref_slice %arg2[%dma_wait3A_1506, %dma_wait3A_1507] : memref<10000x128xf32, #tpu.memory_space<hbm>> -> memref<48x128xf32, #tpu.memory_space<hbm>>
      tpu.wait_dma2 semaphore(%arg12 : memref<!tpu.dma_semaphore, #tpu.memory_space<semaphore_mem>>) src(%dma_wait3A_1508 : memref<48x128xf32, #tpu.memory_space<hbm>>) dst(%dma_wait3A_1505 : memref<48x128xf32, #tpu.memory_space<vmem>>)
      %add3A_1509 = arith.constant 4 : i32
      %add3A_1510 = arith.addi %mul3A_1361, %add3A_1509 : i32
      %mul3A_1511 = arith.constant 48 : i32
      %mul3A_1512 = arith.muli %add3A_1510, %mul3A_1511 : i32
      %add3A_1513 = arith.addi %mul3A_1081, %mul3A_1512 : i32
      %dma_start3A_1514 = arith.constant 4 : i32
      %dma_start3A_1515 = arith.constant 0 : i32
      %dma_start3A_1516 = arith.constant 0 : i32
      %dma_start3A_1517 = tpu.memref_slice %arg6[%dma_start3A_1514, %dma_start3A_1515, %dma_start3A_1516] : memref<6x48x128xf32, #tpu.memory_space<vmem>> -> memref<1x48x128xf32, #tpu.memory_space<vmem>>
      %dma_start3A_1518 = tpu.memref_squeeze %dma_start3A_1517 : memref<1x48x128xf32, #tpu.memory_space<vmem>> -> memref<48x128xf32, #tpu.memory_space<vmem>>
      %dma_start3A_1519 = arith.constant 0 : i32
      %dma_start3A_1520 = tpu.memref_slice %arg4[%add3A_1513, %dma_start3A_1519] : memref<320000x128xf32, #tpu.memory_space<hbm>> -> memref<48x128xf32, #tpu.memory_space<hbm>>
      %dma_start3A_1521 = arith.constant 0 : i32
      %dma_start3A_1522 = tpu.memref_slice %arg4[%add3A_1513, %dma_start3A_1521] : memref<320000x128xf32, #tpu.memory_space<hbm>> -> memref<48x128xf32, #tpu.memory_space<hbm>>
      %dma_start3A_1523 = arith.constant 0 : i32
      %dma_start3A_1524 = arith.constant 0 : i32
      %dma_start3A_1525 = tpu.memref_slice %arg6[%dma_start3A_1514, %dma_start3A_1523, %dma_start3A_1524] : memref<6x48x128xf32, #tpu.memory_space<vmem>> -> memref<1x48x128xf32, #tpu.memory_space<vmem>>
      %dma_start3A_1526 = tpu.memref_squeeze %dma_start3A_1525 : memref<1x48x128xf32, #tpu.memory_space<vmem>> -> memref<48x128xf32, #tpu.memory_space<vmem>>
      tpu.enqueue_dma source(%dma_start3A_1526 : memref<48x128xf32, #tpu.memory_space<vmem>>) target(%dma_start3A_1522 : memref<48x128xf32, #tpu.memory_space<hbm>>) target_semaphore(%arg18 : memref<!tpu.dma_semaphore, #tpu.memory_space<semaphore_mem>>)
      %dma_wait3A_1527 = arith.constant 5 : i32
      %dma_wait3A_1528 = arith.constant 0 : i32
      %dma_wait3A_1529 = arith.constant 0 : i32
      %dma_wait3A_1530 = tpu.memref_slice %arg6[%dma_wait3A_1527, %dma_wait3A_1528, %dma_wait3A_1529] : memref<6x48x128xf32, #tpu.memory_space<vmem>> -> memref<1x48x128xf32, #tpu.memory_space<vmem>>
      %dma_wait3A_1531 = tpu.memref_squeeze %dma_wait3A_1530 : memref<1x48x128xf32, #tpu.memory_space<vmem>> -> memref<48x128xf32, #tpu.memory_space<vmem>>
      %dma_wait3A_1532 = arith.constant 0 : i32
      %dma_wait3A_1533 = arith.constant 0 : i32
      %dma_wait3A_1534 = tpu.memref_slice %arg2[%dma_wait3A_1532, %dma_wait3A_1533] : memref<10000x128xf32, #tpu.memory_space<hbm>> -> memref<48x128xf32, #tpu.memory_space<hbm>>
      %dma_wait3A_1535 = arith.constant 0 : i32
      %dma_wait3A_1536 = arith.constant 0 : i32
      %dma_wait3A_1537 = tpu.memref_slice %arg6[%dma_wait3A_1527, %dma_wait3A_1535, %dma_wait3A_1536] : memref<6x48x128xf32, #tpu.memory_space<vmem>> -> memref<1x48x128xf32, #tpu.memory_space<vmem>>
      %dma_wait3A_1538 = tpu.memref_squeeze %dma_wait3A_1537 : memref<1x48x128xf32, #tpu.memory_space<vmem>> -> memref<48x128xf32, #tpu.memory_space<vmem>>
      %dma_wait3A_1539 = arith.constant 0 : i32
      %dma_wait3A_1540 = arith.constant 0 : i32
      %dma_wait3A_1541 = tpu.memref_slice %arg2[%dma_wait3A_1539, %dma_wait3A_1540] : memref<10000x128xf32, #tpu.memory_space<hbm>> -> memref<48x128xf32, #tpu.memory_space<hbm>>
      tpu.wait_dma2 semaphore(%arg13 : memref<!tpu.dma_semaphore, #tpu.memory_space<semaphore_mem>>) src(%dma_wait3A_1541 : memref<48x128xf32, #tpu.memory_space<hbm>>) dst(%dma_wait3A_1538 : memref<48x128xf32, #tpu.memory_space<vmem>>)
      %add3A_1542 = arith.constant 5 : i32
      %add3A_1543 = arith.addi %mul3A_1361, %add3A_1542 : i32
      %mul3A_1544 = arith.constant 48 : i32
      %mul3A_1545 = arith.muli %add3A_1543, %mul3A_1544 : i32
      %add3A_1546 = arith.addi %mul3A_1081, %mul3A_1545 : i32
      %dma_start3A_1547 = arith.constant 5 : i32
      %dma_start3A_1548 = arith.constant 0 : i32
      %dma_start3A_1549 = arith.constant 0 : i32
      %dma_start3A_1550 = tpu.memref_slice %arg6[%dma_start3A_1547, %dma_start3A_1548, %dma_start3A_1549] : memref<6x48x128xf32, #tpu.memory_space<vmem>> -> memref<1x48x128xf32, #tpu.memory_space<vmem>>
      %dma_start3A_1551 = tpu.memref_squeeze %dma_start3A_1550 : memref<1x48x128xf32, #tpu.memory_space<vmem>> -> memref<48x128xf32, #tpu.memory_space<vmem>>
      %dma_start3A_1552 = arith.constant 0 : i32
      %dma_start3A_1553 = tpu.memref_slice %arg4[%add3A_1546, %dma_start3A_1552] : memref<320000x128xf32, #tpu.memory_space<hbm>> -> memref<48x128xf32, #tpu.memory_space<hbm>>
      %dma_start3A_1554 = arith.constant 0 : i32
      %dma_start3A_1555 = tpu.memref_slice %arg4[%add3A_1546, %dma_start3A_1554] : memref<320000x128xf32, #tpu.memory_space<hbm>> -> memref<48x128xf32, #tpu.memory_space<hbm>>
      %dma_start3A_1556 = arith.constant 0 : i32
      %dma_start3A_1557 = arith.constant 0 : i32
      %dma_start3A_1558 = tpu.memref_slice %arg6[%dma_start3A_1547, %dma_start3A_1556, %dma_start3A_1557] : memref<6x48x128xf32, #tpu.memory_space<vmem>> -> memref<1x48x128xf32, #tpu.memory_space<vmem>>
      %dma_start3A_1559 = tpu.memref_squeeze %dma_start3A_1558 : memref<1x48x128xf32, #tpu.memory_space<vmem>> -> memref<48x128xf32, #tpu.memory_space<vmem>>
      tpu.enqueue_dma source(%dma_start3A_1559 : memref<48x128xf32, #tpu.memory_space<vmem>>) target(%dma_start3A_1555 : memref<48x128xf32, #tpu.memory_space<hbm>>) target_semaphore(%arg19 : memref<!tpu.dma_semaphore, #tpu.memory_space<semaphore_mem>>)
      %dma_wait3A_1560 = arith.constant 0 : i32
      %dma_wait3A_1561 = arith.constant 0 : i32
      %dma_wait3A_1562 = arith.constant 0 : i32
      %dma_wait3A_1563 = tpu.memref_slice %arg6[%dma_wait3A_1560, %dma_wait3A_1561, %dma_wait3A_1562] : memref<6x48x128xf32, #tpu.memory_space<vmem>> -> memref<1x48x128xf32, #tpu.memory_space<vmem>>
      %dma_wait3A_1564 = tpu.memref_squeeze %dma_wait3A_1563 : memref<1x48x128xf32, #tpu.memory_space<vmem>> -> memref<48x128xf32, #tpu.memory_space<vmem>>
      %dma_wait3A_1565 = arith.constant 0 : i32
      %dma_wait3A_1566 = arith.constant 0 : i32
      %dma_wait3A_1567 = tpu.memref_slice %arg4[%dma_wait3A_1565, %dma_wait3A_1566] : memref<320000x128xf32, #tpu.memory_space<hbm>> -> memref<48x128xf32, #tpu.memory_space<hbm>>
      %dma_wait3A_1568 = arith.constant 0 : i32
      %dma_wait3A_1569 = arith.constant 0 : i32
      %dma_wait3A_1570 = tpu.memref_slice %arg4[%dma_wait3A_1568, %dma_wait3A_1569] : memref<320000x128xf32, #tpu.memory_space<hbm>> -> memref<48x128xf32, #tpu.memory_space<hbm>>
      %dma_wait3A_1571 = arith.constant 0 : i32
      %dma_wait3A_1572 = arith.constant 0 : i32
      %dma_wait3A_1573 = tpu.memref_slice %arg6[%dma_wait3A_1560, %dma_wait3A_1571, %dma_wait3A_1572] : memref<6x48x128xf32, #tpu.memory_space<vmem>> -> memref<1x48x128xf32, #tpu.memory_space<vmem>>
      %dma_wait3A_1574 = tpu.memref_squeeze %dma_wait3A_1573 : memref<1x48x128xf32, #tpu.memory_space<vmem>> -> memref<48x128xf32, #tpu.memory_space<vmem>>
      tpu.wait_dma2 semaphore(%arg14 : memref<!tpu.dma_semaphore, #tpu.memory_space<semaphore_mem>>) src(%dma_wait3A_1574 : memref<48x128xf32, #tpu.memory_space<vmem>>) dst(%dma_wait3A_1570 : memref<48x128xf32, #tpu.memory_space<hbm>>)
      %add3A_1575 = arith.constant 6 : i32
      %add3A_1576 = arith.addi %mul3A_1361, %add3A_1575 : i32
      %add3A_1577 = arith.constant 0 : i32
      %add3A_1578 = arith.addi %add3A_1576, %add3A_1577 : i32
      %lt3A_1579 = arith.constant 208 : i32
      %lt3A_1580 = arith.cmpi slt, %add3A_1578, %lt3A_1579 : i32
      %convert_element_type3A_1581 = arith.extui %lt3A_1580 : i1 to i32
      %cond3A_1582 = arith.constant 0 : i32
      %cond3A_1583 = arith.cmpi ne, %convert_element_type3A_1581, %cond3A_1582 : i32
      scf.if %cond3A_1583 {
        %mul3A_1704 = arith.constant 48 : i32
        %mul3A_1705 = arith.muli %add3A_1578, %mul3A_1704 : i32
        %dma_start3A_1706 = arith.constant 0 : i32
        %dma_start3A_1707 = arith.constant 0 : i32
        %dma_start3A_1708 = arith.constant 0 : i32
        %dma_start3A_1709 = tpu.memref_slice %arg6[%dma_start3A_1706, %dma_start3A_1707, %dma_start3A_1708] : memref<6x48x128xf32, #tpu.memory_space<vmem>> -> memref<1x48x128xf32, #tpu.memory_space<vmem>>
        %dma_start3A_1710 = tpu.memref_squeeze %dma_start3A_1709 : memref<1x48x128xf32, #tpu.memory_space<vmem>> -> memref<48x128xf32, #tpu.memory_space<vmem>>
        %dma_start3A_1711 = tpu.memref_slice %arg5[%mul3A_1705] : memref<10000xi32, #tpu.memory_space<vmem>> -> memref<48xi32, #tpu.memory_space<vmem>>
        %dma_start3A_1712 = arith.constant 0 : i32
        %dma_start3A_1713 = arith.constant 0 : i32
        %dma_start3A_1714 = tpu.memref_slice %arg7[%dma_start3A_1712, %dma_start3A_1713] : memref<10001x128xf32, #tpu.memory_space<vmem_shared>> -> memref<10001x128xf32, #tpu.memory_space<vmem_shared>>
        tpu.enqueue_indirect_dma source(%dma_start3A_1714 : memref<10001x128xf32, #tpu.memory_space<vmem_shared>>) target(%dma_start3A_1710 : memref<48x128xf32, #tpu.memory_space<vmem>>) offsets(%dma_start3A_1711 : memref<48xi32, #tpu.memory_space<vmem>>) semaphore(%arg8 : memref<!tpu.dma_semaphore, #tpu.memory_space<semaphore_mem>>)
      } else {
      }
      %dma_wait3A_1584 = arith.constant 1 : i32
      %dma_wait3A_1585 = arith.constant 0 : i32
      %dma_wait3A_1586 = arith.constant 0 : i32
      %dma_wait3A_1587 = tpu.memref_slice %arg6[%dma_wait3A_1584, %dma_wait3A_1585, %dma_wait3A_1586] : memref<6x48x128xf32, #tpu.memory_space<vmem>> -> memref<1x48x128xf32, #tpu.memory_space<vmem>>
      %dma_wait3A_1588 = tpu.memref_squeeze %dma_wait3A_1587 : memref<1x48x128xf32, #tpu.memory_space<vmem>> -> memref<48x128xf32, #tpu.memory_space<vmem>>
      %dma_wait3A_1589 = arith.constant 0 : i32
      %dma_wait3A_1590 = arith.constant 0 : i32
      %dma_wait3A_1591 = tpu.memref_slice %arg4[%dma_wait3A_1589, %dma_wait3A_1590] : memref<320000x128xf32, #tpu.memory_space<hbm>> -> memref<48x128xf32, #tpu.memory_space<hbm>>
      %dma_wait3A_1592 = arith.constant 0 : i32
      %dma_wait3A_1593 = arith.constant 0 : i32
      %dma_wait3A_1594 = tpu.memref_slice %arg4[%dma_wait3A_1592, %dma_wait3A_1593] : memref<320000x128xf32, #tpu.memory_space<hbm>> -> memref<48x128xf32, #tpu.memory_space<hbm>>
      %dma_wait3A_1595 = arith.constant 0 : i32
      %dma_wait3A_1596 = arith.constant 0 : i32
      %dma_wait3A_1597 = tpu.memref_slice %arg6[%dma_wait3A_1584, %dma_wait3A_1595, %dma_wait3A_1596] : memref<6x48x128xf32, #tpu.memory_space<vmem>> -> memref<1x48x128xf32, #tpu.memory_space<vmem>>
      %dma_wait3A_1598 = tpu.memref_squeeze %dma_wait3A_1597 : memref<1x48x128xf32, #tpu.memory_space<vmem>> -> memref<48x128xf32, #tpu.memory_space<vmem>>
      tpu.wait_dma2 semaphore(%arg15 : memref<!tpu.dma_semaphore, #tpu.memory_space<semaphore_mem>>) src(%dma_wait3A_1598 : memref<48x128xf32, #tpu.memory_space<vmem>>) dst(%dma_wait3A_1594 : memref<48x128xf32, #tpu.memory_space<hbm>>)
      %add3A_1599 = arith.constant 6 : i32
      %add3A_1600 = arith.addi %mul3A_1361, %add3A_1599 : i32
      %add3A_1601 = arith.constant 1 : i32
      %add3A_1602 = arith.addi %add3A_1600, %add3A_1601 : i32
      %lt3A_1603 = arith.constant 208 : i32
      %lt3A_1604 = arith.cmpi slt, %add3A_1602, %lt3A_1603 : i32
      %convert_element_type3A_1605 = arith.extui %lt3A_1604 : i1 to i32
      %cond3A_1606 = arith.constant 0 : i32
      %cond3A_1607 = arith.cmpi ne, %convert_element_type3A_1605, %cond3A_1606 : i32
      scf.if %cond3A_1607 {
        %mul3A_1704 = arith.constant 48 : i32
        %mul3A_1705 = arith.muli %add3A_1602, %mul3A_1704 : i32
        %dma_start3A_1706 = arith.constant 1 : i32
        %dma_start3A_1707 = arith.constant 0 : i32
        %dma_start3A_1708 = arith.constant 0 : i32
        %dma_start3A_1709 = tpu.memref_slice %arg6[%dma_start3A_1706, %dma_start3A_1707, %dma_start3A_1708] : memref<6x48x128xf32, #tpu.memory_space<vmem>> -> memref<1x48x128xf32, #tpu.memory_space<vmem>>
        %dma_start3A_1710 = tpu.memref_squeeze %dma_start3A_1709 : memref<1x48x128xf32, #tpu.memory_space<vmem>> -> memref<48x128xf32, #tpu.memory_space<vmem>>
        %dma_start3A_1711 = tpu.memref_slice %arg5[%mul3A_1705] : memref<10000xi32, #tpu.memory_space<vmem>> -> memref<48xi32, #tpu.memory_space<vmem>>
        %dma_start3A_1712 = arith.constant 0 : i32
        %dma_start3A_1713 = arith.constant 0 : i32
        %dma_start3A_1714 = tpu.memref_slice %arg7[%dma_start3A_1712, %dma_start3A_1713] : memref<10001x128xf32, #tpu.memory_space<vmem_shared>> -> memref<10001x128xf32, #tpu.memory_space<vmem_shared>>
        tpu.enqueue_indirect_dma source(%dma_start3A_1714 : memref<10001x128xf32, #tpu.memory_space<vmem_shared>>) target(%dma_start3A_1710 : memref<48x128xf32, #tpu.memory_space<vmem>>) offsets(%dma_start3A_1711 : memref<48xi32, #tpu.memory_space<vmem>>) semaphore(%arg9 : memref<!tpu.dma_semaphore, #tpu.memory_space<semaphore_mem>>)
      } else {
      }
      %dma_wait3A_1608 = arith.constant 2 : i32
      %dma_wait3A_1609 = arith.constant 0 : i32
      %dma_wait3A_1610 = arith.constant 0 : i32
      %dma_wait3A_1611 = tpu.memref_slice %arg6[%dma_wait3A_1608, %dma_wait3A_1609, %dma_wait3A_1610] : memref<6x48x128xf32, #tpu.memory_space<vmem>> -> memref<1x48x128xf32, #tpu.memory_space<vmem>>
      %dma_wait3A_1612 = tpu.memref_squeeze %dma_wait3A_1611 : memref<1x48x128xf32, #tpu.memory_space<vmem>> -> memref<48x128xf32, #tpu.memory_space<vmem>>
      %dma_wait3A_1613 = arith.constant 0 : i32
      %dma_wait3A_1614 = arith.constant 0 : i32
      %dma_wait3A_1615 = tpu.memref_slice %arg4[%dma_wait3A_1613, %dma_wait3A_1614] : memref<320000x128xf32, #tpu.memory_space<hbm>> -> memref<48x128xf32, #tpu.memory_space<hbm>>
      %dma_wait3A_1616 = arith.constant 0 : i32
      %dma_wait3A_1617 = arith.constant 0 : i32
      %dma_wait3A_1618 = tpu.memref_slice %arg4[%dma_wait3A_1616, %dma_wait3A_1617] : memref<320000x128xf32, #tpu.memory_space<hbm>> -> memref<48x128xf32, #tpu.memory_space<hbm>>
      %dma_wait3A_1619 = arith.constant 0 : i32
      %dma_wait3A_1620 = arith.constant 0 : i32
      %dma_wait3A_1621 = tpu.memref_slice %arg6[%dma_wait3A_1608, %dma_wait3A_1619, %dma_wait3A_1620] : memref<6x48x128xf32, #tpu.memory_space<vmem>> -> memref<1x48x128xf32, #tpu.memory_space<vmem>>
      %dma_wait3A_1622 = tpu.memref_squeeze %dma_wait3A_1621 : memref<1x48x128xf32, #tpu.memory_space<vmem>> -> memref<48x128xf32, #tpu.memory_space<vmem>>
      tpu.wait_dma2 semaphore(%arg16 : memref<!tpu.dma_semaphore, #tpu.memory_space<semaphore_mem>>) src(%dma_wait3A_1622 : memref<48x128xf32, #tpu.memory_space<vmem>>) dst(%dma_wait3A_1618 : memref<48x128xf32, #tpu.memory_space<hbm>>)
      %add3A_1623 = arith.constant 6 : i32
      %add3A_1624 = arith.addi %mul3A_1361, %add3A_1623 : i32
      %add3A_1625 = arith.constant 2 : i32
      %add3A_1626 = arith.addi %add3A_1624, %add3A_1625 : i32
      %lt3A_1627 = arith.constant 208 : i32
      %lt3A_1628 = arith.cmpi slt, %add3A_1626, %lt3A_1627 : i32
      %convert_element_type3A_1629 = arith.extui %lt3A_1628 : i1 to i32
      %cond3A_1630 = arith.constant 0 : i32
      %cond3A_1631 = arith.cmpi ne, %convert_element_type3A_1629, %cond3A_1630 : i32
      scf.if %cond3A_1631 {
        %mul3A_1704 = arith.constant 48 : i32
        %mul3A_1705 = arith.muli %add3A_1626, %mul3A_1704 : i32
        %dma_start3A_1706 = arith.constant 2 : i32
        %dma_start3A_1707 = arith.constant 0 : i32
        %dma_start3A_1708 = arith.constant 0 : i32
        %dma_start3A_1709 = tpu.memref_slice %arg6[%dma_start3A_1706, %dma_start3A_1707, %dma_start3A_1708] : memref<6x48x128xf32, #tpu.memory_space<vmem>> -> memref<1x48x128xf32, #tpu.memory_space<vmem>>
        %dma_start3A_1710 = tpu.memref_squeeze %dma_start3A_1709 : memref<1x48x128xf32, #tpu.memory_space<vmem>> -> memref<48x128xf32, #tpu.memory_space<vmem>>
        %dma_start3A_1711 = tpu.memref_slice %arg5[%mul3A_1705] : memref<10000xi32, #tpu.memory_space<vmem>> -> memref<48xi32, #tpu.memory_space<vmem>>
        %dma_start3A_1712 = arith.constant 0 : i32
        %dma_start3A_1713 = arith.constant 0 : i32
        %dma_start3A_1714 = tpu.memref_slice %arg7[%dma_start3A_1712, %dma_start3A_1713] : memref<10001x128xf32, #tpu.memory_space<vmem_shared>> -> memref<10001x128xf32, #tpu.memory_space<vmem_shared>>
        tpu.enqueue_indirect_dma source(%dma_start3A_1714 : memref<10001x128xf32, #tpu.memory_space<vmem_shared>>) target(%dma_start3A_1710 : memref<48x128xf32, #tpu.memory_space<vmem>>) offsets(%dma_start3A_1711 : memref<48xi32, #tpu.memory_space<vmem>>) semaphore(%arg10 : memref<!tpu.dma_semaphore, #tpu.memory_space<semaphore_mem>>)
      } else {
      }
      %dma_wait3A_1632 = arith.constant 3 : i32
      %dma_wait3A_1633 = arith.constant 0 : i32
      %dma_wait3A_1634 = arith.constant 0 : i32
      %dma_wait3A_1635 = tpu.memref_slice %arg6[%dma_wait3A_1632, %dma_wait3A_1633, %dma_wait3A_1634] : memref<6x48x128xf32, #tpu.memory_space<vmem>> -> memref<1x48x128xf32, #tpu.memory_space<vmem>>
      %dma_wait3A_1636 = tpu.memref_squeeze %dma_wait3A_1635 : memref<1x48x128xf32, #tpu.memory_space<vmem>> -> memref<48x128xf32, #tpu.memory_space<vmem>>
      %dma_wait3A_1637 = arith.constant 0 : i32
      %dma_wait3A_1638 = arith.constant 0 : i32
      %dma_wait3A_1639 = tpu.memref_slice %arg4[%dma_wait3A_1637, %dma_wait3A_1638] : memref<320000x128xf32, #tpu.memory_space<hbm>> -> memref<48x128xf32, #tpu.memory_space<hbm>>
      %dma_wait3A_1640 = arith.constant 0 : i32
      %dma_wait3A_1641 = arith.constant 0 : i32
      %dma_wait3A_1642 = tpu.memref_slice %arg4[%dma_wait3A_1640, %dma_wait3A_1641] : memref<320000x128xf32, #tpu.memory_space<hbm>> -> memref<48x128xf32, #tpu.memory_space<hbm>>
      %dma_wait3A_1643 = arith.constant 0 : i32
      %dma_wait3A_1644 = arith.constant 0 : i32
      %dma_wait3A_1645 = tpu.memref_slice %arg6[%dma_wait3A_1632, %dma_wait3A_1643, %dma_wait3A_1644] : memref<6x48x128xf32, #tpu.memory_space<vmem>> -> memref<1x48x128xf32, #tpu.memory_space<vmem>>
      %dma_wait3A_1646 = tpu.memref_squeeze %dma_wait3A_1645 : memref<1x48x128xf32, #tpu.memory_space<vmem>> -> memref<48x128xf32, #tpu.memory_space<vmem>>
      tpu.wait_dma2 semaphore(%arg17 : memref<!tpu.dma_semaphore, #tpu.memory_space<semaphore_mem>>) src(%dma_wait3A_1646 : memref<48x128xf32, #tpu.memory_space<vmem>>) dst(%dma_wait3A_1642 : memref<48x128xf32, #tpu.memory_space<hbm>>)
      %add3A_1647 = arith.constant 6 : i32
      %add3A_1648 = arith.addi %mul3A_1361, %add3A_1647 : i32
      %add3A_1649 = arith.constant 3 : i32
      %add3A_1650 = arith.addi %add3A_1648, %add3A_1649 : i32
      %lt3A_1651 = arith.constant 208 : i32
      %lt3A_1652 = arith.cmpi slt, %add3A_1650, %lt3A_1651 : i32
      %convert_element_type3A_1653 = arith.extui %lt3A_1652 : i1 to i32
      %cond3A_1654 = arith.constant 0 : i32
      %cond3A_1655 = arith.cmpi ne, %convert_element_type3A_1653, %cond3A_1654 : i32
      scf.if %cond3A_1655 {
        %mul3A_1704 = arith.constant 48 : i32
        %mul3A_1705 = arith.muli %add3A_1650, %mul3A_1704 : i32
        %dma_start3A_1706 = arith.constant 3 : i32
        %dma_start3A_1707 = arith.constant 0 : i32
        %dma_start3A_1708 = arith.constant 0 : i32
        %dma_start3A_1709 = tpu.memref_slice %arg6[%dma_start3A_1706, %dma_start3A_1707, %dma_start3A_1708] : memref<6x48x128xf32, #tpu.memory_space<vmem>> -> memref<1x48x128xf32, #tpu.memory_space<vmem>>
        %dma_start3A_1710 = tpu.memref_squeeze %dma_start3A_1709 : memref<1x48x128xf32, #tpu.memory_space<vmem>> -> memref<48x128xf32, #tpu.memory_space<vmem>>
        %dma_start3A_1711 = tpu.memref_slice %arg5[%mul3A_1705] : memref<10000xi32, #tpu.memory_space<vmem>> -> memref<48xi32, #tpu.memory_space<vmem>>
        %dma_start3A_1712 = arith.constant 0 : i32
        %dma_start3A_1713 = arith.constant 0 : i32
        %dma_start3A_1714 = tpu.memref_slice %arg7[%dma_start3A_1712, %dma_start3A_1713] : memref<10001x128xf32, #tpu.memory_space<vmem_shared>> -> memref<10001x128xf32, #tpu.memory_space<vmem_shared>>
        tpu.enqueue_indirect_dma source(%dma_start3A_1714 : memref<10001x128xf32, #tpu.memory_space<vmem_shared>>) target(%dma_start3A_1710 : memref<48x128xf32, #tpu.memory_space<vmem>>) offsets(%dma_start3A_1711 : memref<48xi32, #tpu.memory_space<vmem>>) semaphore(%arg11 : memref<!tpu.dma_semaphore, #tpu.memory_space<semaphore_mem>>)
      } else {
      }
      %dma_wait3A_1656 = arith.constant 4 : i32
      %dma_wait3A_1657 = arith.constant 0 : i32
      %dma_wait3A_1658 = arith.constant 0 : i32
      %dma_wait3A_1659 = tpu.memref_slice %arg6[%dma_wait3A_1656, %dma_wait3A_1657, %dma_wait3A_1658] : memref<6x48x128xf32, #tpu.memory_space<vmem>> -> memref<1x48x128xf32, #tpu.memory_space<vmem>>
      %dma_wait3A_1660 = tpu.memref_squeeze %dma_wait3A_1659 : memref<1x48x128xf32, #tpu.memory_space<vmem>> -> memref<48x128xf32, #tpu.memory_space<vmem>>
      %dma_wait3A_1661 = arith.constant 0 : i32
      %dma_wait3A_1662 = arith.constant 0 : i32
      %dma_wait3A_1663 = tpu.memref_slice %arg4[%dma_wait3A_1661, %dma_wait3A_1662] : memref<320000x128xf32, #tpu.memory_space<hbm>> -> memref<48x128xf32, #tpu.memory_space<hbm>>
      %dma_wait3A_1664 = arith.constant 0 : i32
      %dma_wait3A_1665 = arith.constant 0 : i32
      %dma_wait3A_1666 = tpu.memref_slice %arg4[%dma_wait3A_1664, %dma_wait3A_1665] : memref<320000x128xf32, #tpu.memory_space<hbm>> -> memref<48x128xf32, #tpu.memory_space<hbm>>
      %dma_wait3A_1667 = arith.constant 0 : i32
      %dma_wait3A_1668 = arith.constant 0 : i32
      %dma_wait3A_1669 = tpu.memref_slice %arg6[%dma_wait3A_1656, %dma_wait3A_1667, %dma_wait3A_1668] : memref<6x48x128xf32, #tpu.memory_space<vmem>> -> memref<1x48x128xf32, #tpu.memory_space<vmem>>
      %dma_wait3A_1670 = tpu.memref_squeeze %dma_wait3A_1669 : memref<1x48x128xf32, #tpu.memory_space<vmem>> -> memref<48x128xf32, #tpu.memory_space<vmem>>
      tpu.wait_dma2 semaphore(%arg18 : memref<!tpu.dma_semaphore, #tpu.memory_space<semaphore_mem>>) src(%dma_wait3A_1670 : memref<48x128xf32, #tpu.memory_space<vmem>>) dst(%dma_wait3A_1666 : memref<48x128xf32, #tpu.memory_space<hbm>>)
      %add3A_1671 = arith.constant 6 : i32
      %add3A_1672 = arith.addi %mul3A_1361, %add3A_1671 : i32
      %add3A_1673 = arith.constant 4 : i32
      %add3A_1674 = arith.addi %add3A_1672, %add3A_1673 : i32
      %lt3A_1675 = arith.constant 208 : i32
      %lt3A_1676 = arith.cmpi slt, %add3A_1674, %lt3A_1675 : i32
      %convert_element_type3A_1677 = arith.extui %lt3A_1676 : i1 to i32
      %cond3A_1678 = arith.constant 0 : i32
      %cond3A_1679 = arith.cmpi ne, %convert_element_type3A_1677, %cond3A_1678 : i32
      scf.if %cond3A_1679 {
        %mul3A_1704 = arith.constant 48 : i32
        %mul3A_1705 = arith.muli %add3A_1674, %mul3A_1704 : i32
        %dma_start3A_1706 = arith.constant 4 : i32
        %dma_start3A_1707 = arith.constant 0 : i32
        %dma_start3A_1708 = arith.constant 0 : i32
        %dma_start3A_1709 = tpu.memref_slice %arg6[%dma_start3A_1706, %dma_start3A_1707, %dma_start3A_1708] : memref<6x48x128xf32, #tpu.memory_space<vmem>> -> memref<1x48x128xf32, #tpu.memory_space<vmem>>
        %dma_start3A_1710 = tpu.memref_squeeze %dma_start3A_1709 : memref<1x48x128xf32, #tpu.memory_space<vmem>> -> memref<48x128xf32, #tpu.memory_space<vmem>>
        %dma_start3A_1711 = tpu.memref_slice %arg5[%mul3A_1705] : memref<10000xi32, #tpu.memory_space<vmem>> -> memref<48xi32, #tpu.memory_space<vmem>>
        %dma_start3A_1712 = arith.constant 0 : i32
        %dma_start3A_1713 = arith.constant 0 : i32
        %dma_start3A_1714 = tpu.memref_slice %arg7[%dma_start3A_1712, %dma_start3A_1713] : memref<10001x128xf32, #tpu.memory_space<vmem_shared>> -> memref<10001x128xf32, #tpu.memory_space<vmem_shared>>
        tpu.enqueue_indirect_dma source(%dma_start3A_1714 : memref<10001x128xf32, #tpu.memory_space<vmem_shared>>) target(%dma_start3A_1710 : memref<48x128xf32, #tpu.memory_space<vmem>>) offsets(%dma_start3A_1711 : memref<48xi32, #tpu.memory_space<vmem>>) semaphore(%arg12 : memref<!tpu.dma_semaphore, #tpu.memory_space<semaphore_mem>>)
      } else {
      }
      %dma_wait3A_1680 = arith.constant 5 : i32
      %dma_wait3A_1681 = arith.constant 0 : i32
      %dma_wait3A_1682 = arith.constant 0 : i32
      %dma_wait3A_1683 = tpu.memref_slice %arg6[%dma_wait3A_1680, %dma_wait3A_1681, %dma_wait3A_1682] : memref<6x48x128xf32, #tpu.memory_space<vmem>> -> memref<1x48x128xf32, #tpu.memory_space<vmem>>
      %dma_wait3A_1684 = tpu.memref_squeeze %dma_wait3A_1683 : memref<1x48x128xf32, #tpu.memory_space<vmem>> -> memref<48x128xf32, #tpu.memory_space<vmem>>
      %dma_wait3A_1685 = arith.constant 0 : i32
      %dma_wait3A_1686 = arith.constant 0 : i32
      %dma_wait3A_1687 = tpu.memref_slice %arg4[%dma_wait3A_1685, %dma_wait3A_1686] : memref<320000x128xf32, #tpu.memory_space<hbm>> -> memref<48x128xf32, #tpu.memory_space<hbm>>
      %dma_wait3A_1688 = arith.constant 0 : i32
      %dma_wait3A_1689 = arith.constant 0 : i32
      %dma_wait3A_1690 = tpu.memref_slice %arg4[%dma_wait3A_1688, %dma_wait3A_1689] : memref<320000x128xf32, #tpu.memory_space<hbm>> -> memref<48x128xf32, #tpu.memory_space<hbm>>
      %dma_wait3A_1691 = arith.constant 0 : i32
      %dma_wait3A_1692 = arith.constant 0 : i32
      %dma_wait3A_1693 = tpu.memref_slice %arg6[%dma_wait3A_1680, %dma_wait3A_1691, %dma_wait3A_1692] : memref<6x48x128xf32, #tpu.memory_space<vmem>> -> memref<1x48x128xf32, #tpu.memory_space<vmem>>
      %dma_wait3A_1694 = tpu.memref_squeeze %dma_wait3A_1693 : memref<1x48x128xf32, #tpu.memory_space<vmem>> -> memref<48x128xf32, #tpu.memory_space<vmem>>
      tpu.wait_dma2 semaphore(%arg19 : memref<!tpu.dma_semaphore, #tpu.memory_space<semaphore_mem>>) src(%dma_wait3A_1694 : memref<48x128xf32, #tpu.memory_space<vmem>>) dst(%dma_wait3A_1690 : memref<48x128xf32, #tpu.memory_space<hbm>>)
      %add3A_1695 = arith.constant 6 : i32
      %add3A_1696 = arith.addi %mul3A_1361, %add3A_1695 : i32
      %add3A_1697 = arith.constant 5 : i32
      %add3A_1698 = arith.addi %add3A_1696, %add3A_1697 : i32
      %lt3A_1699 = arith.constant 208 : i32
      %lt3A_1700 = arith.cmpi slt, %add3A_1698, %lt3A_1699 : i32
      %convert_element_type3A_1701 = arith.extui %lt3A_1700 : i1 to i32
      %cond3A_1702 = arith.constant 0 : i32
      %cond3A_1703 = arith.cmpi ne, %convert_element_type3A_1701, %cond3A_1702 : i32
      scf.if %cond3A_1703 {
        %mul3A_1704 = arith.constant 48 : i32
        %mul3A_1705 = arith.muli %add3A_1698, %mul3A_1704 : i32
        %dma_start3A_1706 = arith.constant 5 : i32
        %dma_start3A_1707 = arith.constant 0 : i32
        %dma_start3A_1708 = arith.constant 0 : i32
        %dma_start3A_1709 = tpu.memref_slice %arg6[%dma_start3A_1706, %dma_start3A_1707, %dma_start3A_1708] : memref<6x48x128xf32, #tpu.memory_space<vmem>> -> memref<1x48x128xf32, #tpu.memory_space<vmem>>
        %dma_start3A_1710 = tpu.memref_squeeze %dma_start3A_1709 : memref<1x48x128xf32, #tpu.memory_space<vmem>> -> memref<48x128xf32, #tpu.memory_space<vmem>>
        %dma_start3A_1711 = tpu.memref_slice %arg5[%mul3A_1705] : memref<10000xi32, #tpu.memory_space<vmem>> -> memref<48xi32, #tpu.memory_space<vmem>>
        %dma_start3A_1712 = arith.constant 0 : i32
        %dma_start3A_1713 = arith.constant 0 : i32
        %dma_start3A_1714 = tpu.memref_slice %arg7[%dma_start3A_1712, %dma_start3A_1713] : memref<10001x128xf32, #tpu.memory_space<vmem_shared>> -> memref<10001x128xf32, #tpu.memory_space<vmem_shared>>
        tpu.enqueue_indirect_dma source(%dma_start3A_1714 : memref<10001x128xf32, #tpu.memory_space<vmem_shared>>) target(%dma_start3A_1710 : memref<48x128xf32, #tpu.memory_space<vmem>>) offsets(%dma_start3A_1711 : memref<48xi32, #tpu.memory_space<vmem>>) semaphore(%arg13 : memref<!tpu.dma_semaphore, #tpu.memory_space<semaphore_mem>>)
      } else {
      }
    }
    %scan3A_1146 = arith.constant 34 : i32
    %dma_wait3A_1147 = arith.constant 0 : i32
    %dma_wait3A_1148 = arith.constant 0 : i32
    %dma_wait3A_1149 = arith.constant 0 : i32
    %dma_wait3A_1150 = tpu.memref_slice %arg6[%dma_wait3A_1147, %dma_wait3A_1148, %dma_wait3A_1149] : memref<6x48x128xf32, #tpu.memory_space<vmem>> -> memref<1x48x128xf32, #tpu.memory_space<vmem>>
    %dma_wait3A_1151 = tpu.memref_squeeze %dma_wait3A_1150 : memref<1x48x128xf32, #tpu.memory_space<vmem>> -> memref<48x128xf32, #tpu.memory_space<vmem>>
    %dma_wait3A_1152 = arith.constant 0 : i32
    %dma_wait3A_1153 = arith.constant 0 : i32
    %dma_wait3A_1154 = tpu.memref_slice %arg2[%dma_wait3A_1152, %dma_wait3A_1153] : memref<10000x128xf32, #tpu.memory_space<hbm>> -> memref<48x128xf32, #tpu.memory_space<hbm>>
    %dma_wait3A_1155 = arith.constant 0 : i32
    %dma_wait3A_1156 = arith.constant 0 : i32
    %dma_wait3A_1157 = tpu.memref_slice %arg6[%dma_wait3A_1147, %dma_wait3A_1155, %dma_wait3A_1156] : memref<6x48x128xf32, #tpu.memory_space<vmem>> -> memref<1x48x128xf32, #tpu.memory_space<vmem>>
    %dma_wait3A_1158 = tpu.memref_squeeze %dma_wait3A_1157 : memref<1x48x128xf32, #tpu.memory_space<vmem>> -> memref<48x128xf32, #tpu.memory_space<vmem>>
    %dma_wait3A_1159 = arith.constant 0 : i32
    %dma_wait3A_1160 = arith.constant 0 : i32
    %dma_wait3A_1161 = tpu.memref_slice %arg2[%dma_wait3A_1159, %dma_wait3A_1160] : memref<10000x128xf32, #tpu.memory_space<hbm>> -> memref<48x128xf32, #tpu.memory_space<hbm>>
    tpu.wait_dma2 semaphore(%arg8 : memref<!tpu.dma_semaphore, #tpu.memory_space<semaphore_mem>>) src(%dma_wait3A_1161 : memref<48x128xf32, #tpu.memory_space<hbm>>) dst(%dma_wait3A_1158 : memref<48x128xf32, #tpu.memory_space<vmem>>)
    %add3A_1162 = arith.constant 9792 : i32
    %add3A_1163 = arith.addi %mul3A_1081, %add3A_1162 : i32
    %dma_start3A_1164 = arith.constant 0 : i32
    %dma_start3A_1165 = arith.constant 0 : i32
    %dma_start3A_1166 = arith.constant 0 : i32
    %dma_start3A_1167 = tpu.memref_slice %arg6[%dma_start3A_1164, %dma_start3A_1165, %dma_start3A_1166] : memref<6x48x128xf32, #tpu.memory_space<vmem>> -> memref<1x48x128xf32, #tpu.memory_space<vmem>>
    %dma_start3A_1168 = tpu.memref_squeeze %dma_start3A_1167 : memref<1x48x128xf32, #tpu.memory_space<vmem>> -> memref<48x128xf32, #tpu.memory_space<vmem>>
    %dma_start3A_1169 = arith.constant 0 : i32
    %dma_start3A_1170 = tpu.memref_slice %arg4[%add3A_1163, %dma_start3A_1169] : memref<320000x128xf32, #tpu.memory_space<hbm>> -> memref<48x128xf32, #tpu.memory_space<hbm>>
    %dma_start3A_1171 = arith.constant 0 : i32
    %dma_start3A_1172 = tpu.memref_slice %arg4[%add3A_1163, %dma_start3A_1171] : memref<320000x128xf32, #tpu.memory_space<hbm>> -> memref<48x128xf32, #tpu.memory_space<hbm>>
    %dma_start3A_1173 = arith.constant 0 : i32
    %dma_start3A_1174 = arith.constant 0 : i32
    %dma_start3A_1175 = tpu.memref_slice %arg6[%dma_start3A_1164, %dma_start3A_1173, %dma_start3A_1174] : memref<6x48x128xf32, #tpu.memory_space<vmem>> -> memref<1x48x128xf32, #tpu.memory_space<vmem>>
    %dma_start3A_1176 = tpu.memref_squeeze %dma_start3A_1175 : memref<1x48x128xf32, #tpu.memory_space<vmem>> -> memref<48x128xf32, #tpu.memory_space<vmem>>
    tpu.enqueue_dma source(%dma_start3A_1176 : memref<48x128xf32, #tpu.memory_space<vmem>>) target(%dma_start3A_1172 : memref<48x128xf32, #tpu.memory_space<hbm>>) target_semaphore(%arg14 : memref<!tpu.dma_semaphore, #tpu.memory_space<semaphore_mem>>)
    %dma_wait3A_1177 = arith.constant 1 : i32
    %dma_wait3A_1178 = arith.constant 0 : i32
    %dma_wait3A_1179 = arith.constant 0 : i32
    %dma_wait3A_1180 = tpu.memref_slice %arg6[%dma_wait3A_1177, %dma_wait3A_1178, %dma_wait3A_1179] : memref<6x48x128xf32, #tpu.memory_space<vmem>> -> memref<1x48x128xf32, #tpu.memory_space<vmem>>
    %dma_wait3A_1181 = tpu.memref_squeeze %dma_wait3A_1180 : memref<1x48x128xf32, #tpu.memory_space<vmem>> -> memref<48x128xf32, #tpu.memory_space<vmem>>
    %dma_wait3A_1182 = arith.constant 0 : i32
    %dma_wait3A_1183 = arith.constant 0 : i32
    %dma_wait3A_1184 = tpu.memref_slice %arg2[%dma_wait3A_1182, %dma_wait3A_1183] : memref<10000x128xf32, #tpu.memory_space<hbm>> -> memref<48x128xf32, #tpu.memory_space<hbm>>
    %dma_wait3A_1185 = arith.constant 0 : i32
    %dma_wait3A_1186 = arith.constant 0 : i32
    %dma_wait3A_1187 = tpu.memref_slice %arg6[%dma_wait3A_1177, %dma_wait3A_1185, %dma_wait3A_1186] : memref<6x48x128xf32, #tpu.memory_space<vmem>> -> memref<1x48x128xf32, #tpu.memory_space<vmem>>
    %dma_wait3A_1188 = tpu.memref_squeeze %dma_wait3A_1187 : memref<1x48x128xf32, #tpu.memory_space<vmem>> -> memref<48x128xf32, #tpu.memory_space<vmem>>
    %dma_wait3A_1189 = arith.constant 0 : i32
    %dma_wait3A_1190 = arith.constant 0 : i32
    %dma_wait3A_1191 = tpu.memref_slice %arg2[%dma_wait3A_1189, %dma_wait3A_1190] : memref<10000x128xf32, #tpu.memory_space<hbm>> -> memref<48x128xf32, #tpu.memory_space<hbm>>
    tpu.wait_dma2 semaphore(%arg9 : memref<!tpu.dma_semaphore, #tpu.memory_space<semaphore_mem>>) src(%dma_wait3A_1191 : memref<48x128xf32, #tpu.memory_space<hbm>>) dst(%dma_wait3A_1188 : memref<48x128xf32, #tpu.memory_space<vmem>>)
    %add3A_1192 = arith.constant 9840 : i32
    %add3A_1193 = arith.addi %mul3A_1081, %add3A_1192 : i32
    %dma_start3A_1194 = arith.constant 1 : i32
    %dma_start3A_1195 = arith.constant 0 : i32
    %dma_start3A_1196 = arith.constant 0 : i32
    %dma_start3A_1197 = tpu.memref_slice %arg6[%dma_start3A_1194, %dma_start3A_1195, %dma_start3A_1196] : memref<6x48x128xf32, #tpu.memory_space<vmem>> -> memref<1x48x128xf32, #tpu.memory_space<vmem>>
    %dma_start3A_1198 = tpu.memref_squeeze %dma_start3A_1197 : memref<1x48x128xf32, #tpu.memory_space<vmem>> -> memref<48x128xf32, #tpu.memory_space<vmem>>
    %dma_start3A_1199 = arith.constant 0 : i32
    %dma_start3A_1200 = tpu.memref_slice %arg4[%add3A_1193, %dma_start3A_1199] : memref<320000x128xf32, #tpu.memory_space<hbm>> -> memref<48x128xf32, #tpu.memory_space<hbm>>
    %dma_start3A_1201 = arith.constant 0 : i32
    %dma_start3A_1202 = tpu.memref_slice %arg4[%add3A_1193, %dma_start3A_1201] : memref<320000x128xf32, #tpu.memory_space<hbm>> -> memref<48x128xf32, #tpu.memory_space<hbm>>
    %dma_start3A_1203 = arith.constant 0 : i32
    %dma_start3A_1204 = arith.constant 0 : i32
    %dma_start3A_1205 = tpu.memref_slice %arg6[%dma_start3A_1194, %dma_start3A_1203, %dma_start3A_1204] : memref<6x48x128xf32, #tpu.memory_space<vmem>> -> memref<1x48x128xf32, #tpu.memory_space<vmem>>
    %dma_start3A_1206 = tpu.memref_squeeze %dma_start3A_1205 : memref<1x48x128xf32, #tpu.memory_space<vmem>> -> memref<48x128xf32, #tpu.memory_space<vmem>>
    tpu.enqueue_dma source(%dma_start3A_1206 : memref<48x128xf32, #tpu.memory_space<vmem>>) target(%dma_start3A_1202 : memref<48x128xf32, #tpu.memory_space<hbm>>) target_semaphore(%arg15 : memref<!tpu.dma_semaphore, #tpu.memory_space<semaphore_mem>>)
    %dma_wait3A_1207 = arith.constant 2 : i32
    %dma_wait3A_1208 = arith.constant 0 : i32
    %dma_wait3A_1209 = arith.constant 0 : i32
    %dma_wait3A_1210 = tpu.memref_slice %arg6[%dma_wait3A_1207, %dma_wait3A_1208, %dma_wait3A_1209] : memref<6x48x128xf32, #tpu.memory_space<vmem>> -> memref<1x48x128xf32, #tpu.memory_space<vmem>>
    %dma_wait3A_1211 = tpu.memref_squeeze %dma_wait3A_1210 : memref<1x48x128xf32, #tpu.memory_space<vmem>> -> memref<48x128xf32, #tpu.memory_space<vmem>>
    %dma_wait3A_1212 = arith.constant 0 : i32
    %dma_wait3A_1213 = arith.constant 0 : i32
    %dma_wait3A_1214 = tpu.memref_slice %arg2[%dma_wait3A_1212, %dma_wait3A_1213] : memref<10000x128xf32, #tpu.memory_space<hbm>> -> memref<48x128xf32, #tpu.memory_space<hbm>>
    %dma_wait3A_1215 = arith.constant 0 : i32
    %dma_wait3A_1216 = arith.constant 0 : i32
    %dma_wait3A_1217 = tpu.memref_slice %arg6[%dma_wait3A_1207, %dma_wait3A_1215, %dma_wait3A_1216] : memref<6x48x128xf32, #tpu.memory_space<vmem>> -> memref<1x48x128xf32, #tpu.memory_space<vmem>>
    %dma_wait3A_1218 = tpu.memref_squeeze %dma_wait3A_1217 : memref<1x48x128xf32, #tpu.memory_space<vmem>> -> memref<48x128xf32, #tpu.memory_space<vmem>>
    %dma_wait3A_1219 = arith.constant 0 : i32
    %dma_wait3A_1220 = arith.constant 0 : i32
    %dma_wait3A_1221 = tpu.memref_slice %arg2[%dma_wait3A_1219, %dma_wait3A_1220] : memref<10000x128xf32, #tpu.memory_space<hbm>> -> memref<48x128xf32, #tpu.memory_space<hbm>>
    tpu.wait_dma2 semaphore(%arg10 : memref<!tpu.dma_semaphore, #tpu.memory_space<semaphore_mem>>) src(%dma_wait3A_1221 : memref<48x128xf32, #tpu.memory_space<hbm>>) dst(%dma_wait3A_1218 : memref<48x128xf32, #tpu.memory_space<vmem>>)
    %add3A_1222 = arith.constant 9888 : i32
    %add3A_1223 = arith.addi %mul3A_1081, %add3A_1222 : i32
    %dma_start3A_1224 = arith.constant 2 : i32
    %dma_start3A_1225 = arith.constant 0 : i32
    %dma_start3A_1226 = arith.constant 0 : i32
    %dma_start3A_1227 = tpu.memref_slice %arg6[%dma_start3A_1224, %dma_start3A_1225, %dma_start3A_1226] : memref<6x48x128xf32, #tpu.memory_space<vmem>> -> memref<1x48x128xf32, #tpu.memory_space<vmem>>
    %dma_start3A_1228 = tpu.memref_squeeze %dma_start3A_1227 : memref<1x48x128xf32, #tpu.memory_space<vmem>> -> memref<48x128xf32, #tpu.memory_space<vmem>>
    %dma_start3A_1229 = arith.constant 0 : i32
    %dma_start3A_1230 = tpu.memref_slice %arg4[%add3A_1223, %dma_start3A_1229] : memref<320000x128xf32, #tpu.memory_space<hbm>> -> memref<48x128xf32, #tpu.memory_space<hbm>>
    %dma_start3A_1231 = arith.constant 0 : i32
    %dma_start3A_1232 = tpu.memref_slice %arg4[%add3A_1223, %dma_start3A_1231] : memref<320000x128xf32, #tpu.memory_space<hbm>> -> memref<48x128xf32, #tpu.memory_space<hbm>>
    %dma_start3A_1233 = arith.constant 0 : i32
    %dma_start3A_1234 = arith.constant 0 : i32
    %dma_start3A_1235 = tpu.memref_slice %arg6[%dma_start3A_1224, %dma_start3A_1233, %dma_start3A_1234] : memref<6x48x128xf32, #tpu.memory_space<vmem>> -> memref<1x48x128xf32, #tpu.memory_space<vmem>>
    %dma_start3A_1236 = tpu.memref_squeeze %dma_start3A_1235 : memref<1x48x128xf32, #tpu.memory_space<vmem>> -> memref<48x128xf32, #tpu.memory_space<vmem>>
    tpu.enqueue_dma source(%dma_start3A_1236 : memref<48x128xf32, #tpu.memory_space<vmem>>) target(%dma_start3A_1232 : memref<48x128xf32, #tpu.memory_space<hbm>>) target_semaphore(%arg16 : memref<!tpu.dma_semaphore, #tpu.memory_space<semaphore_mem>>)
    %dma_wait3A_1237 = arith.constant 3 : i32
    %dma_wait3A_1238 = arith.constant 0 : i32
    %dma_wait3A_1239 = arith.constant 0 : i32
    %dma_wait3A_1240 = tpu.memref_slice %arg6[%dma_wait3A_1237, %dma_wait3A_1238, %dma_wait3A_1239] : memref<6x48x128xf32, #tpu.memory_space<vmem>> -> memref<1x48x128xf32, #tpu.memory_space<vmem>>
    %dma_wait3A_1241 = tpu.memref_squeeze %dma_wait3A_1240 : memref<1x48x128xf32, #tpu.memory_space<vmem>> -> memref<48x128xf32, #tpu.memory_space<vmem>>
    %dma_wait3A_1242 = arith.constant 0 : i32
    %dma_wait3A_1243 = arith.constant 0 : i32
    %dma_wait3A_1244 = tpu.memref_slice %arg2[%dma_wait3A_1242, %dma_wait3A_1243] : memref<10000x128xf32, #tpu.memory_space<hbm>> -> memref<48x128xf32, #tpu.memory_space<hbm>>
    %dma_wait3A_1245 = arith.constant 0 : i32
    %dma_wait3A_1246 = arith.constant 0 : i32
    %dma_wait3A_1247 = tpu.memref_slice %arg6[%dma_wait3A_1237, %dma_wait3A_1245, %dma_wait3A_1246] : memref<6x48x128xf32, #tpu.memory_space<vmem>> -> memref<1x48x128xf32, #tpu.memory_space<vmem>>
    %dma_wait3A_1248 = tpu.memref_squeeze %dma_wait3A_1247 : memref<1x48x128xf32, #tpu.memory_space<vmem>> -> memref<48x128xf32, #tpu.memory_space<vmem>>
    %dma_wait3A_1249 = arith.constant 0 : i32
    %dma_wait3A_1250 = arith.constant 0 : i32
    %dma_wait3A_1251 = tpu.memref_slice %arg2[%dma_wait3A_1249, %dma_wait3A_1250] : memref<10000x128xf32, #tpu.memory_space<hbm>> -> memref<48x128xf32, #tpu.memory_space<hbm>>
    tpu.wait_dma2 semaphore(%arg11 : memref<!tpu.dma_semaphore, #tpu.memory_space<semaphore_mem>>) src(%dma_wait3A_1251 : memref<48x128xf32, #tpu.memory_space<hbm>>) dst(%dma_wait3A_1248 : memref<48x128xf32, #tpu.memory_space<vmem>>)
    %add3A_1252 = arith.constant 9936 : i32
    %add3A_1253 = arith.addi %mul3A_1081, %add3A_1252 : i32
    %dma_start3A_1254 = arith.constant 3 : i32
    %dma_start3A_1255 = arith.constant 0 : i32
    %dma_start3A_1256 = arith.constant 0 : i32
    %dma_start3A_1257 = tpu.memref_slice %arg6[%dma_start3A_1254, %dma_start3A_1255, %dma_start3A_1256] : memref<6x48x128xf32, #tpu.memory_space<vmem>> -> memref<1x48x128xf32, #tpu.memory_space<vmem>>
    %dma_start3A_1258 = tpu.memref_squeeze %dma_start3A_1257 : memref<1x48x128xf32, #tpu.memory_space<vmem>> -> memref<48x128xf32, #tpu.memory_space<vmem>>
    %dma_start3A_1259 = arith.constant 0 : i32
    %dma_start3A_1260 = tpu.memref_slice %arg4[%add3A_1253, %dma_start3A_1259] : memref<320000x128xf32, #tpu.memory_space<hbm>> -> memref<48x128xf32, #tpu.memory_space<hbm>>
    %dma_start3A_1261 = arith.constant 0 : i32
    %dma_start3A_1262 = tpu.memref_slice %arg4[%add3A_1253, %dma_start3A_1261] : memref<320000x128xf32, #tpu.memory_space<hbm>> -> memref<48x128xf32, #tpu.memory_space<hbm>>
    %dma_start3A_1263 = arith.constant 0 : i32
    %dma_start3A_1264 = arith.constant 0 : i32
    %dma_start3A_1265 = tpu.memref_slice %arg6[%dma_start3A_1254, %dma_start3A_1263, %dma_start3A_1264] : memref<6x48x128xf32, #tpu.memory_space<vmem>> -> memref<1x48x128xf32, #tpu.memory_space<vmem>>
    %dma_start3A_1266 = tpu.memref_squeeze %dma_start3A_1265 : memref<1x48x128xf32, #tpu.memory_space<vmem>> -> memref<48x128xf32, #tpu.memory_space<vmem>>
    tpu.enqueue_dma source(%dma_start3A_1266 : memref<48x128xf32, #tpu.memory_space<vmem>>) target(%dma_start3A_1262 : memref<48x128xf32, #tpu.memory_space<hbm>>) target_semaphore(%arg17 : memref<!tpu.dma_semaphore, #tpu.memory_space<semaphore_mem>>)
    %dma_start3A_1267 = arith.constant 4 : i32
    %dma_start3A_1268 = arith.constant 0 : i32
    %dma_start3A_1269 = arith.constant 0 : i32
    %dma_start3A_1270 = tpu.memref_slice %arg6[%dma_start3A_1267, %dma_start3A_1268, %dma_start3A_1269] : memref<6x48x128xf32, #tpu.memory_space<vmem>> -> memref<1x48x128xf32, #tpu.memory_space<vmem>>
    %dma_start3A_1271 = tpu.memref_squeeze %dma_start3A_1270 : memref<1x48x128xf32, #tpu.memory_space<vmem>> -> memref<48x128xf32, #tpu.memory_space<vmem>>
    %dma_start3A_1272 = arith.constant 0 : i32
    %dma_start3A_1273 = arith.constant 0 : i32
    %dma_start3A_1274 = tpu.memref_slice %dma_start3A_1271[%dma_start3A_1272, %dma_start3A_1273] : memref<48x128xf32, #tpu.memory_space<vmem>> -> memref<16x128xf32, #tpu.memory_space<vmem>>
    %dma_start3A_1275 = arith.constant 9984 : i32
    %dma_start3A_1276 = tpu.memref_slice %arg5[%dma_start3A_1275] : memref<10000xi32, #tpu.memory_space<vmem>> -> memref<16xi32, #tpu.memory_space<vmem>>
    %dma_start3A_1277 = arith.constant 0 : i32
    %dma_start3A_1278 = arith.constant 0 : i32
    %dma_start3A_1279 = tpu.memref_slice %arg7[%dma_start3A_1277, %dma_start3A_1278] : memref<10001x128xf32, #tpu.memory_space<vmem_shared>> -> memref<10001x128xf32, #tpu.memory_space<vmem_shared>>
    tpu.enqueue_indirect_dma source(%dma_start3A_1279 : memref<10001x128xf32, #tpu.memory_space<vmem_shared>>) target(%dma_start3A_1274 : memref<16x128xf32, #tpu.memory_space<vmem>>) offsets(%dma_start3A_1276 : memref<16xi32, #tpu.memory_space<vmem>>) semaphore(%arg12 : memref<!tpu.dma_semaphore, #tpu.memory_space<semaphore_mem>>)
    %dma_wait3A_1280 = arith.constant 4 : i32
    %dma_wait3A_1281 = arith.constant 0 : i32
    %dma_wait3A_1282 = arith.constant 0 : i32
    %dma_wait3A_1283 = tpu.memref_slice %arg6[%dma_wait3A_1280, %dma_wait3A_1281, %dma_wait3A_1282] : memref<6x48x128xf32, #tpu.memory_space<vmem>> -> memref<1x48x128xf32, #tpu.memory_space<vmem>>
    %dma_wait3A_1284 = tpu.memref_squeeze %dma_wait3A_1283 : memref<1x48x128xf32, #tpu.memory_space<vmem>> -> memref<48x128xf32, #tpu.memory_space<vmem>>
    %dma_wait3A_1285 = arith.constant 0 : i32
    %dma_wait3A_1286 = arith.constant 0 : i32
    %dma_wait3A_1287 = tpu.memref_slice %dma_wait3A_1284[%dma_wait3A_1285, %dma_wait3A_1286] : memref<48x128xf32, #tpu.memory_space<vmem>> -> memref<16x128xf32, #tpu.memory_space<vmem>>
    %dma_wait3A_1288 = arith.constant 9984 : i32
    %dma_wait3A_1289 = tpu.memref_slice %arg5[%dma_wait3A_1288] : memref<10000xi32, #tpu.memory_space<vmem>> -> memref<16xi32, #tpu.memory_space<vmem>>
    %dma_wait3A_1290 = arith.constant 0 : i32
    %dma_wait3A_1291 = arith.constant 0 : i32
    %dma_wait3A_1292 = tpu.memref_slice %arg7[%dma_wait3A_1290, %dma_wait3A_1291] : memref<10001x128xf32, #tpu.memory_space<vmem_shared>> -> memref<10001x128xf32, #tpu.memory_space<vmem_shared>>
    tpu.wait_indirect_dma semaphore(%arg12 : memref<!tpu.dma_semaphore, #tpu.memory_space<semaphore_mem>>) src(%dma_wait3A_1292 : memref<10001x128xf32, #tpu.memory_space<vmem_shared>>) dst(%dma_wait3A_1287 : memref<16x128xf32, #tpu.memory_space<vmem>>)
    %add3A_1293 = arith.constant 9984 : i32
    %add3A_1294 = arith.addi %mul3A_1081, %add3A_1293 : i32
    %run_scoped3A = arith.constant 4 : i32
    "tpu.region"() ({
      %run_scoped3A_1355 = tpu.sem_alloc : memref<!tpu.dma_semaphore, #tpu.memory_space<semaphore_mem>>
      %dma_start3A_1356 = arith.constant 0 : i32
      %dma_start3A_1357 = arith.constant 0 : i32
      %dma_start3A_1358 = tpu.memref_slice %arg6[%run_scoped3A, %dma_start3A_1356, %dma_start3A_1357] : memref<6x48x128xf32, #tpu.memory_space<vmem>> -> memref<1x48x128xf32, #tpu.memory_space<vmem>>
      %dma_start3A_1359 = tpu.memref_squeeze %dma_start3A_1358 : memref<1x48x128xf32, #tpu.memory_space<vmem>> -> memref<48x128xf32, #tpu.memory_space<vmem>>
      %dma_start3A_1360 = arith.constant 0 : i32
      %dma_start3A_1361 = arith.constant 0 : i32
      %dma_start3A_1362 = tpu.memref_slice %dma_start3A_1359[%dma_start3A_1360, %dma_start3A_1361] : memref<48x128xf32, #tpu.memory_space<vmem>> -> memref<16x128xf32, #tpu.memory_space<vmem>>
      %dma_start3A_1363 = arith.constant 0 : i32
      %dma_start3A_1364 = tpu.memref_slice %arg4[%add3A_1294, %dma_start3A_1363] : memref<320000x128xf32, #tpu.memory_space<hbm>> -> memref<16x128xf32, #tpu.memory_space<hbm>>
      %dma_start3A_1365 = arith.constant 0 : i32
      %dma_start3A_1366 = tpu.memref_slice %arg4[%add3A_1294, %dma_start3A_1365] : memref<320000x128xf32, #tpu.memory_space<hbm>> -> memref<16x128xf32, #tpu.memory_space<hbm>>
      %dma_start3A_1367 = arith.constant 0 : i32
      %dma_start3A_1368 = arith.constant 0 : i32
      %dma_start3A_1369 = tpu.memref_slice %arg6[%run_scoped3A, %dma_start3A_1367, %dma_start3A_1368] : memref<6x48x128xf32, #tpu.memory_space<vmem>> -> memref<1x48x128xf32, #tpu.memory_space<vmem>>
      %dma_start3A_1370 = tpu.memref_squeeze %dma_start3A_1369 : memref<1x48x128xf32, #tpu.memory_space<vmem>> -> memref<48x128xf32, #tpu.memory_space<vmem>>
      %dma_start3A_1371 = arith.constant 0 : i32
      %dma_start3A_1372 = arith.constant 0 : i32
      %dma_start3A_1373 = tpu.memref_slice %dma_start3A_1370[%dma_start3A_1371, %dma_start3A_1372] : memref<48x128xf32, #tpu.memory_space<vmem>> -> memref<16x128xf32, #tpu.memory_space<vmem>>
      tpu.enqueue_dma source(%dma_start3A_1373 : memref<16x128xf32, #tpu.memory_space<vmem>>) target(%dma_start3A_1366 : memref<16x128xf32, #tpu.memory_space<hbm>>) target_semaphore(%run_scoped3A_1355 : memref<!tpu.dma_semaphore, #tpu.memory_space<semaphore_mem>>)
      %dma_wait3A_1374 = arith.constant 0 : i32
      %dma_wait3A_1375 = arith.constant 0 : i32
      %dma_wait3A_1376 = tpu.memref_slice %arg6[%run_scoped3A, %dma_wait3A_1374, %dma_wait3A_1375] : memref<6x48x128xf32, #tpu.memory_space<vmem>> -> memref<1x48x128xf32, #tpu.memory_space<vmem>>
      %dma_wait3A_1377 = tpu.memref_squeeze %dma_wait3A_1376 : memref<1x48x128xf32, #tpu.memory_space<vmem>> -> memref<48x128xf32, #tpu.memory_space<vmem>>
      %dma_wait3A_1378 = arith.constant 0 : i32
      %dma_wait3A_1379 = arith.constant 0 : i32
      %dma_wait3A_1380 = tpu.memref_slice %dma_wait3A_1377[%dma_wait3A_1378, %dma_wait3A_1379] : memref<48x128xf32, #tpu.memory_space<vmem>> -> memref<16x128xf32, #tpu.memory_space<vmem>>
      %dma_wait3A_1381 = arith.constant 0 : i32
      %dma_wait3A_1382 = tpu.memref_slice %arg4[%add3A_1294, %dma_wait3A_1381] : memref<320000x128xf32, #tpu.memory_space<hbm>> -> memref<16x128xf32, #tpu.memory_space<hbm>>
      %dma_wait3A_1383 = arith.constant 0 : i32
      %dma_wait3A_1384 = tpu.memref_slice %arg4[%add3A_1294, %dma_wait3A_1383] : memref<320000x128xf32, #tpu.memory_space<hbm>> -> memref<16x128xf32, #tpu.memory_space<hbm>>
      %dma_wait3A_1385 = arith.constant 0 : i32
      %dma_wait3A_1386 = arith.constant 0 : i32
      %dma_wait3A_1387 = tpu.memref_slice %arg6[%run_scoped3A, %dma_wait3A_1385, %dma_wait3A_1386] : memref<6x48x128xf32, #tpu.memory_space<vmem>> -> memref<1x48x128xf32, #tpu.memory_space<vmem>>
      %dma_wait3A_1388 = tpu.memref_squeeze %dma_wait3A_1387 : memref<1x48x128xf32, #tpu.memory_space<vmem>> -> memref<48x128xf32, #tpu.memory_space<vmem>>
      %dma_wait3A_1389 = arith.constant 0 : i32
      %dma_wait3A_1390 = arith.constant 0 : i32
      %dma_wait3A_1391 = tpu.memref_slice %dma_wait3A_1388[%dma_wait3A_1389, %dma_wait3A_1390] : memref<48x128xf32, #tpu.memory_space<vmem>> -> memref<16x128xf32, #tpu.memory_space<vmem>>
      tpu.wait_dma2 semaphore(%run_scoped3A_1355 : memref<!tpu.dma_semaphore, #tpu.memory_space<semaphore_mem>>) src(%dma_wait3A_1391 : memref<16x128xf32, #tpu.memory_space<vmem>>) dst(%dma_wait3A_1384 : memref<16x128xf32, #tpu.memory_space<hbm>>)
      tpu.yield
    }) : () -> ()
    %dma_wait3A_1295 = arith.constant 0 : i32
    %dma_wait3A_1296 = arith.constant 0 : i32
    %dma_wait3A_1297 = arith.constant 0 : i32
    %dma_wait3A_1298 = tpu.memref_slice %arg6[%dma_wait3A_1295, %dma_wait3A_1296, %dma_wait3A_1297] : memref<6x48x128xf32, #tpu.memory_space<vmem>> -> memref<1x48x128xf32, #tpu.memory_space<vmem>>
    %dma_wait3A_1299 = tpu.memref_squeeze %dma_wait3A_1298 : memref<1x48x128xf32, #tpu.memory_space<vmem>> -> memref<48x128xf32, #tpu.memory_space<vmem>>
    %dma_wait3A_1300 = arith.constant 0 : i32
    %dma_wait3A_1301 = arith.constant 0 : i32
    %dma_wait3A_1302 = tpu.memref_slice %arg4[%dma_wait3A_1300, %dma_wait3A_1301] : memref<320000x128xf32, #tpu.memory_space<hbm>> -> memref<48x128xf32, #tpu.memory_space<hbm>>
    %dma_wait3A_1303 = arith.constant 0 : i32
    %dma_wait3A_1304 = arith.constant 0 : i32
    %dma_wait3A_1305 = tpu.memref_slice %arg4[%dma_wait3A_1303, %dma_wait3A_1304] : memref<320000x128xf32, #tpu.memory_space<hbm>> -> memref<48x128xf32, #tpu.memory_space<hbm>>
    %dma_wait3A_1306 = arith.constant 0 : i32
    %dma_wait3A_1307 = arith.constant 0 : i32
    %dma_wait3A_1308 = tpu.memref_slice %arg6[%dma_wait3A_1295, %dma_wait3A_1306, %dma_wait3A_1307] : memref<6x48x128xf32, #tpu.memory_space<vmem>> -> memref<1x48x128xf32, #tpu.memory_space<vmem>>
    %dma_wait3A_1309 = tpu.memref_squeeze %dma_wait3A_1308 : memref<1x48x128xf32, #tpu.memory_space<vmem>> -> memref<48x128xf32, #tpu.memory_space<vmem>>
    tpu.wait_dma2 semaphore(%arg14 : memref<!tpu.dma_semaphore, #tpu.memory_space<semaphore_mem>>) src(%dma_wait3A_1309 : memref<48x128xf32, #tpu.memory_space<vmem>>) dst(%dma_wait3A_1305 : memref<48x128xf32, #tpu.memory_space<hbm>>)
    %dma_wait3A_1310 = arith.constant 1 : i32
    %dma_wait3A_1311 = arith.constant 0 : i32
    %dma_wait3A_1312 = arith.constant 0 : i32
    %dma_wait3A_1313 = tpu.memref_slice %arg6[%dma_wait3A_1310, %dma_wait3A_1311, %dma_wait3A_1312] : memref<6x48x128xf32, #tpu.memory_space<vmem>> -> memref<1x48x128xf32, #tpu.memory_space<vmem>>
    %dma_wait3A_1314 = tpu.memref_squeeze %dma_wait3A_1313 : memref<1x48x128xf32, #tpu.memory_space<vmem>> -> memref<48x128xf32, #tpu.memory_space<vmem>>
    %dma_wait3A_1315 = arith.constant 0 : i32
    %dma_wait3A_1316 = arith.constant 0 : i32
    %dma_wait3A_1317 = tpu.memref_slice %arg4[%dma_wait3A_1315, %dma_wait3A_1316] : memref<320000x128xf32, #tpu.memory_space<hbm>> -> memref<48x128xf32, #tpu.memory_space<hbm>>
    %dma_wait3A_1318 = arith.constant 0 : i32
    %dma_wait3A_1319 = arith.constant 0 : i32
    %dma_wait3A_1320 = tpu.memref_slice %arg4[%dma_wait3A_1318, %dma_wait3A_1319] : memref<320000x128xf32, #tpu.memory_space<hbm>> -> memref<48x128xf32, #tpu.memory_space<hbm>>
    %dma_wait3A_1321 = arith.constant 0 : i32
    %dma_wait3A_1322 = arith.constant 0 : i32
    %dma_wait3A_1323 = tpu.memref_slice %arg6[%dma_wait3A_1310, %dma_wait3A_1321, %dma_wait3A_1322] : memref<6x48x128xf32, #tpu.memory_space<vmem>> -> memref<1x48x128xf32, #tpu.memory_space<vmem>>
    %dma_wait3A_1324 = tpu.memref_squeeze %dma_wait3A_1323 : memref<1x48x128xf32, #tpu.memory_space<vmem>> -> memref<48x128xf32, #tpu.memory_space<vmem>>
    tpu.wait_dma2 semaphore(%arg15 : memref<!tpu.dma_semaphore, #tpu.memory_space<semaphore_mem>>) src(%dma_wait3A_1324 : memref<48x128xf32, #tpu.memory_space<vmem>>) dst(%dma_wait3A_1320 : memref<48x128xf32, #tpu.memory_space<hbm>>)
    %dma_wait3A_1325 = arith.constant 2 : i32
    %dma_wait3A_1326 = arith.constant 0 : i32
    %dma_wait3A_1327 = arith.constant 0 : i32
    %dma_wait3A_1328 = tpu.memref_slice %arg6[%dma_wait3A_1325, %dma_wait3A_1326, %dma_wait3A_1327] : memref<6x48x128xf32, #tpu.memory_space<vmem>> -> memref<1x48x128xf32, #tpu.memory_space<vmem>>
    %dma_wait3A_1329 = tpu.memref_squeeze %dma_wait3A_1328 : memref<1x48x128xf32, #tpu.memory_space<vmem>> -> memref<48x128xf32, #tpu.memory_space<vmem>>
    %dma_wait3A_1330 = arith.constant 0 : i32
    %dma_wait3A_1331 = arith.constant 0 : i32
    %dma_wait3A_1332 = tpu.memref_slice %arg4[%dma_wait3A_1330, %dma_wait3A_1331] : memref<320000x128xf32, #tpu.memory_space<hbm>> -> memref<48x128xf32, #tpu.memory_space<hbm>>
    %dma_wait3A_1333 = arith.constant 0 : i32
    %dma_wait3A_1334 = arith.constant 0 : i32
    %dma_wait3A_1335 = tpu.memref_slice %arg4[%dma_wait3A_1333, %dma_wait3A_1334] : memref<320000x128xf32, #tpu.memory_space<hbm>> -> memref<48x128xf32, #tpu.memory_space<hbm>>
    %dma_wait3A_1336 = arith.constant 0 : i32
    %dma_wait3A_1337 = arith.constant 0 : i32
    %dma_wait3A_1338 = tpu.memref_slice %arg6[%dma_wait3A_1325, %dma_wait3A_1336, %dma_wait3A_1337] : memref<6x48x128xf32, #tpu.memory_space<vmem>> -> memref<1x48x128xf32, #tpu.memory_space<vmem>>
    %dma_wait3A_1339 = tpu.memref_squeeze %dma_wait3A_1338 : memref<1x48x128xf32, #tpu.memory_space<vmem>> -> memref<48x128xf32, #tpu.memory_space<vmem>>
    tpu.wait_dma2 semaphore(%arg16 : memref<!tpu.dma_semaphore, #tpu.memory_space<semaphore_mem>>) src(%dma_wait3A_1339 : memref<48x128xf32, #tpu.memory_space<vmem>>) dst(%dma_wait3A_1335 : memref<48x128xf32, #tpu.memory_space<hbm>>)
    %dma_wait3A_1340 = arith.constant 3 : i32
    %dma_wait3A_1341 = arith.constant 0 : i32
    %dma_wait3A_1342 = arith.constant 0 : i32
    %dma_wait3A_1343 = tpu.memref_slice %arg6[%dma_wait3A_1340, %dma_wait3A_1341, %dma_wait3A_1342] : memref<6x48x128xf32, #tpu.memory_space<vmem>> -> memref<1x48x128xf32, #tpu.memory_space<vmem>>
    %dma_wait3A_1344 = tpu.memref_squeeze %dma_wait3A_1343 : memref<1x48x128xf32, #tpu.memory_space<vmem>> -> memref<48x128xf32, #tpu.memory_space<vmem>>
    %dma_wait3A_1345 = arith.constant 0 : i32
    %dma_wait3A_1346 = arith.constant 0 : i32
    %dma_wait3A_1347 = tpu.memref_slice %arg4[%dma_wait3A_1345, %dma_wait3A_1346] : memref<320000x128xf32, #tpu.memory_space<hbm>> -> memref<48x128xf32, #tpu.memory_space<hbm>>
    %dma_wait3A_1348 = arith.constant 0 : i32
    %dma_wait3A_1349 = arith.constant 0 : i32
    %dma_wait3A_1350 = tpu.memref_slice %arg4[%dma_wait3A_1348, %dma_wait3A_1349] : memref<320000x128xf32, #tpu.memory_space<hbm>> -> memref<48x128xf32, #tpu.memory_space<hbm>>
    %dma_wait3A_1351 = arith.constant 0 : i32
    %dma_wait3A_1352 = arith.constant 0 : i32
    %dma_wait3A_1353 = tpu.memref_slice %arg6[%dma_wait3A_1340, %dma_wait3A_1351, %dma_wait3A_1352] : memref<6x48x128xf32, #tpu.memory_space<vmem>> -> memref<1x48x128xf32, #tpu.memory_space<vmem>>
    %dma_wait3A_1354 = tpu.memref_squeeze %dma_wait3A_1353 : memref<1x48x128xf32, #tpu.memory_space<vmem>> -> memref<48x128xf32, #tpu.memory_space<vmem>>
    tpu.wait_dma2 semaphore(%arg17 : memref<!tpu.dma_semaphore, #tpu.memory_space<semaphore_mem>>) src(%dma_wait3A_1354 : memref<48x128xf32, #tpu.memory_space<vmem>>) dst(%dma_wait3A_1350 : memref<48x128xf32, #tpu.memory_space<hbm>>)
    return
  }
}

</mosaic_0001>

<sc_bundles>
// kernel: _sc_gather.3.cloned.1.call-start
scs
__scs_entry_jumppad:
0x0: {  	(pc) =	sbr.rel $0x88, $3  }
0x1: {  	(tag) =	ssettag $0x0;
	lr =	simm.s32 $0x1  }
0x2: {  	[smem:$0x3F9F] =	sst lr;
	_ =	strace $0xD0000000  }
0x3: {  	_ = 	snop  }
0x4: {  	_ = 	snop  }
0x5: {  	_ = 	snop  }
0x6: {  	_ = 	snop  }
0x7: {  	_ = 	snop  }
__scs_overlays_trampoline_lowered:
0x8: {  	[smem:$0x3FAE] =	sst s0  }
0x9: {  	[smem:$0x3FAF] =	sst s1  }
0xa: {  	[smem:$0x3FB0] =	sst s2  }
0xb: {  	[smem:$0x3FB1] =	sst s3  }
0xc: {  	[smem:$0x3FB2] =	sst s4  }
0xd: {  	[smem:$0x3FB3] =	sst s5  }
0xe: {  	[smem:$0x3FB4] =	sst s6  }
0xf: {  	[smem:$0x3FB5] =	sst s7  }
0x10: {  	[smem:$0x3FB6] =	sst s8  }
0x11: {  	[smem:$0x3FB7] =	sst s9;
	s0 =	simm.s32 @!p0 $0x0  }
0x12: {  	s1 =	sld [smem:$0x3F9D];
	s0 =	simm.s32 @p0 $0x1  }
0x13: {  	[smem:$0x3FB8] =	sst s0;
	s0 =	simm.s32 @!p1 $0x0  }
0x14: {  	s2 =	sld [smem:$0x3F9C];
	s0 =	simm.s32 @p1 $0x1  }
0x15: {  	[smem:$0x3FB9] =	sst s0;
	s0 =	simm.s32 @!p2 $0x0  }
0x16: {  	s3 =	sld [smem:$0x3FDB];
	s0 =	simm.s32 @p2 $0x1  }
0x17: {  	s4 =	simm.s32 $0x1BF5;
	[smem:$0x3FBB] =	sst s0  }
0x18: {  	s0 =	sld [smem:$0x3F9E];
	_ =	swait.ge [sflag:s4], $0x0  }
0x19: {  	s7 =	sld [smem:$0x3F9F]  }
0x1a: {  	s8 =	sadd.s32 $0xFFFFE003, lr  }
0x1b: {  	s9 =	sadd.s32 $0xFFFFFEF7, lr;
	s5 =	simm.s32 $0xFFFFFFFF;
	p2 =	slt.u32 s8, $0xFFFFF086  }
0x1c: {  	p1 =	slt.u32 s9, $0xF7A;
	s5 =	simm.s32 @!p2 $0x0  }
0x1d: {  	s5 =	simm.s32 @p1 $0x1;
	p0 =	seq.s32 s7, s2  }
0x1e: {  	s7 =	smul.u32 @!p0 $0xF7A, s2;
	p2 =	seq.s32 @!p0 s5, $0x0  }
0x1f: {  	s9 =	smul.u32 $0xF7A, s1;
	s8 =	simm.s32 @!p0 $0x1BF5;
	p2 =	por !p2, p0  }
0x20: {  	[sflag:s8] =	ssyncset.s32 @!p0 $0xFFFFF086;
	s6 =	sadd.s32 @!p0 s3, s7;
	s7 =	simm.s32 @!p0 $0x108  }
0x21: {  	s3 =	sadd.s32 s3, s9;
	s6 =	sadd.s32 @!p0 $0x88, s6;
	s7 =	simm.s32 @p2 $0x1082  }
0x22: {  	[simem:s7], [sflag:s8] =	dma.local @!p0 [hbm:s6], $0xF7A  }
0x23: {  	s9 =	sor.u32 $0xD0000000, s2;
	s6 =	simm.s32 $0x108;
	_ =	swait.ge @!p0 [sflag:s8], $0x0  }
0x24: {  	s3 =	sadd.s32 $0x88, s3;
	s6 =	simm.s32 @!p1 $0x1082;
	[sflag:s4] =	ssyncset.s32 $0xFFFFF086  }
0x25: {  	[simem:s6], [sflag:s4] =	dma.local [hbm:s3], $0xF7A  }
0x26: {  	[smem:$0x3F9F] =	sst s1;
	(tag) =	ssettag s2;
	_ =	strace s9  }
0x27: {  	s1 =	sld [smem:$0x3FAF]  }
0x28: {  	s2 =	sld [smem:$0x3FB0]  }
0x29: {  	s4 =	sld [smem:$0x3FB2]  }
0x2a: {  	p0 =	seq.s32 s5, $0x0;
	s5 =	sld [smem:$0x3FB3]  }
0x2b: {  	s6 =	sld [smem:$0x3FB4]  }
0x2c: {  	s7 =	sld [smem:$0x3FB5]  }
0x2d: {  	s3 =	simm.s32 $0x108;
	s8 =	sld [smem:$0x3FB6]  }
0x2e: {  	s3 =	simm.s32 @!p0 $0x1082;
	s9 =	sld [smem:$0x3FB7]  }
0x2f: {  	lr =	sadd.s32 s0, s3;
	s0 =	sld [smem:$0x3FAE]  }
0x30: {  	s3 =	sld [smem:$0x3FB1]  }
0x31: {  	[smem:$0x3FBA] =	sst s10  }
0x32: {  	s10 =	sld [smem:$0x3FB8];
	_ =	sdelay $0x3  }
0x33: {  	p0 =	seq.s32 s10, $0x1;
	s10 =	sld [smem:$0x3FBA];
	_ =	sdelay $0x3  }
0x34: {  	[smem:$0x3FBA] =	sst s10  }
0x35: {  	s10 =	sld [smem:$0x3FB9];
	_ =	sdelay $0x3  }
0x36: {  	p1 =	seq.s32 s10, $0x1;
	s10 =	sld [smem:$0x3FBA];
	_ =	sdelay $0x3  }
0x37: {  	[smem:$0x3FBA] =	sst s10  }
0x38: {  	s10 =	sld [smem:$0x3FBB]  }
0x39: {  	_ = 	snop;
	(pc) =	sbr.ind lr, $3  }
0x3a: {  	_ = 	snop  }
0x3b: {  	_ = 	snop  }
0x3c: {  	p2 =	seq.s32 s10, $0x1;
	s10 =	sld [smem:$0x3FBA]  }
0x3d: {  	_ =	shalt  }
0x3e: {  	_ =	shalt  }
0x3f: {  	_ =	shalt  }
0x40: {  	_ =	shalt  }
0x41: {  	_ =	shalt  }
0x42: {  	_ =	shalt  }
0x43: {  	_ =	shalt  }
0x44: {  	_ =	shalt  }
0x45: {  	_ =	shalt  }
0x46: {  	_ =	shalt  }
0x47: {  	_ =	shalt  }
0x48: {  	_ =	shalt  }
0x49: {  	_ =	shalt  }
0x4a: {  	_ =	shalt  }
0x4b: {  	_ =	shalt  }
0x4c: {  	_ =	shalt  }
0x4d: {  	_ =	shalt  }
0x4e: {  	_ =	shalt  }
0x4f: {  	_ =	shalt  }
0x50: {  	_ =	shalt  }
0x51: {  	_ =	shalt  }
0x52: {  	_ =	shalt  }
0x53: {  	_ =	shalt  }
0x54: {  	_ =	shalt  }
0x55: {  	_ =	shalt  }
0x56: {  	_ =	shalt  }
0x57: {  	_ =	shalt  }
0x58: {  	_ =	shalt  }
0x59: {  	_ =	shalt  }
0x5a: {  	_ =	shalt  }
0x5b: {  	_ =	shalt  }
0x5c: {  	_ =	shalt  }
0x5d: {  	_ =	shalt  }
0x5e: {  	_ =	shalt  }
0x5f: {  	_ =	shalt  }
0x60: {  	_ =	shalt  }
0x61: {  	_ =	shalt  }
0x62: {  	_ =	shalt  }
0x63: {  	_ =	shalt  }
0x64: {  	_ =	shalt  }
0x65: {  	_ =	shalt  }
0x66: {  	_ =	shalt  }
0x67: {  	_ =	shalt  }
0x68: {  	_ =	shalt  }
0x69: {  	_ =	shalt  }
0x6a: {  	_ =	shalt  }
0x6b: {  	_ =	shalt  }
0x6c: {  	_ =	shalt  }
0x6d: {  	_ =	shalt  }
0x6e: {  	_ =	shalt  }
0x6f: {  	_ =	shalt  }
0x70: {  	_ =	shalt  }
0x71: {  	_ =	shalt  }
0x72: {  	_ =	shalt  }
0x73: {  	_ =	shalt  }
0x74: {  	_ =	shalt  }
0x75: {  	_ =	shalt  }
0x76: {  	_ =	shalt  }
0x77: {  	_ =	shalt  }
0x78: {  	_ =	shalt  }
0x79: {  	_ =	shalt  }
0x7a: {  	_ =	shalt  }
0x7b: {  	_ =	shalt  }
0x7c: {  	_ =	shalt  }
0x7d: {  	_ =	shalt  }
0x7e: {  	_ =	shalt  }
0x7f: {  	_ =	shalt  }
0x80: {  	_ =	shalt  }
0x81: {  	_ =	shalt  }
0x82: {  	_ =	shalt  }
0x83: {  	_ =	shalt  }
0x84: {  	_ =	shalt  }
0x85: {  	_ =	shalt  }
0x86: {  	_ =	shalt  }
0x87: {  	_ =	shalt  }
.Lfunc_end0:
.L_simem_size_0:
called_computation_lowered:
.L_overlay_start_0:
0x88: {  	s2 =	sld [smem:$0x3FD9]  }
0x89: {  	s3 =	sld [smem:$0x3FFE];
	_ =	sdelay $0x1  }
0x8a: {  	s1 =	srdreg.scid  }
0x8b: {  	s0 =	sand.u32 $0x1, s1  }
0x8c: {  	s18 =	sshll.u32 s0, $0xA;
	s2 =	sadd.s32 s3, s2  }
0x8d: {  	s2 =	sadd.s32 s2, s18  }
0x8e: {  	[smem:$0x3FC6] =	sst s2  }
0x8f: {  	_ = 	snop  }
0x90: {  	s2 =	sld [smem:$0x3FC9]  }
0x91: {  	s19 =	sld [smem:$0x3FC8]  }
0x92: {  	s4 =	sld [smem:$0x3FD0];
	(tm) =	ssettm $0x1  }
0x93: {  	s5 =	sld [smem:$0x3FFB];
	_ =	sdelay $0x3  }
0x94: {  	_ =	strace s5  }
0x95: {  	s5 =	sld [smem:$0x3FFC];
	_ =	sdelay $0x3  }
0x96: {  	_ =	strace s5  }
0x97: {  	s5 =	sld [smem:$0x3FFD];
	_ =	sdelay $0x3  }
0x98: {  	_ =	strace s5  }
0x99: {  	_ =	strace $0x8FFFFFFF  }
0x9a: {  	s20 =	sld [smem:$0x3FDB];
	_ =	sdelay $0x1  }
0x9b: {  	s6 =	simm.s32 $_scs_section_size  }
0x9c: {  	s7 =	simm.s32 $_size__tile_overlayer_lowered;
	s8 =	simm.s32 $_tile_overlayer_lowered  }
0x9d: {  	s23 =	simm.s32 $0x1BFF;
	s22 =	sshll.u32 s8, $0x1;
	s5 =	sadd.s32 s6, s20  }
0x9e: {  	s9 =	simm.s32 $0x0;
	s21 =	sshll.u32 s7, $0x1;
	s7 =	sadd.s32 s22, s5  }
0x9f: {  	[timem:s9], [sflag:s23] =	dma.local [hbm:s7], s21  }
0xa0: {  	_ =	swait.ge [sflag:s23], s21  }
0xa1: {  	s6 =	ssub.s32 $0x0, s21;
	[sflag:s23] =	ssyncset.done $0x0  }
0xa2: {  	[sflag:s23] =	ssyncadd.s32 s6;
	_ =	sdelay $0x1  }
0xa3: {  	s24 =	simm.s32 $0x1B8B  }
0xa4: {  	_ =	swait.ge [sflag:s24], $0x1  }
0xa5: {  	[sflag:s24] =	ssyncset.done $0x0  }
0xa6: {  	s25 =	simm.s32 $0x1B8E;
	[sflag:s24] =	ssyncadd.s32 $0xFFFFFFFF  }
0xa7: {  	s26 =	simm.s32 $execute0_lowered;
	[smem:$0x3FD2] =	sst s25  }
0xa8: {  	s6 =	sshll.u32 s26, $0x1;
	_ =	strace $0x80000046;
	[dreg:$0x1] =	wrdreg $0xFFFFFFFF  }
0xa9: {  	s28 =	simm.s32 $_size_execute0_lowered;
	s5 =	sadd.s32 s5, s6;
	[dreg:$0x0] =	wrdreg $0x0  }
0xaa: {  	s6 =	sshll.u32 s28, $0x1;
	[dreg:$0x2] =	wrdreg s5  }
0xab: {  	[dreg:$0x3] =	wrdreg s6  }
0xac: {  	[dreg:$0x4] =	wrdreg $0xC0  }
0xad: {  	_ =	task [dreg:s9], $0x5FFFF  }
0xae: {  	[dreg:$0x1] =	wrdreg $0xFFFFFFFF  }
0xaf: {  	[dreg:$0x0] =	wrdreg $0x60  }
0xb0: {  	[dreg:$0x2] =	wrdreg s2  }
0xb1: {  	[dreg:$0x3] =	wrdreg s19  }
0xb2: {  	[dreg:$0x4] =	wrdreg s4  }
0xb3: {  	[dreg:$0x5] =	wrdreg $0xB7800  }
0xb4: {  	[dreg:$0x6] =	wrdreg $0x9  }
0xb5: {  	_ =	task.clear_ibuf [dreg:s9], $0x7FFFF;
	_ =	strace $0x90000046  }
0xb6: {  	s29 =	simm.s32 $0x9;
	_ =	strace $0x80000048  }
0xb7: {  	_ =	swait.ge [sflag:s29], $0x1  }
0xb8: {  	[sflag:s29] =	ssyncadd.s32 $0xFFFFFFFF  }
0xb9: {  	_ =	strace $0x90000048  }
0xba: {  	_ =	sfence  }
0xbb: {  	s30 =	sld [smem:$0x0];
	_ =	sdelay $0x2  }
0xbc: {  	s31 =	sshll.u32 s1, $0xD;
	s1 =	sshrl.u32 s1, $0x2  }
0xbd: {  	s3 =	sand.u32 $0x4000, s31;
	s1 =	sadd.s32 s1, s30  }
0xbe: {  	s0 =	sor.u32 s3, s0;
	s1 =	sshll.u32 s1, $0x11  }
0xbf: {  	s0 =	sor.u32 s1, s0  }
0xc0: {  	s0 =	sadd.s32 $0x8F2B, s0  }
0xc1: {  	[sflag:s0] =	ssyncadd.remote.s32 $0x1  }
0xc2: {  	_ =	sfence.sel $0xFFFF  }
0xc3: {  	[dreg:$0x0] =	wrdreg $0xFFFFFFFF;
	(pc) =	sbr.abs _section_cstart, $3  }
0xc4: {  	[dreg:$0x1] =	wrdreg $0xFFFFFFFF  }
0xc5: {  	_ =	task.clear_ibuf [dreg:s9], $0x2FFFF;
	_ =	strace $0x9FFFFFFF  }
0xc6: {  	(tm) =	ssettm $0x7FFFFFFF  }
0xc7: {  	_ =	shalt  }
tec
execute0_lowered:
.L_overlay_start_1:
0x0: {  	(tag) =	ssettag $0x1  }
0x1: {  	s0 =	rddreg [dreg:$0x0]  }
0x2: {  	s5 =	rddreg [dreg:$0x1]  }
0x3: {  	s6 =	rddreg [dreg:$0x2]  }
0x4: {  	s2 =	srdreg.scid;
	s7 =	stileid.u32  }
0x5: {  	s1 =	rddreg [dreg:$0x3];
	s28 =	simm.s32 $0x6;
	s29 =	simm.s32 $0x9  }
0x6: {  	s30 =	simm.s32 $0xA;
	s31 =	simm.s32 $0xB;
	s4 =	smul.u32 $0x270, s7  }
0x7: {  	s8 =	sand.u32 $0x1, s2;
	s15 =	sshll.u32 s7, $0x1;
	s16 =	smul.u32 $0x2700, s7  }
0x8: {  	s2 =	simm.s32 $0x0;
	s13 =	smul.u32 $0x4E000, s7;
	p0 =	sne.s32 s7, $0x0  }
0x9: {  	s9 =	sor.u32 s8, s15;
	s3 =	ssub.s32 $0x2, s8;
	s8 =	smul.u32 $0x27100, s8  }
0xa: {  	[smem:$0x7FF] =	sst s2;
	s10 =	smul.u32 $0x2710, s9;
	s11 =	sshrl.u32 s3, $0x1  }
0xb: {  	_ =	strace $0x80000047;
	s12 =	sadd.s32 $0x30, s4;
	s17 =	sadd.s32 s0, s16  }
0xc: {  	s19 =	sshrl.u32 s13, $0x2;
	s20 =	sadd.s32 $0x60, s4;
	s22 =	sadd.s32 $0x90, s4  }
0xd: {  	s14 =	sadd.s32 $0xF0, s4;
	s9 =	smul.u32 $0x138800, s9;
	s3 =	ssub.s32 s3, s11  }
0xe: {  	[dreg:$0x6] =	wrdreg s17;
	s18 =	sshll.u32 s12, $0x4;
	s21 =	sshll.u32 s20, $0x4  }
0xf: {  	s23 =	sshll.u32 s12, $0x7;
	s24 =	sshll.u32 s22, $0x4;
	s26 =	sshll.u32 s20, $0x7  }
0x10: {  	s11 =	sshll.u32 s22, $0x7;
	s16 =	sshll.u32 s14, $0x4;
	s25 =	sadd.s32 s0, s24  }
0x11: {  	s20 =	smul.u32 $0x4E200, s7;
	s11 =	sadd.s32 s11, s1;
	[dreg:$0xb] =	wrdreg s25  }
0x12: {  	s10 =	sshrl.u32 s10, $0x3;
	s17 =	sadd.s32 s0, s16;
	[dreg:$0xe] =	wrdreg s11  }
0x13: {  	s22 =	sadd.s32 $0x150, s4;
	s5 =	sadd.s32 s5, s10;
	[dreg:$0xf] =	wrdreg s17  }
0x14: {  	s10 =	sadd.s32 $0xC0, s4;
	[dreg:$0x5] =	wrdreg s5;
	s5 =	sadd.s32 s0, s18  }
0x15: {  	s15 =	sshll.u32 s10, $0x4;
	s18 =	sadd.s32 $0x120, s4;
	[dreg:$0x7] =	wrdreg s5  }
0x16: {  	s5 =	sadd.s32 s19, s1;
	s12 =	sadd.s32 s0, s15;
	s19 =	sshll.u32 s18, $0x4  }
0x17: {  	s25 =	sshll.u32 s18, $0x7;
	s18 =	sadd.s32 $0x210, s4;
	[dreg:$0x8] =	wrdreg s5  }
0x18: {  	s5 =	sadd.s32 s0, s21;
	[dreg:$0xd] =	wrdreg s12;
	s21 =	sshrl.u32 s9, $0x3  }
0x19: {  	s12 =	sadd.s32 $0x1B0, s4;
	s9 =	sadd.s32 $0x138000, s1;
	[dreg:$0x9] =	wrdreg s5  }
0x1a: {  	s5 =	sadd.s32 s23, s1;
	s23 =	sshll.u32 s22, $0x4;
	s13 =	sshll.u32 s12, $0x4  }
0x1b: {  	s15 =	sshll.u32 s12, $0x7;
	[dreg:$0xa] =	wrdreg s5;
	s5 =	sadd.s32 s26, s1  }
0x1c: {  	s12 =	simm.s32 $0x3F80;
	s26 =	sadd.s32 $0x180, s4;
	[dreg:$0xc] =	wrdreg s5  }
0x1d: {  	s5 =	sshll.u32 s10, $0x7;
	s10 =	sshll.u32 s14, $0x7;
	s11 =	sshll.u32 s26, $0x4  }
0x1e: {  	s14 =	sadd.s32 $0x1E0, s4;
	s4 =	sadd.s32 $0x240, s4;
	s5 =	sadd.s32 s5, s1  }
0x1f: {  	s24 =	sadd.s32 s10, s1;
	s10 =	sshll.u32 s22, $0x7;
	[dreg:$0x10] =	wrdreg s5  }
0x20: {  	s17 =	sshll.u32 s14, $0x4;
	s5 =	sadd.s32 s0, s19;
	[dreg:$0x12] =	wrdreg s24  }
0x21: {  	s7 =	sadd.s32 s10, s1;
	s19 =	sshll.u32 s18, $0x4;
	s10 =	sadd.s32 $0x138800, s1  }
0x22: {  	[dreg:$0x11] =	wrdreg s5;
	s5 =	sadd.s32 s6, s21;
	s6 =	sadd.s32 s20, s6  }
0x23: {  	[dreg:$0x16] =	wrdreg s7;
	s7 =	sadd.s32 s0, s13;
	s20 =	sshll.u32 s4, $0x4  }
0x24: {  	s16 =	sadd.s32 s8, s6;
	s6 =	sadd.s32 s0, s23;
	[dreg:$0x17] =	wrdreg s7  }
0x25: {  	s4 =	sshll.u32 s4, $0x7;
	s8 =	sadd.s32 s0, s11;
	[dreg:$0x13] =	wrdreg s6  }
0x26: {  	s13 =	simm.s32 $0xD;
	s4 =	sadd.s32 s4, s1;
	[dreg:$0x15] =	wrdreg s8  }
0x27: {  	s7 =	sshll.u32 s14, $0x7;
	s21 =	sadd.s32 $0x26400, s5;
	[dreg:$0x1f] =	wrdreg s4  }
0x28: {  	s22 =	sadd.s32 $0x26700, s5;
	s23 =	sadd.s32 $0x26A00, s5;
	[smem:$0x7F8] =	sst s21  }
0x29: {  	s24 =	sadd.s32 $0x26D00, s5;
	s11 =	simm.s32 $0x2780;
	[smem:$0x7F9] =	sst s22  }
0x2a: {  	s14 =	simm.s32 $0x1;
	s6 =	sadd.s32 s25, s1;
	[smem:$0x7FA] =	sst s23  }
0x2b: {  	s8 =	sadd.s32 s0, s17;
	s7 =	sadd.s32 s7, s1;
	[smem:$0x7FB] =	sst s24  }
0x2c: {  	s25 =	sadd.s32 $0x27000, s5;
	s17 =	simm.s32 $0x2;
	[dreg:$0x14] =	wrdreg s6  }
0x2d: {  	s21 =	simm.s32 $0x6F80;
	s22 =	simm.s32 $0x8780;
	[dreg:$0x19] =	wrdreg s8  }
0x2e: {  	s23 =	simm.s32 $0x9F80;
	s24 =	simm.s32 $0x3;
	[dreg:$0x1c] =	wrdreg s7  }
0x2f: {  	s4 =	simm.s32 $0x0;
	s8 =	sadd.s32 s0, s19;
	[smem:$0x7FC] =	sst s25  }
0x30: {  	s6 =	sshll.u32 s26, $0x7;
	s7 =	sadd.s32 s0, s20;
	[dreg:$0x1b] =	wrdreg s8  }
0x31: {  	s0 =	sadd.s32 $0x27000, s0;
	s26 =	smax.u32 s3, $0x1;
	[dreg:$0x1d] =	wrdreg s7  }
0x32: {  	s19 =	simm.s32 $0x30;
	s20 =	simm.s32 $0x5780;
	[smem:$0x7F7] =	sst s0  }
.Ltmp0:
0x33: {  	s6 =	sadd.s32 s6, s1;
	[smem:$0x7FD] =	sst s26;
	(pc) =	sbr.rel .LBB2_1-.Ltmp0, $4  }
0x34: {  	s25 =	simm.s32 $0x4;
	[dreg:$0x18] =	wrdreg s6;
	s6 =	sadd.s32 s15, s1  }
0x35: {  	s3 =	simm.s32 $0xE;
	[dreg:$0x1a] =	wrdreg s6;
	s6 =	sshll.u32 s18, $0x7  }
0x36: {  	s26 =	simm.s32 $0x5;
	s0 =	simm.s32 $0xC;
	s6 =	sadd.s32 s6, s1  }
0x37: {  	s15 =	simm.s32 $0x7;
	s18 =	simm.s32 $0x8;
	[dreg:$0x1e] =	wrdreg s6  }
.LBB2_6:
0x38: {  	_ =	swait.ge [sflag:s0], $0x1800  }
0x39: {  	[sflag:s0] =	ssyncset.done $0x0  }
0x3a: {  	[sflag:s0] =	ssyncadd.s32 $0xFFFFE800  }
0x3b: {  	_ =	swait.ge [sflag:s14], $0x1800  }
0x3c: {  	s5 =	sld [smem:$0x7F8]  }
0x3d: {  	[sflag:s14] =	ssyncset.done $0x0  }
0x3e: {  	[sflag:s14] =	ssyncadd.s32 $0xFFFFE800  }
0x3f: {  	[hbm4b:s5+s2] =	stream.linear.scatter [tilespmem:s11], [sflag:$0x7], $0x1800, $0x38;
	[tilespmem:$0x1F008] =	vst v63  }
0x40: {  	_ =	swait.ge [sflag:s17], $0x1800  }
0x41: {  	s8 =	sld [smem:$0x7F9]  }
0x42: {  	[sflag:s17] =	ssyncset.done $0x0  }
0x43: {  	[sflag:s17] =	ssyncadd.s32 $0xFFFFE800  }
0x44: {  	[hbm4b:s8+s2] =	stream.linear.scatter [tilespmem:s12], [sflag:$0x8], $0x1800, $0x38;
	[tilespmem:$0x1F008] =	vst v63  }
0x45: {  	_ =	swait.ge [sflag:s24], $0x1800  }
0x46: {  	s6 =	sld [smem:$0x7FA]  }
0x47: {  	[sflag:s24] =	ssyncset.done $0x0  }
0x48: {  	[sflag:s24] =	ssyncadd.s32 $0xFFFFE800  }
0x49: {  	[hbm4b:s6+s2] =	stream.linear.scatter [tilespmem:s20], [sflag:$0x9], $0x1800, $0x38;
	[tilespmem:$0x1F008] =	vst v63  }
0x4a: {  	_ =	swait.ge [sflag:s25], $0x1800  }
0x4b: {  	s7 =	sld [smem:$0x7FB]  }
0x4c: {  	[sflag:s25] =	ssyncset.done $0x0  }
0x4d: {  	[sflag:s25] =	ssyncadd.s32 $0xFFFFE800  }
0x4e: {  	[hbm4b:s7+s2] =	stream.linear.scatter [tilespmem:s21], [sflag:$0xA], $0x1800, $0x38;
	[tilespmem:$0x1F008] =	vst v63  }
0x4f: {  	s8 =	simm.s32 $0x10;
	s6 =	simm.s32 $0x2700  }
0x50: {  	[tilespmem:s22], [sflag:$0x5] =	stream.indirect.gather [spmem:s1], $0x80, s6, s8, $0xb8;
	[tilespmem:$0x1F008] =	vst v63  }
0x51: {  	_ =	swait.ge [sflag:s26], $0x800  }
0x52: {  	s7 =	sld [smem:$0x7FC]  }
0x53: {  	[sflag:s26] =	ssyncset.done $0x0  }
0x54: {  	[sflag:s26] =	ssyncadd.s32 $0xFFFFF800  }
0x55: {  	[hbm4b:s7+s2] =	stream.linear.scatter [tilespmem:s22], [sflag:$0xE], $0x800, $0x38;
	[tilespmem:$0x1F008] =	vst v63  }
0x56: {  	_ =	swait.ge [sflag:s3], $0x800  }
0x57: {  	[sflag:s3] =	ssyncset.done $0x0  }
0x58: {  	[sflag:s3] =	ssyncadd.s32 $0xFFFFF800  }
0x59: {  	_ =	swait.ge [sflag:s15], $0x1800  }
0x5a: {  	[sflag:s15] =	ssyncset.done $0x0  }
0x5b: {  	[sflag:s15] =	ssyncadd.s32 $0xFFFFE800  }
0x5c: {  	_ =	swait.ge [sflag:s18], $0x1800  }
0x5d: {  	[sflag:s18] =	ssyncset.done $0x0  }
0x5e: {  	[sflag:s18] =	ssyncadd.s32 $0xFFFFE800  }
0x5f: {  	_ =	swait.ge [sflag:s29], $0x1800  }
0x60: {  	[sflag:s29] =	ssyncset.done $0x0  }
0x61: {  	[sflag:s29] =	ssyncadd.s32 $0xFFFFE800  }
0x62: {  	_ =	swait.ge [sflag:s30], $0x1800  }
0x63: {  	s8 =	sld [smem:$0x7FD];
	_ =	sdelay $0x1  }
0x64: {  	s4 =	sadd.s32 $0x1, s4  }
0x65: {  	p1 =	sne.s32 s4, s8  }
.Ltmp1:
0x66: {  	_ = 	snop;
	(pc) =	sbr.rel @!p1 .LBB2_7-.Ltmp1, $3  }
0x67: {  	_ =	sdelay $0x1  }
0x68: {  	[sflag:s30] =	ssyncset.done $0x0  }
0x69: {  	[sflag:s30] =	ssyncadd.s32 $0xFFFFE800  }
.LBB2_1:
0x6a: {  	s5 =	rddreg [dreg:$0x5]  }
0x6b: {  	[tilespmem:s2], [sflag:$0xD] =	stream.linear.gather [hbm4b:s5+s2], $0x2710, $0x38;
	[tilespmem:$0x1F008] =	vst v63  }
0x6c: {  	s7 =	rddreg [dreg:$0x6]  }
0x6d: {  	[tilespmem:s11], [sflag:$0x1] =	stream.linear.gather [hbm4b:s7+s2], $0x1800, $0x38;
	[tilespmem:$0x1F008] =	vst v63  }
0x6e: {  	s8 =	rddreg [dreg:$0x7]  }
0x6f: {  	[tilespmem:s12], [sflag:$0x2] =	stream.linear.gather [hbm4b:s8+s2], $0x1800, $0x38;
	[tilespmem:$0x1F008] =	vst v63  }
0x70: {  	_ =	swait.ge [sflag:s13], $0x2710  }
0x71: {  	[sflag:s13] =	ssyncset.done $0x0  }
0x72: {  	s5 =	simm.s32 $0x40;
	[sflag:s13] =	ssyncadd.s32 $0xFFFFD8F0  }
0x73: {  	v0 =	vld [tilespmem:s5+$0xFFFFFFC0]  }
0x74: {  	v5 =	vld [tilespmem:s5+$0xFFFFFFD0]  }
0x75: {  	v4 =	vld [tilespmem:s5+$0xFFFFFFE0]  }
0x76: {  	v3 =	vld [tilespmem:s5+$0x0]  }
0x77: {  	v1 =	vld [tilespmem:s5+$0x10]  }
0x78: {  	v2 =	vld [tilespmem:s5+$0x20];
	vm0 =	vlt.s32 v0, $0x0  }
0x79: {  	v6 =	vsel vm0, $0x2710, v0;
	vm0 =	vlt.s32 v5, $0x0;
	v0 =	vld [tilespmem:s5+$0x30]  }
0x7a: {  	s6 =	simm.s32 $0x0;
	s7 =	simm.s32 $0xC0;
	[tilespmem:s5+$0xFFFFFFC0] =	vst v6;
	v6 =	vsel vm0, $0x2710, v5;
	vm0 =	vlt.s32 v4, $0x0;
	v5 =	vld [tilespmem:s5+$0xFFFFFFF0]  }
.LBB2_2:
0x7b: {  	v7 =	vld [tilespmem:s7+$0xFFFFFFC0];
	[tilespmem:s5+$0xFFFFFFD0] =	vst v6;
	v4 =	vsel vm0, $0x2710, v4;
	vm0 =	vlt.s32 v3, $0x0  }
0x7c: {  	s6 =	sadd.s32 $0x8, s6;
	v6 =	vld [tilespmem:s7+$0xFFFFFFD0];
	[tilespmem:s5+$0xFFFFFFE0] =	vst v4;
	v3 =	vsel vm0, $0x2710, v3;
	vm0 =	vlt.s32 v1, $0x0  }
0x7d: {  	p1 =	slt.u32 s6, $0x268;
	v4 =	vld [tilespmem:s7+$0xFFFFFFE0];
	[tilespmem:s5+$0x0] =	vst v3;
	v1 =	vsel vm0, $0x2710, v1;
	vm0 =	vlt.s32 v2, $0x0  }
.Ltmp2:
0x7e: {  	v3 =	vld [tilespmem:s7+$0x0];
	[tilespmem:s5+$0x10] =	vst v1;
	v2 =	vsel vm0, $0x2710, v2;
	vm0 =	vlt.s32 v0, $0x0;
	(pc) =	sbr.rel @p1 .LBB2_2-.Ltmp2, $4  }
0x7f: {  	v1 =	vld [tilespmem:s7+$0x10];
	vm1 =	vlt.s32 v5, $0x0;
	[tilespmem:s5+$0x20] =	vst v2;
	v0 =	vsel vm0, $0x2710, v0  }
0x80: {  	vm0 =	vlt.s32 v7, $0x0;
	v2 =	vld [tilespmem:s7+$0x20];
	v5 =	vsel vm1, $0x2710, v5;
	[tilespmem:s5+$0x30] =	vst v0  }
0x81: {  	v7 =	vsel vm0, $0x2710, v7;
	vm0 =	vlt.s32 v6, $0x0;
	v0 =	vld [tilespmem:s7+$0x30];
	[tilespmem:s5+$0xFFFFFFF0] =	vst v5;
	s5 =	smov.u32 s7  }
0x82: {  	s7 =	sadd.s32 $0x80, s7;
	[tilespmem:s5+$0xFFFFFFC0] =	vst v7;
	v6 =	vsel vm0, $0x2710, v6;
	vm0 =	vlt.s32 v4, $0x0;
	v5 =	vld [tilespmem:s5+$0xFFFFFFF0]  }
0x83: {  	[tilespmem:s5+$0xFFFFFFD0] =	vst v6;
	v4 =	vsel vm0, $0x2710, v4;
	vm11 =	vlt.s32 v3, $0x0  }
0x84: {  	[tilespmem:s5+$0xFFFFFFE0] =	vst v4;
	v3 =	vsel vm11, $0x2710, v3;
	vm12 =	vlt.s32 v1, $0x0  }
0x85: {  	[tilespmem:s5+$0x0] =	vst v3;
	v1 =	vsel vm12, $0x2710, v1;
	vm13 =	vlt.s32 v2, $0x0  }
0x86: {  	[tilespmem:s5+$0x10] =	vst v1;
	v62 =	vsel vm13, $0x2710, v2;
	vm14 =	vlt.s32 v0, $0x0  }
0x87: {  	vm1 =	vlt.s32 v5, $0x0;
	[tilespmem:s5+$0x20] =	vst v62;
	v0 =	vsel vm14, $0x2710, v0  }
0x88: {  	v63 =	vsel vm1, $0x2710, v5;
	[tilespmem:s5+$0x30] =	vst v0  }
0x89: {  	[tilespmem:s5+$0xFFFFFFF0] =	vst v63  }
0x8a: {  	v0 =	vld [tilespmem:$0x2700];
	_ =	sdelay $0x4  }
0x8b: {  	vm15 =	vlt.s32 v0, $0x0  }
0x8c: {  	v0 =	vsel vm15, $0x2710, v0  }
0x8d: {  	[tilespmem:$0x2700] =	vst v0  }
0x8e: {  	_ =	swait.ge [sflag:s14], $0x1800  }
0x8f: {  	[sflag:s14] =	ssyncset.done $0x0  }
0x90: {  	s7 =	rddreg [dreg:$0x8];
	[sflag:s14] =	ssyncadd.s32 $0xFFFFE800  }
0x91: {  	[spmem:s7] =	stream.linear.scatter [tilespmem:s11], [sflag:$0x7], $0x1800, $0x38;
	[tilespmem:$0x1F008] =	vst v63  }
0x92: {  	_ =	swait.ge [sflag:s15], $0x1800  }
0x93: {  	[sflag:s15] =	ssyncset.done $0x0  }
0x94: {  	s8 =	rddreg [dreg:$0x9];
	[sflag:s15] =	ssyncadd.s32 $0xFFFFE800  }
0x95: {  	[tilespmem:s11], [sflag:$0x1] =	stream.linear.gather [hbm4b:s8+s2], $0x1800, $0x38;
	[tilespmem:$0x1F008] =	vst v63  }
0x96: {  	_ =	swait.ge [sflag:s17], $0x1800  }
0x97: {  	[sflag:s17] =	ssyncset.done $0x0  }
0x98: {  	s6 =	rddreg [dreg:$0xa];
	[sflag:s17] =	ssyncadd.s32 $0xFFFFE800  }
0x99: {  	[spmem:s6] =	stream.linear.scatter [tilespmem:s12], [sflag:$0x8], $0x1800, $0x38;
	[tilespmem:$0x1F008] =	vst v63  }
0x9a: {  	_ =	swait.ge [sflag:s18], $0x1800  }
0x9b: {  	[sflag:s18] =	ssyncset.done $0x0  }
0x9c: {  	s7 =	rddreg [dreg:$0xb];
	[sflag:s18] =	ssyncadd.s32 $0xFFFFE800  }
0x9d: {  	[tilespmem:s12], [sflag:$0x2] =	stream.linear.gather [hbm4b:s7+s2], $0x1800, $0x38;
	[tilespmem:$0x1F008] =	vst v63  }
0x9e: {  	_ =	swait.ge [sflag:s14], $0x1800  }
0x9f: {  	[sflag:s14] =	ssyncset.done $0x0  }
0xa0: {  	s8 =	rddreg [dreg:$0xc];
	[sflag:s14] =	ssyncadd.s32 $0xFFFFE800  }
0xa1: {  	[spmem:s8] =	stream.linear.scatter [tilespmem:s11], [sflag:$0x7], $0x1800, $0x38;
	[tilespmem:$0x1F008] =	vst v63  }
0xa2: {  	_ =	swait.ge [sflag:s15], $0x1800  }
0xa3: {  	[sflag:s15] =	ssyncset.done $0x0  }
0xa4: {  	s6 =	rddreg [dreg:$0xd];
	[sflag:s15] =	ssyncadd.s32 $0xFFFFE800  }
0xa5: {  	[tilespmem:s11], [sflag:$0x1] =	stream.linear.gather [hbm4b:s6+s2], $0x1800, $0x38;
	[tilespmem:$0x1F008] =	vst v63  }
0xa6: {  	_ =	swait.ge [sflag:s17], $0x1800  }
0xa7: {  	[sflag:s17] =	ssyncset.done $0x0  }
0xa8: {  	s7 =	rddreg [dreg:$0xe];
	[sflag:s17] =	ssyncadd.s32 $0xFFFFE800  }
0xa9: {  	[spmem:s7] =	stream.linear.scatter [tilespmem:s12], [sflag:$0x8], $0x1800, $0x38;
	[tilespmem:$0x1F008] =	vst v63  }
0xaa: {  	_ =	swait.ge [sflag:s18], $0x1800  }
0xab: {  	[sflag:s18] =	ssyncset.done $0x0  }
0xac: {  	s8 =	rddreg [dreg:$0xf];
	[sflag:s18] =	ssyncadd.s32 $0xFFFFE800  }
0xad: {  	[tilespmem:s12], [sflag:$0x2] =	stream.linear.gather [hbm4b:s8+s2], $0x1800, $0x38;
	[tilespmem:$0x1F008] =	vst v63  }
0xae: {  	_ =	swait.ge [sflag:s14], $0x1800  }
0xaf: {  	[sflag:s14] =	ssyncset.done $0x0  }
0xb0: {  	s6 =	rddreg [dreg:$0x10];
	[sflag:s14] =	ssyncadd.s32 $0xFFFFE800  }
0xb1: {  	[spmem:s6] =	stream.linear.scatter [tilespmem:s11], [sflag:$0x7], $0x1800, $0x38;
	[tilespmem:$0x1F008] =	vst v63  }
0xb2: {  	_ =	swait.ge [sflag:s15], $0x1800  }
0xb3: {  	[sflag:s15] =	ssyncset.done $0x0  }
0xb4: {  	s7 =	rddreg [dreg:$0x11];
	[sflag:s15] =	ssyncadd.s32 $0xFFFFE800  }
0xb5: {  	[tilespmem:s11], [sflag:$0x1] =	stream.linear.gather [hbm4b:s7+s2], $0x1800, $0x38;
	[tilespmem:$0x1F008] =	vst v63  }
0xb6: {  	_ =	swait.ge [sflag:s17], $0x1800  }
0xb7: {  	[sflag:s17] =	ssyncset.done $0x0  }
0xb8: {  	s8 =	rddreg [dreg:$0x12];
	[sflag:s17] =	ssyncadd.s32 $0xFFFFE800  }
0xb9: {  	[spmem:s8] =	stream.linear.scatter [tilespmem:s12], [sflag:$0x8], $0x1800, $0x38;
	[tilespmem:$0x1F008] =	vst v63  }
0xba: {  	_ =	swait.ge [sflag:s18], $0x1800  }
0xbb: {  	[sflag:s18] =	ssyncset.done $0x0  }
0xbc: {  	s6 =	rddreg [dreg:$0x13];
	[sflag:s18] =	ssyncadd.s32 $0xFFFFE800  }
0xbd: {  	[tilespmem:s12], [sflag:$0x2] =	stream.linear.gather [hbm4b:s6+s2], $0x1800, $0x38;
	[tilespmem:$0x1F008] =	vst v63  }
0xbe: {  	_ =	swait.ge [sflag:s14], $0x1800  }
0xbf: {  	[sflag:s14] =	ssyncset.done $0x0  }
0xc0: {  	s7 =	rddreg [dreg:$0x14];
	[sflag:s14] =	ssyncadd.s32 $0xFFFFE800  }
0xc1: {  	[spmem:s7] =	stream.linear.scatter [tilespmem:s11], [sflag:$0x7], $0x1800, $0x38;
	[tilespmem:$0x1F008] =	vst v63  }
0xc2: {  	_ =	swait.ge [sflag:s15], $0x1800  }
0xc3: {  	[sflag:s15] =	ssyncset.done $0x0  }
0xc4: {  	s8 =	rddreg [dreg:$0x15];
	[sflag:s15] =	ssyncadd.s32 $0xFFFFE800  }
0xc5: {  	[tilespmem:s11], [sflag:$0x1] =	stream.linear.gather [hbm4b:s8+s2], $0x1800, $0x38;
	[tilespmem:$0x1F008] =	vst v63  }
0xc6: {  	_ =	swait.ge [sflag:s17], $0x1800  }
0xc7: {  	[sflag:s17] =	ssyncset.done $0x0  }
0xc8: {  	s6 =	rddreg [dreg:$0x16];
	[sflag:s17] =	ssyncadd.s32 $0xFFFFE800  }
0xc9: {  	[spmem:s6] =	stream.linear.scatter [tilespmem:s12], [sflag:$0x8], $0x1800, $0x38;
	[tilespmem:$0x1F008] =	vst v63  }
0xca: {  	_ =	swait.ge [sflag:s18], $0x1800  }
0xcb: {  	[sflag:s18] =	ssyncset.done $0x0  }
0xcc: {  	s7 =	rddreg [dreg:$0x17];
	[sflag:s18] =	ssyncadd.s32 $0xFFFFE800  }
0xcd: {  	[tilespmem:s12], [sflag:$0x2] =	stream.linear.gather [hbm4b:s7+s2], $0x1800, $0x38;
	[tilespmem:$0x1F008] =	vst v63  }
0xce: {  	_ =	swait.ge [sflag:s14], $0x1800  }
0xcf: {  	[sflag:s14] =	ssyncset.done $0x0  }
0xd0: {  	s8 =	rddreg [dreg:$0x18];
	[sflag:s14] =	ssyncadd.s32 $0xFFFFE800  }
0xd1: {  	[spmem:s8] =	stream.linear.scatter [tilespmem:s11], [sflag:$0x7], $0x1800, $0x38;
	[tilespmem:$0x1F008] =	vst v63  }
0xd2: {  	_ =	swait.ge [sflag:s15], $0x1800  }
0xd3: {  	[sflag:s15] =	ssyncset.done $0x0  }
0xd4: {  	s6 =	rddreg [dreg:$0x19];
	[sflag:s15] =	ssyncadd.s32 $0xFFFFE800  }
0xd5: {  	[tilespmem:s11], [sflag:$0x1] =	stream.linear.gather [hbm4b:s6+s2], $0x1800, $0x38;
	[tilespmem:$0x1F008] =	vst v63  }
0xd6: {  	_ =	swait.ge [sflag:s17], $0x1800  }
0xd7: {  	[sflag:s17] =	ssyncset.done $0x0  }
0xd8: {  	s7 =	rddreg [dreg:$0x1a];
	[sflag:s17] =	ssyncadd.s32 $0xFFFFE800  }
0xd9: {  	[spmem:s7] =	stream.linear.scatter [tilespmem:s12], [sflag:$0x8], $0x1800, $0x38;
	[tilespmem:$0x1F008] =	vst v63  }
0xda: {  	_ =	swait.ge [sflag:s18], $0x1800  }
0xdb: {  	[sflag:s18] =	ssyncset.done $0x0  }
0xdc: {  	s8 =	rddreg [dreg:$0x1b];
	[sflag:s18] =	ssyncadd.s32 $0xFFFFE800  }
0xdd: {  	[tilespmem:s12], [sflag:$0x2] =	stream.linear.gather [hbm4b:s8+s2], $0x1800, $0x38;
	[tilespmem:$0x1F008] =	vst v63  }
0xde: {  	_ =	swait.ge [sflag:s14], $0x1800  }
0xdf: {  	[sflag:s14] =	ssyncset.done $0x0  }
0xe0: {  	s6 =	rddreg [dreg:$0x1c];
	[sflag:s14] =	ssyncadd.s32 $0xFFFFE800  }
0xe1: {  	[spmem:s6] =	stream.linear.scatter [tilespmem:s11], [sflag:$0x7], $0x1800, $0x38;
	[tilespmem:$0x1F008] =	vst v63  }
0xe2: {  	_ =	swait.ge [sflag:s15], $0x1800  }
0xe3: {  	[sflag:s15] =	ssyncset.done $0x0  }
0xe4: {  	s7 =	rddreg [dreg:$0x1d];
	[sflag:s15] =	ssyncadd.s32 $0xFFFFE800  }
0xe5: {  	[tilespmem:s11], [sflag:$0x1] =	stream.linear.gather [hbm4b:s7+s2], $0x1800, $0x38;
	[tilespmem:$0x1F008] =	vst v63  }
0xe6: {  	_ =	swait.ge [sflag:s17], $0x1800  }
0xe7: {  	[sflag:s17] =	ssyncset.done $0x0  }
0xe8: {  	s8 =	rddreg [dreg:$0x1e];
	[sflag:s17] =	ssyncadd.s32 $0xFFFFE800  }
0xe9: {  	[spmem:s8] =	stream.linear.scatter [tilespmem:s12], [sflag:$0x8], $0x1800, $0x38;
	[tilespmem:$0x1F008] =	vst v63  }
0xea: {  	_ =	swait.ge [sflag:s18], $0x1800  }
0xeb: {  	[sflag:s18] =	ssyncset.done $0x0  }
0xec: {  	[sflag:s18] =	ssyncadd.s32 $0xFFFFE800  }
0xed: {  	_ =	swait.ge [sflag:s14], $0x1800  }
0xee: {  	[sflag:s14] =	ssyncset.done $0x0  }
0xef: {  	s6 =	rddreg [dreg:$0x1f];
	[sflag:s14] =	ssyncadd.s32 $0xFFFFE800  }
0xf0: {  	[spmem:s6] =	stream.linear.scatter [tilespmem:s11], [sflag:$0x7], $0x1800, $0x38;
	[tilespmem:$0x1F008] =	vst v63  }
0xf1: {  	_ =	swait.ge [sflag:s15], $0x1800  }
0xf2: {  	s7 =	sld [smem:$0x7F7]  }
0xf3: {  	[sflag:s15] =	ssyncset.done $0x0  }
0xf4: {  	s5 =	simm.s32 @!p0 $0x0;
	s6 =	simm.s32 @!p0 $0x2780;
	[sflag:s15] =	ssyncadd.s32 $0xFFFFE800  }
0xf5: {  	[tilespmem:s6], [sflag:$0xE] =	stream.linear.gather @!p0 [hbm4b:s7+s5], $0x800, $0x38;
	[tilespmem:$0x1F008] =	vst v63  }
0xf6: {  	s5 =	simm.s32 @!p0 $0xE  }
0xf7: {  	_ =	swait.ge @!p0 [sflag:s5], $0x800  }
0xf8: {  	[sflag:s5] =	ssyncset.done @!p0 $0x0  }
0xf9: {  	[sflag:s5] =	ssyncadd.s32 @!p0 $0xFFFFF800  }
0xfa: {  	[spmem:s9] =	stream.linear.scatter @!p0 [tilespmem:s6], [sflag:$0xE], $0x800, $0x38;
	[tilespmem:$0x1F008] =	vst v63  }
0xfb: {  	_ =	swait.ge @!p0 [sflag:s5], $0x800  }
0xfc: {  	[sflag:s5] =	ssyncset.done @!p0 $0x0  }
0xfd: {  	v0 =	vimm.f32 @!p0 $0.0e+00;
	[sflag:s5] =	ssyncadd.s32 @!p0 $0xFFFFF800  }
0xfe: {  	[tilespmem:$0x2780] =	vst @!p0 v0  }
0xff: {  	[tilespmem:$0x2790] =	vst @!p0 v0  }
0x100: {  	[tilespmem:$0x27A0] =	vst @!p0 v0  }
0x101: {  	[tilespmem:$0x27B0] =	vst @!p0 v0  }
0x102: {  	[tilespmem:$0x27C0] =	vst @!p0 v0  }
0x103: {  	[tilespmem:$0x27D0] =	vst @!p0 v0  }
0x104: {  	[tilespmem:$0x27E0] =	vst @!p0 v0  }
0x105: {  	[tilespmem:$0x27F0] =	vst @!p0 v0  }
0x106: {  	[spmem:s10] =	stream.linear.scatter @!p0 [tilespmem:s6], [sflag:$0xE], $0x80, $0x38;
	[tilespmem:$0x1F008] =	vst v63  }
0x107: {  	_ =	swait.ge @!p0 [sflag:s5], $0x80  }
0x108: {  	[sflag:s5] =	ssyncset.done @!p0 $0x0  }
0x109: {  	[sflag:s5] =	ssyncadd.s32 @!p0 $0xFFFFFF80  }
0x10a: {  	s5 =	simm.s32 $0x0;
	[bflag:$0x0] =	sbarrier.arrive $0xFFFF  }
0x10b: {  	[tilespmem:s11], [sflag:$0x1] =	stream.indirect.gather [spmem:s1], $0x80, s5, s19, $0xb8;
	[tilespmem:$0x1F008] =	vst v63  }
0x10c: {  	_ = 	snop  }
0x10d: {  	[tilespmem:s12], [sflag:$0x2] =	stream.indirect.gather [spmem:s1], $0x80, s19, s19, $0xb8;
	[tilespmem:$0x1F008] =	vst v63  }
0x10e: {  	s7 =	simm.s32 $0x60  }
0x10f: {  	[tilespmem:s20], [sflag:$0x3] =	stream.indirect.gather [spmem:s1], $0x80, s7, s19, $0xb8;
	[tilespmem:$0x1F008] =	vst v63  }
0x110: {  	s8 =	simm.s32 $0x90  }
0x111: {  	[tilespmem:s21], [sflag:$0x4] =	stream.indirect.gather [spmem:s1], $0x80, s8, s19, $0xb8;
	[tilespmem:$0x1F008] =	vst v63  }
0x112: {  	s7 =	simm.s32 $0xC0  }
0x113: {  	[tilespmem:s22], [sflag:$0x5] =	stream.indirect.gather [spmem:s1], $0x80, s7, s19, $0xb8;
	[tilespmem:$0x1F008] =	vst v63  }
0x114: {  	s6 =	simm.s32 $0x210;
	s8 =	simm.s32 $0xF0  }
0x115: {  	[tilespmem:s23], [sflag:$0x6] =	stream.indirect.gather [spmem:s1], $0x80, s8, s19, $0xb8;
	[tilespmem:$0x1F008] =	vst v63  }
.LBB2_4:
0x116: {  	_ =	swait.ge [sflag:s14], $0x1800  }
0x117: {  	[sflag:s14] =	ssyncset.done $0x0  }
0x118: {  	s7 =	sadd.s32 s5, s16;
	[sflag:s14] =	ssyncadd.s32 $0xFFFFE800  }
0x119: {  	[hbm4b:s7+s2] =	stream.linear.scatter [tilespmem:s11], [sflag:$0x7], $0x1800, $0x38;
	[tilespmem:$0x1F008] =	vst v63  }
0x11a: {  	_ =	swait.ge [sflag:s17], $0x1800  }
0x11b: {  	[sflag:s17] =	ssyncset.done $0x0  }
0x11c: {  	s8 =	sadd.s32 $0x300, s7;
	[sflag:s17] =	ssyncadd.s32 $0xFFFFE800  }
0x11d: {  	[hbm4b:s8+s2] =	stream.linear.scatter [tilespmem:s12], [sflag:$0x8], $0x1800, $0x38;
	[tilespmem:$0x1F008] =	vst v63  }
0x11e: {  	_ =	swait.ge [sflag:s24], $0x1800  }
0x11f: {  	[sflag:s24] =	ssyncset.done $0x0  }
0x120: {  	s8 =	sadd.s32 $0x600, s7;
	[sflag:s24] =	ssyncadd.s32 $0xFFFFE800  }
0x121: {  	[hbm4b:s8+s2] =	stream.linear.scatter [tilespmem:s20], [sflag:$0x9], $0x1800, $0x38;
	[tilespmem:$0x1F008] =	vst v63  }
0x122: {  	_ =	swait.ge [sflag:s25], $0x1800  }
0x123: {  	[sflag:s25] =	ssyncset.done $0x0  }
0x124: {  	s8 =	sadd.s32 $0x900, s7;
	[sflag:s25] =	ssyncadd.s32 $0xFFFFE800  }
0x125: {  	[hbm4b:s8+s2] =	stream.linear.scatter [tilespmem:s21], [sflag:$0xA], $0x1800, $0x38;
	[tilespmem:$0x1F008] =	vst v63  }
0x126: {  	_ =	swait.ge [sflag:s26], $0x1800  }
0x127: {  	[sflag:s26] =	ssyncset.done $0x0  }
0x128: {  	s8 =	sadd.s32 $0xC00, s7;
	[sflag:s26] =	ssyncadd.s32 $0xFFFFE800  }
0x129: {  	[hbm4b:s8+s2] =	stream.linear.scatter [tilespmem:s22], [sflag:$0xB], $0x1800, $0x38;
	[tilespmem:$0x1F008] =	vst v63  }
0x12a: {  	_ =	swait.ge [sflag:s28], $0x1800  }
0x12b: {  	[sflag:s28] =	ssyncset.done $0x0  }
0x12c: {  	s7 =	sadd.s32 $0xF00, s7;
	[sflag:s28] =	ssyncadd.s32 $0xFFFFE800  }
0x12d: {  	[hbm4b:s7+s2] =	stream.linear.scatter [tilespmem:s23], [sflag:$0xC], $0x1800, $0x38;
	[tilespmem:$0x1F008] =	vst v63  }
0x12e: {  	_ =	swait.ge [sflag:s15], $0x1800  }
0x12f: {  	[sflag:s15] =	ssyncset.done $0x0  }
0x130: {  	s8 =	sadd.s32 $0xFFFFFF10, s6;
	[sflag:s15] =	ssyncadd.s32 $0xFFFFE800  }
0x131: {  	[tilespmem:s11], [sflag:$0x1] =	stream.indirect.gather [spmem:s1], $0x80, s8, s19, $0xb8;
	[tilespmem:$0x1F008] =	vst v63  }
0x132: {  	_ =	swait.ge [sflag:s18], $0x1800  }
0x133: {  	[sflag:s18] =	ssyncset.done $0x0  }
0x134: {  	s8 =	sadd.s32 $0xFFFFFF40, s6;
	[sflag:s18] =	ssyncadd.s32 $0xFFFFE800  }
0x135: {  	[tilespmem:s12], [sflag:$0x2] =	stream.indirect.gather [spmem:s1], $0x80, s8, s19, $0xb8;
	[tilespmem:$0x1F008] =	vst v63  }
0x136: {  	_ =	swait.ge [sflag:s29], $0x1800  }
0x137: {  	[sflag:s29] =	ssyncset.done $0x0  }
0x138: {  	s8 =	sadd.s32 $0xFFFFFF70, s6;
	[sflag:s29] =	ssyncadd.s32 $0xFFFFE800  }
0x139: {  	[tilespmem:s20], [sflag:$0x3] =	stream.indirect.gather [spmem:s1], $0x80, s8, s19, $0xb8;
	[tilespmem:$0x1F008] =	vst v63  }
0x13a: {  	_ =	swait.ge [sflag:s30], $0x1800  }
0x13b: {  	p1 =	seq.s32 s5, $0x25200;
	[sflag:s30] =	ssyncset.done $0x0  }
.Ltmp3:
0x13c: {  	s8 =	sadd.s32 $0xFFFFFFA0, s6;
	[sflag:s30] =	ssyncadd.s32 $0xFFFFE800;
	(pc) =	sbr.rel @p1 .LBB2_6-.Ltmp3, $4  }
0x13d: {  	[tilespmem:s21], [sflag:$0x4] =	stream.indirect.gather [spmem:s1], $0x80, s8, s19, $0xb8;
	[tilespmem:$0x1F008] =	vst v63  }
0x13e: {  	_ =	swait.ge [sflag:s31], $0x1800  }
0x13f: {  	[sflag:s31] =	ssyncset.done $0x0  }
0x140: {  	[sflag:s31] =	ssyncadd.s32 $0xFFFFE800  }
0x141: {  	s7 =	sadd.s32 $0xFFFFFFD0, s6  }
0x142: {  	[tilespmem:s22], [sflag:$0x5] =	stream.indirect.gather [spmem:s1], $0x80, s7, s19, $0xb8;
	[tilespmem:$0x1F008] =	vst v63  }
.Ltmp4:
0x143: {  	_ =	swait.ge [sflag:s0], $0x1800;
	(pc) =	sbr.rel .LBB2_4-.Ltmp4, $4  }
0x144: {  	[sflag:s0] =	ssyncset.done $0x0  }
0x145: {  	[sflag:s0] =	ssyncadd.s32 $0xFFFFE800  }
0x146: {  	[tilespmem:s23], [sflag:$0x6] =	stream.indirect.gather [spmem:s1], $0x80, s6, s19, $0xb8;
	[tilespmem:$0x1F008] =	vst v63  }
0x147: {  	s5 =	sadd.s32 $0x1200, s5;
	s6 =	sadd.s32 $0x120, s6  }
.LBB2_7:
0x148: {  	_ =	sfence.sel $0x180000  }
0x149: {  	[bflag:$0x0] =	sbarrier.arrive $0xFFFF  }
0x14a: {  	_ =	strace $0x90000047  }
0x14b: {  	[bflag:$0x2] =	sbarrier.arrive $0xFFFF  }
0x14c: {  	s0 =	rddreg [dreg:$0x4]  }
0x14d: {  	s0 =	sadd.s32 @!p0 $0x100000, s0  }
0x14e: {  	[sflag:s0] =	ssyncadd.tile.s32 @!p0 $0x1;
	_ =	shalt  }
.Lfunc_end2:
_tile_overlayer_lowered:
.L_overlay_start_2:
0x14f: {  	(tag) =	ssettag $0x2  }
0x150: {  	s0 =	rddreg [dreg:$0x0];
	s2 =	stileid.u32  }
0x151: {  	s1 =	rddreg [dreg:$0x1];
	p0 =	sne.s32 s2, $0x0  }
0x152: {  	s3 =	rddreg [dreg:$0x2];
	[bflag:$0x3] =	sbarrier.arrive $0xFFFF;
	s2 =	simm.s32 @!p0 $0x1C0E  }
0x153: {  	[timem:s3], [sflag:s2] =	dma.local @!p0 [hbm:s0], s1  }
0x154: {  	s0 =	simm.s32 @!p0 $0xE  }
0x155: {  	_ =	swait.ge @!p0 [sflag:s0], s1  }
0x156: {  	s1 =	ssub.s32 @!p0 $0x0, s1;
	[sflag:s0] =	ssyncset.done @!p0 $0x0  }
0x157: {  	[sflag:s0] =	ssyncadd.s32 @!p0 s1  }
0x158: {  	[bflag:$0x3] =	sbarrier.arrive $0xFFFF  }
0x159: {  	_ =	shalt  }

</sc_bundles>
